<compile_context>
chip_gen: v7x
topology: tpu7x:2x2x1
jax: 0.10.2.dev20260603
libtpu: 0.0.44.dev20260713+nightly
codegen_flags: <defaults>
</compile_context>

<pallas_src>
import numpy as np

import jax
import jax.numpy as jnp
from jax import lax
from jax.experimental import pallas as pl
from jax.experimental.pallas import tpu as pltpu
from jax.experimental.pallas import tpu_sc as plsc

_S = 32
_T = 32
_G = 16
_RADIUS = 1.1
_SCALE = 100.0
_N = 50000

_a64 = _SCALE * np.linspace(-_RADIUS, _RADIUS, _S)
_H_STEP = float(_a64[1] - _a64[0])
_A0 = float(_a64[0])
_INV_H = float(1.0 / _H_STEP)
_EXP_KH = {-1: float(np.exp(_H_STEP)), 1: float(np.exp(-_H_STEP))}

_TC_CHUNK = 4096
_N_TC = 8 * _TC_CHUNK
_NC = 2
_NS = 16
_W = 544
_N_SC_PAD = _NC * _NS * _W
_NPAD = _N_TC + _N_SC_PAD

_HIST = _G * 33 * _T
_CORR = _G * _S * _T
_ACC = _HIST + _CORR
_STRIPE = _ACC // _NS

_H = _S // 2
_C0 = float((_a64[0] + _a64[_H - 1]) / 2.0)
_C1 = float((_a64[_H] + _a64[-1]) / 2.0)
_KCONST = [float(np.exp((_C0 if s < _H else _C1) - _a64[s]))
           for s in range(_S)]


def _sc_body(x0_hbm, x1_hbm, x2_hbm, b_hbm, v_hbm, out_hbm,
             x0_v, x1_v, x2_v, b_v, v_v, acc_v, tmp_v, red_v,
             histg_v, corrg_v, outg_v, slots_sh, red_sh):
    c = lax.axis_index("c")
    sid = lax.axis_index("s")
    wid = c * _NS + sid
    base = _N_TC + wid * _W
    pltpu.sync_copy(x0_hbm.at[pl.ds(base, _W)], x0_v.at[pl.ds(0, _W)])
    pltpu.sync_copy(x1_hbm.at[pl.ds(base, _W)], x1_v.at[pl.ds(0, _W)])
    pltpu.sync_copy(x2_hbm.at[pl.ds(base, _W)], x2_v.at[pl.ds(0, _W)])
    pltpu.sync_copy(b_hbm.at[pl.ds(base, _W)], b_v.at[pl.ds(0, _W)])
    pltpu.sync_copy(v_hbm, v_v)

    zero16 = jnp.zeros((16,), jnp.float32)

    def zbody(i, carry):
        acc_v[pl.ds(i * 16, 16)] = zero16
        return carry

    lax.fori_loop(0, _ACC // 16, zbody, 0)

    vrows = [[v_v[d, pl.ds(hh * 16, 16)] for hh in range(2)] for d in range(3)]
    t_idx = [lax.iota(jnp.int32, 16) + hh * 16 for hh in range(2)]

    def body(n, carry):
        x0 = x0_v[pl.ds(n, 16)][0]
        x1 = x1_v[pl.ds(n, 16)][0]
        x2 = x2_v[pl.ds(n, 16)][0]
        g = b_v[pl.ds(n, 16)][0]
        goff_h = g * (33 * _T)
        goff_c = _HIST + g * (_S * _T)
        valid = jnp.where(base + n < _N, 1.0, 0.0).astype(jnp.float32)
        vvec = valid + zero16
        for hh in range(2):
            bvec = x0 * vrows[0][hh] + x1 * vrows[1][hh] + x2 * vrows[2][hh]
            u = (bvec - _A0) * _INV_H
            bini = jnp.clip(u + 1.0, 0.0, 32.9).astype(jnp.int32)
            plsc.addupdate_scatter(acc_v, [goff_h + bini * _T + t_idx[hh]], vvec)
            s0 = jnp.clip(u + 0.5, 0.0, 31.9).astype(jnp.int32)
            s0f = s0.astype(jnp.float32)
            em = jnp.exp((u - s0f) * _H_STEP)
            for k in (-1, 0, 1):
                e_k = em * _EXP_KH[k] if k else em
                sig = 1.0 / (1.0 + e_k)
                skf = s0f + k
                stepv = jnp.where(u < skf, 1.0, 0.0)
                cval = (sig - stepv) * vvec
                if k == -1:
                    cval = jnp.where(s0 >= 1, cval, 0.0)
                    sk = jnp.maximum(s0 + k, 0)
                elif k == 1:
                    cval = jnp.where(s0 <= 30, cval, 0.0)
                    sk = jnp.minimum(s0 + k, 31)
                else:
                    sk = s0
                plsc.addupdate_scatter(acc_v, [goff_c + sk * _T + t_idx[hh]], cval)
        return carry

    lax.fori_loop(0, _W, body, 0)

    pltpu.sync_copy(acc_v, slots_sh.at[pl.ds(sid * _ACC, _ACC)])
    plsc.subcore_barrier()

    soff = sid * _STRIPE
    for j in range(_NS):
        pltpu.sync_copy(slots_sh.at[pl.ds(j * _ACC + soff, _STRIPE)],
                        tmp_v.at[pl.ds(j * _STRIPE, _STRIPE)])

    def rbody(i, carry):
        acc = tmp_v[pl.ds(i * 16, 16)]
        for j in range(1, _NS):
            acc = acc + tmp_v[pl.ds(j * _STRIPE + i * 16, 16)]
        red_v[pl.ds(i * 16, 16)] = acc
        return carry

    lax.fori_loop(0, _STRIPE // 16, rbody, 0)
    pltpu.sync_copy(red_v, red_sh.at[pl.ds(soff, _STRIPE)])
    plsc.subcore_barrier()

    g = sid
    pltpu.sync_copy(red_sh.at[pl.ds(g * (33 * _T), 33 * _T)], histg_v)
    pltpu.sync_copy(red_sh.at[pl.ds(_HIST + g * (_S * _T), _S * _T)], corrg_v)
    run = [zero16, zero16]
    for s in range(_S):
        for hh in range(2):
            off = s * _T + hh * 16
            run[hh] = run[hh] + histg_v[pl.ds(off, 16)]
            outg_v[pl.ds(off, 16)] = run[hh] + corrg_v[pl.ds(off, 16)]
    pltpu.sync_copy(outg_v, out_hbm.at[c, g])


def _run_sc(x0, x1, x2, bp, vs):
    mesh = plsc.VectorSubcoreMesh(core_axis_name="c", subcore_axis_name="s")
    run = pl.kernel(
        _sc_body,
        out_type=jax.ShapeDtypeStruct((_NC, _G, _S * _T), jnp.float32),
        mesh=mesh,
        compiler_params=pltpu.CompilerParams(
            needs_layout_passes=False, use_tc_tiling_on_sc=False),
        scratch_types=[
            pltpu.VMEM((_W + 16,), jnp.float32),
            pltpu.VMEM((_W + 16,), jnp.float32),
            pltpu.VMEM((_W + 16,), jnp.float32),
            pltpu.VMEM((_W + 16,), jnp.int32),
            pltpu.VMEM((3, _T), jnp.float32),
            pltpu.VMEM((_ACC,), jnp.float32),
            pltpu.VMEM((_NS * _STRIPE,), jnp.float32),
            pltpu.VMEM((_STRIPE,), jnp.float32),
            pltpu.VMEM((33 * _T,), jnp.float32),
            pltpu.VMEM((_S * _T,), jnp.float32),
            pltpu.VMEM((_S * _T,), jnp.float32),
            pltpu.VMEM_SHARED((_NS * _ACC,), jnp.float32),
            pltpu.VMEM_SHARED((_ACC,), jnp.float32),
        ],
    )
    return run(x0, x1, x2, bp, vs)


def _tc_kernel(xt_ref, b_ref, vt_ref, out_ref):
    i = pl.program_id(0)

    @pl.when(i == 0)
    def _init():
        out_ref[...] = jnp.zeros_like(out_ref)

    nh = jnp.dot(vt_ref[...], xt_ref[...],
                 preferred_element_type=jnp.float32)
    e0 = jnp.exp(jnp.clip(nh - _C0, -88.0, 88.0)).astype(jnp.bfloat16)
    e1 = jnp.exp(jnp.clip(nh - _C1, -88.0, 88.0)).astype(jnp.bfloat16)
    one = jnp.bfloat16(1.0)
    blocks = []
    for s in range(_S):
        e = e0 if s < _H else e1
        m1 = one + e * jnp.bfloat16(_KCONST[s])
        blocks.append(one / m1)
    sig = jnp.concatenate(blocks, axis=0)
    seg = b_ref[...]
    oh = (seg == lax.broadcasted_iota(jnp.int32, (1, _G), 1)
          ).astype(jnp.bfloat16)
    out_ref[...] += jnp.dot(sig, oh,
                            preferred_element_type=jnp.float32)


def _run_tc(xt, batch2d, vt):
    st = _S * _T
    grid = _N_TC // _TC_CHUNK
    return pl.pallas_call(
        _tc_kernel,
        grid=(grid,),
        in_specs=[
            pl.BlockSpec((3, _TC_CHUNK), lambda i: (0, i)),
            pl.BlockSpec((_TC_CHUNK, 1), lambda i: (i, 0)),
            pl.BlockSpec((_T, 3), lambda i: (0, 0)),
        ],
        out_specs=pl.BlockSpec((st, _G), lambda i: (0, 0)),
        out_shape=jax.ShapeDtypeStruct((st, _G), jnp.float32),
    )(xt, batch2d, vt)


@jax.jit
def kernel(x, batch, v):
    xp = jnp.pad(x, ((0, _NPAD - _N), (0, 0)))
    bp = jnp.pad(batch, (0, _NPAD - _N)).astype(jnp.int32)
    vs = (_SCALE * v).astype(jnp.float32)
    x0, x1, x2 = xp[:, 0], xp[:, 1], xp[:, 2]
    out_sc = _run_sc(x0, x1, x2, bp, vs)
    xt = xp[:_N_TC].T
    batch2d = bp[:_N_TC].reshape(_N_TC, 1)
    out_tc = _run_tc(xt, batch2d, vs.T)
    return (out_sc.sum(axis=0).reshape(_G, _S, _T)
            + out_tc.T.reshape(_G, _S, _T))

# --- scband reference (transcript-rebuilt; emitter-appended) ---
"""Pipeline reference for scband-ectlayer-29429115912774 (READ-ONLY COPY).

The authoritative reference and input builder live on the scoring server;
editing this copy changes nothing except your own understanding.
"""

import jax, jax.numpy as jnp
import numpy as np

BUMP_STEPS = 32
RADIUS = 1.1
SCALE = 100.0
NUM_SEGMENTS = 16
N_POINTS = 50000
D_AMBIENT = 3
NUM_THETAS = 32


def setup_inputs(seed: int = 0) -> dict:
    key = jax.random.key(seed)
    k1, k2, k3 = jax.random.split(key, 3)
    x = jax.random.normal(k1, (N_POINTS, D_AMBIENT), dtype=jnp.float32)
    # sorted segment ids in [0, NUM_SEGMENTS)
    batch = jnp.sort(jax.random.randint(k2, (N_POINTS,), 0, NUM_SEGMENTS, dtype=jnp.int32))
    # learned/fixed direction parameter v: [d, num_thetas], unit-norm columns scaled by radius
    v = jax.random.normal(k3, (D_AMBIENT, NUM_THETAS), dtype=jnp.float32)
    v = v / jnp.linalg.norm(v, axis=0, keepdims=True)
    return {"x": x, "batch": batch, "v": v}


def reference(x, batch, v):
    # lin buffer: linspace(-radius, radius, bump_steps) with shape [steps,1,1,1]
    lin = jnp.linspace(-RADIUS, RADIUS, BUMP_STEPS, dtype=jnp.float32).reshape(BUMP_STEPS, 1, 1, 1)
    # compute_ect_points: node heights with (default all-ones) node weights
    w_node = jnp.ones((x.shape[0],), dtype=x.dtype)
    nh = (x * w_node[:, None]) @ v  # [N, T]
    nh = nh[None, :, :]  # [1, N, T] (matches torch broadcast with v.ndim==3)
    # compute_ecc
    ecc = jax.nn.sigmoid(SCALE * (lin - nh))  # [steps, 1, N, T]
    ecc = jnp.moveaxis(ecc, 0, 2)  # [1, N, steps, T]
    ecc = jnp.moveaxis(ecc, 0, 1)  # [N, 1, steps, T]
    out = jax.ops.segment_sum(ecc, batch, num_segments=NUM_SEGMENTS)  # [G, 1, steps, T]
    # normalized=False -> squeeze
    return jnp.squeeze(out)  # [G, steps, T]

if __name__ == "__main__":
    import jax
    _d = setup_inputs()
    print(jax.jit(kernel)(*tuple(_d.values())))

</pallas_src>

<mosaic_0001>
#map = affine_map<(d0, d1) -> (0)>
#map1 = affine_map<(d0, d1) -> (0, 0)>
#map2 = affine_map<(d0, d1) -> (0, 0, 0)>
module attributes {stable_mosaic.version = 14 : i64} {
  func.func @_sc_body(%arg0: i32, %arg1: i32, %arg2: memref<50176xf32, #tpu.memory_space<hbm>>, %arg3: memref<50176xf32, #tpu.memory_space<hbm>>, %arg4: memref<50176xf32, #tpu.memory_space<hbm>>, %arg5: memref<50176xi32, #tpu.memory_space<hbm>>, %arg6: memref<3x32xf32, #tpu.memory_space<hbm>>, %arg7: memref<2x16x1024xf32, #tpu.memory_space<hbm>>, %arg8: memref<560xf32, #tpu.memory_space<vmem>>, %arg9: memref<560xf32, #tpu.memory_space<vmem>>, %arg10: memref<560xf32, #tpu.memory_space<vmem>>, %arg11: memref<560xi32, #tpu.memory_space<vmem>>, %arg12: memref<3x32xf32, #tpu.memory_space<vmem>>, %arg13: memref<33280xf32, #tpu.memory_space<vmem>>, %arg14: memref<33280xf32, #tpu.memory_space<vmem>>, %arg15: memref<2080xf32, #tpu.memory_space<vmem>>, %arg16: memref<1056xf32, #tpu.memory_space<vmem>>, %arg17: memref<1024xf32, #tpu.memory_space<vmem>>, %arg18: memref<1024xf32, #tpu.memory_space<vmem>>, %arg19: memref<532480xf32, #tpu.memory_space<vmem_shared>>, %arg20: memref<33280xf32, #tpu.memory_space<vmem_shared>>) attributes {dimension_semantics = [#tpu.dimension_semantics<core_parallel>, #tpu.dimension_semantics<subcore_parallel>], iteration_bounds = array<i64: 2, 16>, scalar_prefetch = 0 : i64, scratch_operands = 13 : i64, tpu.core_type = #tpu.core_type<sc_vector_subcore>, window_params = [{transform_indices = #map}, {transform_indices = #map}, {transform_indices = #map}, {transform_indices = #map}, {transform_indices = #map1}, {transform_indices = #map2}]} {
    %mul3A = arith.constant 16 : i32
    %mul3A_0 = arith.muli %arg0, %mul3A : i32
    %add3A = arith.addi %mul3A_0, %arg1 : i32
    %mul3A_1 = arith.constant 544 : i32
    %mul3A_2 = arith.muli %add3A, %mul3A_1 : i32
    %add3A_3 = arith.constant 32768 : i32
    %add3A_4 = arith.addi %add3A_3, %mul3A_2 : i32
    "tpu.region"() ({
      %run_scoped3A = tpu.sem_alloc : memref<!tpu.dma_semaphore, #tpu.memory_space<semaphore_mem>>
      %dma_start3A = arith.constant 0 : i32
      %dma_start3A_607 = tpu.memref_slice %arg8[%dma_start3A] : memref<560xf32, #tpu.memory_space<vmem>> -> memref<544xf32, #tpu.memory_space<vmem>>
      %dma_start3A_608 = tpu.memref_slice %arg2[%add3A_4] : memref<50176xf32, #tpu.memory_space<hbm>> -> memref<544xf32, #tpu.memory_space<hbm>>
      %dma_start3A_609 = arith.constant 0 : i32
      %dma_start3A_610 = tpu.memref_slice %arg8[%dma_start3A_609] : memref<560xf32, #tpu.memory_space<vmem>> -> memref<544xf32, #tpu.memory_space<vmem>>
      %dma_start3A_611 = tpu.memref_slice %arg2[%add3A_4] : memref<50176xf32, #tpu.memory_space<hbm>> -> memref<544xf32, #tpu.memory_space<hbm>>
      tpu.enqueue_dma source(%dma_start3A_611 : memref<544xf32, #tpu.memory_space<hbm>>) target(%dma_start3A_610 : memref<544xf32, #tpu.memory_space<vmem>>) target_semaphore(%run_scoped3A : memref<!tpu.dma_semaphore, #tpu.memory_space<semaphore_mem>>)
      %dma_wait3A = arith.constant 0 : i32
      %dma_wait3A_612 = tpu.memref_slice %arg8[%dma_wait3A] : memref<560xf32, #tpu.memory_space<vmem>> -> memref<544xf32, #tpu.memory_space<vmem>>
      %dma_wait3A_613 = tpu.memref_slice %arg2[%add3A_4] : memref<50176xf32, #tpu.memory_space<hbm>> -> memref<544xf32, #tpu.memory_space<hbm>>
      %dma_wait3A_614 = arith.constant 0 : i32
      %dma_wait3A_615 = tpu.memref_slice %arg8[%dma_wait3A_614] : memref<560xf32, #tpu.memory_space<vmem>> -> memref<544xf32, #tpu.memory_space<vmem>>
      %dma_wait3A_616 = tpu.memref_slice %arg2[%add3A_4] : memref<50176xf32, #tpu.memory_space<hbm>> -> memref<544xf32, #tpu.memory_space<hbm>>
      tpu.wait_dma2 semaphore(%run_scoped3A : memref<!tpu.dma_semaphore, #tpu.memory_space<semaphore_mem>>) src(%dma_wait3A_616 : memref<544xf32, #tpu.memory_space<hbm>>) dst(%dma_wait3A_615 : memref<544xf32, #tpu.memory_space<vmem>>)
      tpu.yield
    }) : () -> ()
    "tpu.region"() ({
      %run_scoped3A = tpu.sem_alloc : memref<!tpu.dma_semaphore, #tpu.memory_space<semaphore_mem>>
      %dma_start3A = arith.constant 0 : i32
      %dma_start3A_607 = tpu.memref_slice %arg9[%dma_start3A] : memref<560xf32, #tpu.memory_space<vmem>> -> memref<544xf32, #tpu.memory_space<vmem>>
      %dma_start3A_608 = tpu.memref_slice %arg3[%add3A_4] : memref<50176xf32, #tpu.memory_space<hbm>> -> memref<544xf32, #tpu.memory_space<hbm>>
      %dma_start3A_609 = arith.constant 0 : i32
      %dma_start3A_610 = tpu.memref_slice %arg9[%dma_start3A_609] : memref<560xf32, #tpu.memory_space<vmem>> -> memref<544xf32, #tpu.memory_space<vmem>>
      %dma_start3A_611 = tpu.memref_slice %arg3[%add3A_4] : memref<50176xf32, #tpu.memory_space<hbm>> -> memref<544xf32, #tpu.memory_space<hbm>>
      tpu.enqueue_dma source(%dma_start3A_611 : memref<544xf32, #tpu.memory_space<hbm>>) target(%dma_start3A_610 : memref<544xf32, #tpu.memory_space<vmem>>) target_semaphore(%run_scoped3A : memref<!tpu.dma_semaphore, #tpu.memory_space<semaphore_mem>>)
      %dma_wait3A = arith.constant 0 : i32
      %dma_wait3A_612 = tpu.memref_slice %arg9[%dma_wait3A] : memref<560xf32, #tpu.memory_space<vmem>> -> memref<544xf32, #tpu.memory_space<vmem>>
      %dma_wait3A_613 = tpu.memref_slice %arg3[%add3A_4] : memref<50176xf32, #tpu.memory_space<hbm>> -> memref<544xf32, #tpu.memory_space<hbm>>
      %dma_wait3A_614 = arith.constant 0 : i32
      %dma_wait3A_615 = tpu.memref_slice %arg9[%dma_wait3A_614] : memref<560xf32, #tpu.memory_space<vmem>> -> memref<544xf32, #tpu.memory_space<vmem>>
      %dma_wait3A_616 = tpu.memref_slice %arg3[%add3A_4] : memref<50176xf32, #tpu.memory_space<hbm>> -> memref<544xf32, #tpu.memory_space<hbm>>
      tpu.wait_dma2 semaphore(%run_scoped3A : memref<!tpu.dma_semaphore, #tpu.memory_space<semaphore_mem>>) src(%dma_wait3A_616 : memref<544xf32, #tpu.memory_space<hbm>>) dst(%dma_wait3A_615 : memref<544xf32, #tpu.memory_space<vmem>>)
      tpu.yield
    }) : () -> ()
    "tpu.region"() ({
      %run_scoped3A = tpu.sem_alloc : memref<!tpu.dma_semaphore, #tpu.memory_space<semaphore_mem>>
      %dma_start3A = arith.constant 0 : i32
      %dma_start3A_607 = tpu.memref_slice %arg10[%dma_start3A] : memref<560xf32, #tpu.memory_space<vmem>> -> memref<544xf32, #tpu.memory_space<vmem>>
      %dma_start3A_608 = tpu.memref_slice %arg4[%add3A_4] : memref<50176xf32, #tpu.memory_space<hbm>> -> memref<544xf32, #tpu.memory_space<hbm>>
      %dma_start3A_609 = arith.constant 0 : i32
      %dma_start3A_610 = tpu.memref_slice %arg10[%dma_start3A_609] : memref<560xf32, #tpu.memory_space<vmem>> -> memref<544xf32, #tpu.memory_space<vmem>>
      %dma_start3A_611 = tpu.memref_slice %arg4[%add3A_4] : memref<50176xf32, #tpu.memory_space<hbm>> -> memref<544xf32, #tpu.memory_space<hbm>>
      tpu.enqueue_dma source(%dma_start3A_611 : memref<544xf32, #tpu.memory_space<hbm>>) target(%dma_start3A_610 : memref<544xf32, #tpu.memory_space<vmem>>) target_semaphore(%run_scoped3A : memref<!tpu.dma_semaphore, #tpu.memory_space<semaphore_mem>>)
      %dma_wait3A = arith.constant 0 : i32
      %dma_wait3A_612 = tpu.memref_slice %arg10[%dma_wait3A] : memref<560xf32, #tpu.memory_space<vmem>> -> memref<544xf32, #tpu.memory_space<vmem>>
      %dma_wait3A_613 = tpu.memref_slice %arg4[%add3A_4] : memref<50176xf32, #tpu.memory_space<hbm>> -> memref<544xf32, #tpu.memory_space<hbm>>
      %dma_wait3A_614 = arith.constant 0 : i32
      %dma_wait3A_615 = tpu.memref_slice %arg10[%dma_wait3A_614] : memref<560xf32, #tpu.memory_space<vmem>> -> memref<544xf32, #tpu.memory_space<vmem>>
      %dma_wait3A_616 = tpu.memref_slice %arg4[%add3A_4] : memref<50176xf32, #tpu.memory_space<hbm>> -> memref<544xf32, #tpu.memory_space<hbm>>
      tpu.wait_dma2 semaphore(%run_scoped3A : memref<!tpu.dma_semaphore, #tpu.memory_space<semaphore_mem>>) src(%dma_wait3A_616 : memref<544xf32, #tpu.memory_space<hbm>>) dst(%dma_wait3A_615 : memref<544xf32, #tpu.memory_space<vmem>>)
      tpu.yield
    }) : () -> ()
    "tpu.region"() ({
      %run_scoped3A = tpu.sem_alloc : memref<!tpu.dma_semaphore, #tpu.memory_space<semaphore_mem>>
      %dma_start3A = arith.constant 0 : i32
      %dma_start3A_607 = tpu.memref_slice %arg11[%dma_start3A] : memref<560xi32, #tpu.memory_space<vmem>> -> memref<544xi32, #tpu.memory_space<vmem>>
      %dma_start3A_608 = tpu.memref_slice %arg5[%add3A_4] : memref<50176xi32, #tpu.memory_space<hbm>> -> memref<544xi32, #tpu.memory_space<hbm>>
      %dma_start3A_609 = arith.constant 0 : i32
      %dma_start3A_610 = tpu.memref_slice %arg11[%dma_start3A_609] : memref<560xi32, #tpu.memory_space<vmem>> -> memref<544xi32, #tpu.memory_space<vmem>>
      %dma_start3A_611 = tpu.memref_slice %arg5[%add3A_4] : memref<50176xi32, #tpu.memory_space<hbm>> -> memref<544xi32, #tpu.memory_space<hbm>>
      tpu.enqueue_dma source(%dma_start3A_611 : memref<544xi32, #tpu.memory_space<hbm>>) target(%dma_start3A_610 : memref<544xi32, #tpu.memory_space<vmem>>) target_semaphore(%run_scoped3A : memref<!tpu.dma_semaphore, #tpu.memory_space<semaphore_mem>>)
      %dma_wait3A = arith.constant 0 : i32
      %dma_wait3A_612 = tpu.memref_slice %arg11[%dma_wait3A] : memref<560xi32, #tpu.memory_space<vmem>> -> memref<544xi32, #tpu.memory_space<vmem>>
      %dma_wait3A_613 = tpu.memref_slice %arg5[%add3A_4] : memref<50176xi32, #tpu.memory_space<hbm>> -> memref<544xi32, #tpu.memory_space<hbm>>
      %dma_wait3A_614 = arith.constant 0 : i32
      %dma_wait3A_615 = tpu.memref_slice %arg11[%dma_wait3A_614] : memref<560xi32, #tpu.memory_space<vmem>> -> memref<544xi32, #tpu.memory_space<vmem>>
      %dma_wait3A_616 = tpu.memref_slice %arg5[%add3A_4] : memref<50176xi32, #tpu.memory_space<hbm>> -> memref<544xi32, #tpu.memory_space<hbm>>
      tpu.wait_dma2 semaphore(%run_scoped3A : memref<!tpu.dma_semaphore, #tpu.memory_space<semaphore_mem>>) src(%dma_wait3A_616 : memref<544xi32, #tpu.memory_space<hbm>>) dst(%dma_wait3A_615 : memref<544xi32, #tpu.memory_space<vmem>>)
      tpu.yield
    }) : () -> ()
    "tpu.region"() ({
      %run_scoped3A = tpu.sem_alloc : memref<!tpu.dma_semaphore, #tpu.memory_space<semaphore_mem>>
      tpu.enqueue_dma source(%arg6 : memref<3x32xf32, #tpu.memory_space<hbm>>) target(%arg12 : memref<3x32xf32, #tpu.memory_space<vmem>>) target_semaphore(%run_scoped3A : memref<!tpu.dma_semaphore, #tpu.memory_space<semaphore_mem>>)
      tpu.wait_dma2 semaphore(%run_scoped3A : memref<!tpu.dma_semaphore, #tpu.memory_space<semaphore_mem>>) src(%arg6 : memref<3x32xf32, #tpu.memory_space<hbm>>) dst(%arg12 : memref<3x32xf32, #tpu.memory_space<vmem>>)
      tpu.yield
    }) : () -> ()
    %broadcast_in_dim3A = arith.constant 0.000000e+00 : f32
    %broadcast_in_dim3A_5 = vector.broadcast %broadcast_in_dim3A : f32 to vector<16xf32>
    %scan3A = arith.constant 0 : i32
    %scan3A_6 = arith.constant 0 : i32
    %scan3A_7 = arith.constant 2080 : i32
    %scan3A_8 = arith.addi %scan3A_6, %scan3A_7 : i32
    %scan3A_9 = arith.constant 1 : i32
    scf.for %scan3A_607 = %scan3A_6 to %scan3A_8 step %scan3A_9  : i32 {
      %mul3A_608 = arith.constant 16 : i32
      %mul3A_609 = arith.muli %scan3A_607, %mul3A_608 : i32
      %swap3A_610 = arith.index_cast %mul3A_609 : i32 to index
      %swap3A_611 = tpu.vector_load %arg13[%swap3A_610] {strides = array<i32>} : memref<33280xf32, #tpu.memory_space<vmem>>, vector<16xf32>,
      tpu.vector_store %arg13[%swap3A_610], %broadcast_in_dim3A_5 {strides = array<i32>} : memref<33280xf32, #tpu.memory_space<vmem>>, vector<16xf32>,
    }
    %scan3A_10 = arith.constant 2080 : i32
    %get3A = arith.constant 0 : i32
    %get3A_11 = arith.index_cast %get3A : i32 to index
    %get3A_12 = arith.constant 0 : index
    %get3A_13 = tpu.vector_load %arg12[%get3A_11, %get3A_12] {strides = array<i32>} : memref<3x32xf32, #tpu.memory_space<vmem>>, vector<16xf32>,
    %get3A_14 = arith.constant 0 : i32
    %get3A_15 = arith.index_cast %get3A_14 : i32 to index
    %get3A_16 = arith.constant 16 : index
    %get3A_17 = tpu.vector_load %arg12[%get3A_15, %get3A_16] {strides = array<i32>} : memref<3x32xf32, #tpu.memory_space<vmem>>, vector<16xf32>,
    %get3A_18 = arith.constant 1 : i32
    %get3A_19 = arith.index_cast %get3A_18 : i32 to index
    %get3A_20 = arith.constant 0 : index
    %get3A_21 = tpu.vector_load %arg12[%get3A_19, %get3A_20] {strides = array<i32>} : memref<3x32xf32, #tpu.memory_space<vmem>>, vector<16xf32>,
    %get3A_22 = arith.constant 1 : i32
    %get3A_23 = arith.index_cast %get3A_22 : i32 to index
    %get3A_24 = arith.constant 16 : index
    %get3A_25 = tpu.vector_load %arg12[%get3A_23, %get3A_24] {strides = array<i32>} : memref<3x32xf32, #tpu.memory_space<vmem>>, vector<16xf32>,
    %get3A_26 = arith.constant 2 : i32
    %get3A_27 = arith.index_cast %get3A_26 : i32 to index
    %get3A_28 = arith.constant 0 : index
    %get3A_29 = tpu.vector_load %arg12[%get3A_27, %get3A_28] {strides = array<i32>} : memref<3x32xf32, #tpu.memory_space<vmem>>, vector<16xf32>,
    %get3A_30 = arith.constant 2 : i32
    %get3A_31 = arith.index_cast %get3A_30 : i32 to index
    %get3A_32 = arith.constant 16 : index
    %get3A_33 = tpu.vector_load %arg12[%get3A_31, %get3A_32] {strides = array<i32>} : memref<3x32xf32, #tpu.memory_space<vmem>>, vector<16xf32>,
    %iota3A = tpu.iota {dimensions = array<i32: 0>} : vector<16xi32>
    %add3A_34 = arith.constant 0 : i32
    %add3A_35 = vector.broadcast %add3A_34 : i32 to vector<16xi32>
    %add3A_36 = arith.addi %iota3A, %add3A_35 : vector<16xi32>
    %iota3A_37 = tpu.iota {dimensions = array<i32: 0>} : vector<16xi32>
    %add3A_38 = arith.constant 16 : i32
    %add3A_39 = vector.broadcast %add3A_38 : i32 to vector<16xi32>
    %add3A_40 = arith.addi %iota3A_37, %add3A_39 : vector<16xi32>
    %scan3A_41 = arith.constant 0 : i32
    %scan3A_42 = arith.constant 0 : i32
    %scan3A_43 = arith.constant 544 : i32
    %scan3A_44 = arith.addi %scan3A_42, %scan3A_43 : i32
    %scan3A_45 = arith.constant 1 : i32
    scf.for %scan3A_607 = %scan3A_42 to %scan3A_44 step %scan3A_45  : i32 {
      %get3A_608 = arith.index_cast %scan3A_607 : i32 to index
      %get3A_609 = tpu.vector_load %arg8[%get3A_608] {strides = array<i32>} : memref<560xf32, #tpu.memory_space<vmem>>, vector<16xf32>,
      %slice3A = vector.extract_strided_slice %get3A_609 {offsets = [0], sizes = [1], strides = [1]} : vector<16xf32> to vector<1xf32>
      %squeeze3A = vector.extract %slice3A[0] : f32 from vector<1xf32>
      %get3A_610 = arith.index_cast %scan3A_607 : i32 to index
      %get3A_611 = tpu.vector_load %arg9[%get3A_610] {strides = array<i32>} : memref<560xf32, #tpu.memory_space<vmem>>, vector<16xf32>,
      %slice3A_612 = vector.extract_strided_slice %get3A_611 {offsets = [0], sizes = [1], strides = [1]} : vector<16xf32> to vector<1xf32>
      %squeeze3A_613 = vector.extract %slice3A_612[0] : f32 from vector<1xf32>
      %get3A_614 = arith.index_cast %scan3A_607 : i32 to index
      %get3A_615 = tpu.vector_load %arg10[%get3A_614] {strides = array<i32>} : memref<560xf32, #tpu.memory_space<vmem>>, vector<16xf32>,
      %slice3A_616 = vector.extract_strided_slice %get3A_615 {offsets = [0], sizes = [1], strides = [1]} : vector<16xf32> to vector<1xf32>
      %squeeze3A_617 = vector.extract %slice3A_616[0] : f32 from vector<1xf32>
      %get3A_618 = arith.index_cast %scan3A_607 : i32 to index
      %get3A_619 = tpu.vector_load %arg11[%get3A_618] {strides = array<i32>} : memref<560xi32, #tpu.memory_space<vmem>>, vector<16xi32>,
      %slice3A_620 = vector.extract_strided_slice %get3A_619 {offsets = [0], sizes = [1], strides = [1]} : vector<16xi32> to vector<1xi32>
      %squeeze3A_621 = vector.extract %slice3A_620[0] : i32 from vector<1xi32>
      %mul3A_622 = arith.constant 1056 : i32
      %mul3A_623 = arith.muli %squeeze3A_621, %mul3A_622 : i32
      %mul3A_624 = arith.constant 1024 : i32
      %mul3A_625 = arith.muli %squeeze3A_621, %mul3A_624 : i32
      %add3A_626 = arith.constant 16896 : i32
      %add3A_627 = arith.addi %add3A_626, %mul3A_625 : i32
      %add3A_628 = arith.addi %add3A_4, %scan3A_607 : i32
      %lt3A = arith.constant 50000 : i32
      %lt3A_629 = arith.cmpi slt, %add3A_628, %lt3A : i32
      %jit3A = arith.constant 1.000000e+00 : f32
      %jit3A_630 = arith.constant 0.000000e+00 : f32
      %select_n3A = arith.select %lt3A_629, %jit3A, %jit3A_630 : f32
      %add3A_631 = vector.broadcast %select_n3A : f32 to vector<16xf32>
      %add3A_632 = arith.addf %add3A_631, %broadcast_in_dim3A_5 : vector<16xf32>
      %mul3A_633 = vector.broadcast %squeeze3A : f32 to vector<16xf32>
      %mul3A_634 = arith.mulf %mul3A_633, %get3A_13 : vector<16xf32>
      %mul3A_635 = vector.broadcast %squeeze3A_613 : f32 to vector<16xf32>
      %mul3A_636 = arith.mulf %mul3A_635, %get3A_21 : vector<16xf32>
      %add3A_637 = arith.addf %mul3A_634, %mul3A_636 : vector<16xf32>
      %mul3A_638 = vector.broadcast %squeeze3A_617 : f32 to vector<16xf32>
      %mul3A_639 = arith.mulf %mul3A_638, %get3A_29 : vector<16xf32>
      %add3A_640 = arith.addf %add3A_637, %mul3A_639 : vector<16xf32>
      %sub3A = arith.constant -1.100000e+02 : f32
      %sub3A_641 = vector.broadcast %sub3A : f32 to vector<16xf32>
      %sub3A_642 = arith.subf %add3A_640, %sub3A_641 : vector<16xf32>
      %mul3A_643 = arith.constant 0.140909091 : f32
      %mul3A_644 = vector.broadcast %mul3A_643 : f32 to vector<16xf32>
      %mul3A_645 = arith.mulf %sub3A_642, %mul3A_644 : vector<16xf32>
      %add3A_646 = arith.constant 1.000000e+00 : f32
      %add3A_647 = vector.broadcast %add3A_646 : f32 to vector<16xf32>
      %add3A_648 = arith.addf %mul3A_645, %add3A_647 : vector<16xf32>
      %jit3A_649 = arith.constant 0.000000e+00 : f32
      %jit3A_650 = arith.constant 3.290000e+01 : f32
      %max3A = vector.broadcast %jit3A_649 : f32 to vector<16xf32>
      %max3A_651 = arith.maximumf %max3A, %add3A_648 : vector<16xf32>
      %min3A = vector.broadcast %jit3A_650 : f32 to vector<16xf32>
      %min3A_652 = arith.minimumf %min3A, %max3A_651 : vector<16xf32>
      %convert_element_type3A = arith.fptosi %min3A_652 : vector<16xf32> to vector<16xi32>
      %mul3A_653 = arith.constant 32 : i32
      %mul3A_654 = vector.broadcast %mul3A_653 : i32 to vector<16xi32>
      %mul3A_655 = arith.muli %convert_element_type3A, %mul3A_654 : vector<16xi32>
      %add3A_656 = vector.broadcast %mul3A_623 : i32 to vector<16xi32>
      %add3A_657 = arith.addi %add3A_656, %mul3A_655 : vector<16xi32>
      %add3A_658 = arith.addi %add3A_657, %add3A_36 : vector<16xi32>
      tpu.vector_store_idx %arg13[%add3A_658], %add3A_632 {add = true} : memref<33280xf32, #tpu.memory_space<vmem>>[vector<16xi32>], vector<16xf32>,
      %add3A_659 = arith.constant 5.000000e-01 : f32
      %add3A_660 = vector.broadcast %add3A_659 : f32 to vector<16xf32>
      %add3A_661 = arith.addf %mul3A_645, %add3A_660 : vector<16xf32>
      %jit3A_662 = arith.constant 0.000000e+00 : f32
      %jit3A_663 = arith.constant 3.190000e+01 : f32
      %max3A_664 = vector.broadcast %jit3A_662 : f32 to vector<16xf32>
      %max3A_665 = arith.maximumf %max3A_664, %add3A_661 : vector<16xf32>
      %min3A_666 = vector.broadcast %jit3A_663 : f32 to vector<16xf32>
      %min3A_667 = arith.minimumf %min3A_666, %max3A_665 : vector<16xf32>
      %convert_element_type3A_668 = arith.fptosi %min3A_667 : vector<16xf32> to vector<16xi32>
      %convert_element_type3A_669 = arith.sitofp %convert_element_type3A_668 : vector<16xi32> to vector<16xf32>
      %sub3A_670 = arith.subf %mul3A_645, %convert_element_type3A_669 : vector<16xf32>
      %mul3A_671 = arith.constant 7.0967741 : f32
      %mul3A_672 = vector.broadcast %mul3A_671 : f32 to vector<16xf32>
      %mul3A_673 = arith.mulf %sub3A_670, %mul3A_672 : vector<16xf32>
      %exp3A = math.exp %mul3A_673 : vector<16xf32>
      %mul3A_674 = arith.constant 1208.06384 : f32
      %mul3A_675 = vector.broadcast %mul3A_674 : f32 to vector<16xf32>
      %mul3A_676 = arith.mulf %exp3A, %mul3A_675 : vector<16xf32>
      %add3A_677 = arith.constant 1.000000e+00 : f32
      %add3A_678 = vector.broadcast %add3A_677 : f32 to vector<16xf32>
      %add3A_679 = arith.addf %add3A_678, %mul3A_676 : vector<16xf32>
      %div3A = arith.constant 1.000000e+00 : f32
      %div3A_680 = vector.broadcast %div3A : f32 to vector<16xf32>
      %div3A_681 = arith.divf %div3A_680, %add3A_679 : vector<16xf32>
      %add3A_682 = arith.constant -1.000000e+00 : f32
      %add3A_683 = vector.broadcast %add3A_682 : f32 to vector<16xf32>
      %add3A_684 = arith.addf %convert_element_type3A_669, %add3A_683 : vector<16xf32>
      %lt3A_685 = arith.cmpf olt, %mul3A_645, %add3A_684 : vector<16xf32>
      %jit3A_686 = arith.constant 1.000000e+00 : f32
      %jit3A_687 = arith.constant 0.000000e+00 : f32
      %broadcast_in_dim3A_688 = vector.broadcast %jit3A_686 : f32 to vector<16xf32>
      %broadcast_in_dim3A_689 = vector.broadcast %jit3A_687 : f32 to vector<16xf32>
      %select_n3A_690 = arith.select %lt3A_685, %broadcast_in_dim3A_688, %broadcast_in_dim3A_689 : vector<16xi1>, vector<16xf32>
      %sub3A_691 = arith.subf %div3A_681, %select_n3A_690 : vector<16xf32>
      %mul3A_692 = arith.mulf %sub3A_691, %add3A_632 : vector<16xf32>
      %ge3A = arith.constant 1 : i32
      %ge3A_693 = vector.broadcast %ge3A : i32 to vector<16xi32>
      %ge3A_694 = arith.cmpi sge, %convert_element_type3A_668, %ge3A_693 : vector<16xi32>
      %jit3A_695 = arith.constant 0.000000e+00 : f32
      %broadcast_in_dim3A_696 = vector.broadcast %jit3A_695 : f32 to vector<16xf32>
      %select_n3A_697 = arith.select %ge3A_694, %mul3A_692, %broadcast_in_dim3A_696 : vector<16xi1>, vector<16xf32>
      %add3A_698 = arith.constant -1 : i32
      %add3A_699 = vector.broadcast %add3A_698 : i32 to vector<16xi32>
      %add3A_700 = arith.addi %convert_element_type3A_668, %add3A_699 : vector<16xi32>
      %max3A_701 = arith.constant 0 : i32
      %max3A_702 = vector.broadcast %max3A_701 : i32 to vector<16xi32>
      %max3A_703 = arith.maxsi %add3A_700, %max3A_702 : vector<16xi32>
      %mul3A_704 = arith.constant 32 : i32
      %mul3A_705 = vector.broadcast %mul3A_704 : i32 to vector<16xi32>
      %mul3A_706 = arith.muli %max3A_703, %mul3A_705 : vector<16xi32>
      %add3A_707 = vector.broadcast %add3A_627 : i32 to vector<16xi32>
      %add3A_708 = arith.addi %add3A_707, %mul3A_706 : vector<16xi32>
      %add3A_709 = arith.addi %add3A_708, %add3A_36 : vector<16xi32>
      tpu.vector_store_idx %arg13[%add3A_709], %select_n3A_697 {add = true} : memref<33280xf32, #tpu.memory_space<vmem>>[vector<16xi32>], vector<16xf32>,
      %add3A_710 = arith.constant 1.000000e+00 : f32
      %add3A_711 = vector.broadcast %add3A_710 : f32 to vector<16xf32>
      %add3A_712 = arith.addf %add3A_711, %exp3A : vector<16xf32>
      %div3A_713 = arith.constant 1.000000e+00 : f32
      %div3A_714 = vector.broadcast %div3A_713 : f32 to vector<16xf32>
      %div3A_715 = arith.divf %div3A_714, %add3A_712 : vector<16xf32>
      %add3A_716 = arith.constant 0.000000e+00 : f32
      %add3A_717 = vector.broadcast %add3A_716 : f32 to vector<16xf32>
      %add3A_718 = arith.addf %convert_element_type3A_669, %add3A_717 : vector<16xf32>
      %lt3A_719 = arith.cmpf olt, %mul3A_645, %add3A_718 : vector<16xf32>
      %jit3A_720 = arith.constant 1.000000e+00 : f32
      %jit3A_721 = arith.constant 0.000000e+00 : f32
      %broadcast_in_dim3A_722 = vector.broadcast %jit3A_720 : f32 to vector<16xf32>
      %broadcast_in_dim3A_723 = vector.broadcast %jit3A_721 : f32 to vector<16xf32>
      %select_n3A_724 = arith.select %lt3A_719, %broadcast_in_dim3A_722, %broadcast_in_dim3A_723 : vector<16xi1>, vector<16xf32>
      %sub3A_725 = arith.subf %div3A_715, %select_n3A_724 : vector<16xf32>
      %mul3A_726 = arith.mulf %sub3A_725, %add3A_632 : vector<16xf32>
      %mul3A_727 = arith.constant 32 : i32
      %mul3A_728 = vector.broadcast %mul3A_727 : i32 to vector<16xi32>
      %mul3A_729 = arith.muli %convert_element_type3A_668, %mul3A_728 : vector<16xi32>
      %add3A_730 = vector.broadcast %add3A_627 : i32 to vector<16xi32>
      %add3A_731 = arith.addi %add3A_730, %mul3A_729 : vector<16xi32>
      %add3A_732 = arith.addi %add3A_731, %add3A_36 : vector<16xi32>
      tpu.vector_store_idx %arg13[%add3A_732], %mul3A_726 {add = true} : memref<33280xf32, #tpu.memory_space<vmem>>[vector<16xi32>], vector<16xf32>,
      %mul3A_733 = arith.constant 8.27770855E-4 : f32
      %mul3A_734 = vector.broadcast %mul3A_733 : f32 to vector<16xf32>
      %mul3A_735 = arith.mulf %exp3A, %mul3A_734 : vector<16xf32>
      %add3A_736 = arith.constant 1.000000e+00 : f32
      %add3A_737 = vector.broadcast %add3A_736 : f32 to vector<16xf32>
      %add3A_738 = arith.addf %add3A_737, %mul3A_735 : vector<16xf32>
      %div3A_739 = arith.constant 1.000000e+00 : f32
      %div3A_740 = vector.broadcast %div3A_739 : f32 to vector<16xf32>
      %div3A_741 = arith.divf %div3A_740, %add3A_738 : vector<16xf32>
      %add3A_742 = arith.constant 1.000000e+00 : f32
      %add3A_743 = vector.broadcast %add3A_742 : f32 to vector<16xf32>
      %add3A_744 = arith.addf %convert_element_type3A_669, %add3A_743 : vector<16xf32>
      %lt3A_745 = arith.cmpf olt, %mul3A_645, %add3A_744 : vector<16xf32>
      %jit3A_746 = arith.constant 1.000000e+00 : f32
      %jit3A_747 = arith.constant 0.000000e+00 : f32
      %broadcast_in_dim3A_748 = vector.broadcast %jit3A_746 : f32 to vector<16xf32>
      %broadcast_in_dim3A_749 = vector.broadcast %jit3A_747 : f32 to vector<16xf32>
      %select_n3A_750 = arith.select %lt3A_745, %broadcast_in_dim3A_748, %broadcast_in_dim3A_749 : vector<16xi1>, vector<16xf32>
      %sub3A_751 = arith.subf %div3A_741, %select_n3A_750 : vector<16xf32>
      %mul3A_752 = arith.mulf %sub3A_751, %add3A_632 : vector<16xf32>
      %le3A = arith.constant 30 : i32
      %le3A_753 = vector.broadcast %le3A : i32 to vector<16xi32>
      %le3A_754 = arith.cmpi sle, %convert_element_type3A_668, %le3A_753 : vector<16xi32>
      %jit3A_755 = arith.constant 0.000000e+00 : f32
      %broadcast_in_dim3A_756 = vector.broadcast %jit3A_755 : f32 to vector<16xf32>
      %select_n3A_757 = arith.select %le3A_754, %mul3A_752, %broadcast_in_dim3A_756 : vector<16xi1>, vector<16xf32>
      %add3A_758 = arith.constant 1 : i32
      %add3A_759 = vector.broadcast %add3A_758 : i32 to vector<16xi32>
      %add3A_760 = arith.addi %convert_element_type3A_668, %add3A_759 : vector<16xi32>
      %min3A_761 = arith.constant 31 : i32
      %min3A_762 = vector.broadcast %min3A_761 : i32 to vector<16xi32>
      %min3A_763 = arith.minsi %add3A_760, %min3A_762 : vector<16xi32>
      %mul3A_764 = arith.constant 32 : i32
      %mul3A_765 = vector.broadcast %mul3A_764 : i32 to vector<16xi32>
      %mul3A_766 = arith.muli %min3A_763, %mul3A_765 : vector<16xi32>
      %add3A_767 = vector.broadcast %add3A_627 : i32 to vector<16xi32>
      %add3A_768 = arith.addi %add3A_767, %mul3A_766 : vector<16xi32>
      %add3A_769 = arith.addi %add3A_768, %add3A_36 : vector<16xi32>
      tpu.vector_store_idx %arg13[%add3A_769], %select_n3A_757 {add = true} : memref<33280xf32, #tpu.memory_space<vmem>>[vector<16xi32>], vector<16xf32>,
      %mul3A_770 = vector.broadcast %squeeze3A : f32 to vector<16xf32>
      %mul3A_771 = arith.mulf %mul3A_770, %get3A_17 : vector<16xf32>
      %mul3A_772 = vector.broadcast %squeeze3A_613 : f32 to vector<16xf32>
      %mul3A_773 = arith.mulf %mul3A_772, %get3A_25 : vector<16xf32>
      %add3A_774 = arith.addf %mul3A_771, %mul3A_773 : vector<16xf32>
      %mul3A_775 = vector.broadcast %squeeze3A_617 : f32 to vector<16xf32>
      %mul3A_776 = arith.mulf %mul3A_775, %get3A_33 : vector<16xf32>
      %add3A_777 = arith.addf %add3A_774, %mul3A_776 : vector<16xf32>
      %sub3A_778 = arith.constant -1.100000e+02 : f32
      %sub3A_779 = vector.broadcast %sub3A_778 : f32 to vector<16xf32>
      %sub3A_780 = arith.subf %add3A_777, %sub3A_779 : vector<16xf32>
      %mul3A_781 = arith.constant 0.140909091 : f32
      %mul3A_782 = vector.broadcast %mul3A_781 : f32 to vector<16xf32>
      %mul3A_783 = arith.mulf %sub3A_780, %mul3A_782 : vector<16xf32>
      %add3A_784 = arith.constant 1.000000e+00 : f32
      %add3A_785 = vector.broadcast %add3A_784 : f32 to vector<16xf32>
      %add3A_786 = arith.addf %mul3A_783, %add3A_785 : vector<16xf32>
      %jit3A_787 = arith.constant 0.000000e+00 : f32
      %jit3A_788 = arith.constant 3.290000e+01 : f32
      %max3A_789 = vector.broadcast %jit3A_787 : f32 to vector<16xf32>
      %max3A_790 = arith.maximumf %max3A_789, %add3A_786 : vector<16xf32>
      %min3A_791 = vector.broadcast %jit3A_788 : f32 to vector<16xf32>
      %min3A_792 = arith.minimumf %min3A_791, %max3A_790 : vector<16xf32>
      %convert_element_type3A_793 = arith.fptosi %min3A_792 : vector<16xf32> to vector<16xi32>
      %mul3A_794 = arith.constant 32 : i32
      %mul3A_795 = vector.broadcast %mul3A_794 : i32 to vector<16xi32>
      %mul3A_796 = arith.muli %convert_element_type3A_793, %mul3A_795 : vector<16xi32>
      %add3A_797 = vector.broadcast %mul3A_623 : i32 to vector<16xi32>
      %add3A_798 = arith.addi %add3A_797, %mul3A_796 : vector<16xi32>
      %add3A_799 = arith.addi %add3A_798, %add3A_40 : vector<16xi32>
      tpu.vector_store_idx %arg13[%add3A_799], %add3A_632 {add = true} : memref<33280xf32, #tpu.memory_space<vmem>>[vector<16xi32>], vector<16xf32>,
      %add3A_800 = arith.constant 5.000000e-01 : f32
      %add3A_801 = vector.broadcast %add3A_800 : f32 to vector<16xf32>
      %add3A_802 = arith.addf %mul3A_783, %add3A_801 : vector<16xf32>
      %jit3A_803 = arith.constant 0.000000e+00 : f32
      %jit3A_804 = arith.constant 3.190000e+01 : f32
      %max3A_805 = vector.broadcast %jit3A_803 : f32 to vector<16xf32>
      %max3A_806 = arith.maximumf %max3A_805, %add3A_802 : vector<16xf32>
      %min3A_807 = vector.broadcast %jit3A_804 : f32 to vector<16xf32>
      %min3A_808 = arith.minimumf %min3A_807, %max3A_806 : vector<16xf32>
      %convert_element_type3A_809 = arith.fptosi %min3A_808 : vector<16xf32> to vector<16xi32>
      %convert_element_type3A_810 = arith.sitofp %convert_element_type3A_809 : vector<16xi32> to vector<16xf32>
      %sub3A_811 = arith.subf %mul3A_783, %convert_element_type3A_810 : vector<16xf32>
      %mul3A_812 = arith.constant 7.0967741 : f32
      %mul3A_813 = vector.broadcast %mul3A_812 : f32 to vector<16xf32>
      %mul3A_814 = arith.mulf %sub3A_811, %mul3A_813 : vector<16xf32>
      %exp3A_815 = math.exp %mul3A_814 : vector<16xf32>
      %mul3A_816 = arith.constant 1208.06384 : f32
      %mul3A_817 = vector.broadcast %mul3A_816 : f32 to vector<16xf32>
      %mul3A_818 = arith.mulf %exp3A_815, %mul3A_817 : vector<16xf32>
      %add3A_819 = arith.constant 1.000000e+00 : f32
      %add3A_820 = vector.broadcast %add3A_819 : f32 to vector<16xf32>
      %add3A_821 = arith.addf %add3A_820, %mul3A_818 : vector<16xf32>
      %div3A_822 = arith.constant 1.000000e+00 : f32
      %div3A_823 = vector.broadcast %div3A_822 : f32 to vector<16xf32>
      %div3A_824 = arith.divf %div3A_823, %add3A_821 : vector<16xf32>
      %add3A_825 = arith.constant -1.000000e+00 : f32
      %add3A_826 = vector.broadcast %add3A_825 : f32 to vector<16xf32>
      %add3A_827 = arith.addf %convert_element_type3A_810, %add3A_826 : vector<16xf32>
      %lt3A_828 = arith.cmpf olt, %mul3A_783, %add3A_827 : vector<16xf32>
      %jit3A_829 = arith.constant 1.000000e+00 : f32
      %jit3A_830 = arith.constant 0.000000e+00 : f32
      %broadcast_in_dim3A_831 = vector.broadcast %jit3A_829 : f32 to vector<16xf32>
      %broadcast_in_dim3A_832 = vector.broadcast %jit3A_830 : f32 to vector<16xf32>
      %select_n3A_833 = arith.select %lt3A_828, %broadcast_in_dim3A_831, %broadcast_in_dim3A_832 : vector<16xi1>, vector<16xf32>
      %sub3A_834 = arith.subf %div3A_824, %select_n3A_833 : vector<16xf32>
      %mul3A_835 = arith.mulf %sub3A_834, %add3A_632 : vector<16xf32>
      %ge3A_836 = arith.constant 1 : i32
      %ge3A_837 = vector.broadcast %ge3A_836 : i32 to vector<16xi32>
      %ge3A_838 = arith.cmpi sge, %convert_element_type3A_809, %ge3A_837 : vector<16xi32>
      %jit3A_839 = arith.constant 0.000000e+00 : f32
      %broadcast_in_dim3A_840 = vector.broadcast %jit3A_839 : f32 to vector<16xf32>
      %select_n3A_841 = arith.select %ge3A_838, %mul3A_835, %broadcast_in_dim3A_840 : vector<16xi1>, vector<16xf32>
      %add3A_842 = arith.constant -1 : i32
      %add3A_843 = vector.broadcast %add3A_842 : i32 to vector<16xi32>
      %add3A_844 = arith.addi %convert_element_type3A_809, %add3A_843 : vector<16xi32>
      %max3A_845 = arith.constant 0 : i32
      %max3A_846 = vector.broadcast %max3A_845 : i32 to vector<16xi32>
      %max3A_847 = arith.maxsi %add3A_844, %max3A_846 : vector<16xi32>
      %mul3A_848 = arith.constant 32 : i32
      %mul3A_849 = vector.broadcast %mul3A_848 : i32 to vector<16xi32>
      %mul3A_850 = arith.muli %max3A_847, %mul3A_849 : vector<16xi32>
      %add3A_851 = vector.broadcast %add3A_627 : i32 to vector<16xi32>
      %add3A_852 = arith.addi %add3A_851, %mul3A_850 : vector<16xi32>
      %add3A_853 = arith.addi %add3A_852, %add3A_40 : vector<16xi32>
      tpu.vector_store_idx %arg13[%add3A_853], %select_n3A_841 {add = true} : memref<33280xf32, #tpu.memory_space<vmem>>[vector<16xi32>], vector<16xf32>,
      %add3A_854 = arith.constant 1.000000e+00 : f32
      %add3A_855 = vector.broadcast %add3A_854 : f32 to vector<16xf32>
      %add3A_856 = arith.addf %add3A_855, %exp3A_815 : vector<16xf32>
      %div3A_857 = arith.constant 1.000000e+00 : f32
      %div3A_858 = vector.broadcast %div3A_857 : f32 to vector<16xf32>
      %div3A_859 = arith.divf %div3A_858, %add3A_856 : vector<16xf32>
      %add3A_860 = arith.constant 0.000000e+00 : f32
      %add3A_861 = vector.broadcast %add3A_860 : f32 to vector<16xf32>
      %add3A_862 = arith.addf %convert_element_type3A_810, %add3A_861 : vector<16xf32>
      %lt3A_863 = arith.cmpf olt, %mul3A_783, %add3A_862 : vector<16xf32>
      %jit3A_864 = arith.constant 1.000000e+00 : f32
      %jit3A_865 = arith.constant 0.000000e+00 : f32
      %broadcast_in_dim3A_866 = vector.broadcast %jit3A_864 : f32 to vector<16xf32>
      %broadcast_in_dim3A_867 = vector.broadcast %jit3A_865 : f32 to vector<16xf32>
      %select_n3A_868 = arith.select %lt3A_863, %broadcast_in_dim3A_866, %broadcast_in_dim3A_867 : vector<16xi1>, vector<16xf32>
      %sub3A_869 = arith.subf %div3A_859, %select_n3A_868 : vector<16xf32>
      %mul3A_870 = arith.mulf %sub3A_869, %add3A_632 : vector<16xf32>
      %mul3A_871 = arith.constant 32 : i32
      %mul3A_872 = vector.broadcast %mul3A_871 : i32 to vector<16xi32>
      %mul3A_873 = arith.muli %convert_element_type3A_809, %mul3A_872 : vector<16xi32>
      %add3A_874 = vector.broadcast %add3A_627 : i32 to vector<16xi32>
      %add3A_875 = arith.addi %add3A_874, %mul3A_873 : vector<16xi32>
      %add3A_876 = arith.addi %add3A_875, %add3A_40 : vector<16xi32>
      tpu.vector_store_idx %arg13[%add3A_876], %mul3A_870 {add = true} : memref<33280xf32, #tpu.memory_space<vmem>>[vector<16xi32>], vector<16xf32>,
      %mul3A_877 = arith.constant 8.27770855E-4 : f32
      %mul3A_878 = vector.broadcast %mul3A_877 : f32 to vector<16xf32>
      %mul3A_879 = arith.mulf %exp3A_815, %mul3A_878 : vector<16xf32>
      %add3A_880 = arith.constant 1.000000e+00 : f32
      %add3A_881 = vector.broadcast %add3A_880 : f32 to vector<16xf32>
      %add3A_882 = arith.addf %add3A_881, %mul3A_879 : vector<16xf32>
      %div3A_883 = arith.constant 1.000000e+00 : f32
      %div3A_884 = vector.broadcast %div3A_883 : f32 to vector<16xf32>
      %div3A_885 = arith.divf %div3A_884, %add3A_882 : vector<16xf32>
      %add3A_886 = arith.constant 1.000000e+00 : f32
      %add3A_887 = vector.broadcast %add3A_886 : f32 to vector<16xf32>
      %add3A_888 = arith.addf %convert_element_type3A_810, %add3A_887 : vector<16xf32>
      %lt3A_889 = arith.cmpf olt, %mul3A_783, %add3A_888 : vector<16xf32>
      %jit3A_890 = arith.constant 1.000000e+00 : f32
      %jit3A_891 = arith.constant 0.000000e+00 : f32
      %broadcast_in_dim3A_892 = vector.broadcast %jit3A_890 : f32 to vector<16xf32>
      %broadcast_in_dim3A_893 = vector.broadcast %jit3A_891 : f32 to vector<16xf32>
      %select_n3A_894 = arith.select %lt3A_889, %broadcast_in_dim3A_892, %broadcast_in_dim3A_893 : vector<16xi1>, vector<16xf32>
      %sub3A_895 = arith.subf %div3A_885, %select_n3A_894 : vector<16xf32>
      %mul3A_896 = arith.mulf %sub3A_895, %add3A_632 : vector<16xf32>
      %le3A_897 = arith.constant 30 : i32
      %le3A_898 = vector.broadcast %le3A_897 : i32 to vector<16xi32>
      %le3A_899 = arith.cmpi sle, %convert_element_type3A_809, %le3A_898 : vector<16xi32>
      %jit3A_900 = arith.constant 0.000000e+00 : f32
      %broadcast_in_dim3A_901 = vector.broadcast %jit3A_900 : f32 to vector<16xf32>
      %select_n3A_902 = arith.select %le3A_899, %mul3A_896, %broadcast_in_dim3A_901 : vector<16xi1>, vector<16xf32>
      %add3A_903 = arith.constant 1 : i32
      %add3A_904 = vector.broadcast %add3A_903 : i32 to vector<16xi32>
      %add3A_905 = arith.addi %convert_element_type3A_809, %add3A_904 : vector<16xi32>
      %min3A_906 = arith.constant 31 : i32
      %min3A_907 = vector.broadcast %min3A_906 : i32 to vector<16xi32>
      %min3A_908 = arith.minsi %add3A_905, %min3A_907 : vector<16xi32>
      %mul3A_909 = arith.constant 32 : i32
      %mul3A_910 = vector.broadcast %mul3A_909 : i32 to vector<16xi32>
      %mul3A_911 = arith.muli %min3A_908, %mul3A_910 : vector<16xi32>
      %add3A_912 = vector.broadcast %add3A_627 : i32 to vector<16xi32>
      %add3A_913 = arith.addi %add3A_912, %mul3A_911 : vector<16xi32>
      %add3A_914 = arith.addi %add3A_913, %add3A_40 : vector<16xi32>
      tpu.vector_store_idx %arg13[%add3A_914], %select_n3A_902 {add = true} : memref<33280xf32, #tpu.memory_space<vmem>>[vector<16xi32>], vector<16xf32>,
    }
    %scan3A_46 = arith.constant 544 : i32
    %mul3A_47 = arith.constant 33280 : i32
    %mul3A_48 = arith.muli %arg1, %mul3A_47 : i32
    "tpu.region"() ({
      %run_scoped3A = tpu.sem_alloc : memref<!tpu.dma_semaphore, #tpu.memory_space<semaphore_mem>>
      %dma_start3A = tpu.memref_slice %arg19[%mul3A_48] : memref<532480xf32, #tpu.memory_space<vmem_shared>> -> memref<33280xf32, #tpu.memory_space<vmem_shared>>
      %dma_start3A_607 = tpu.memref_slice %arg19[%mul3A_48] : memref<532480xf32, #tpu.memory_space<vmem_shared>> -> memref<33280xf32, #tpu.memory_space<vmem_shared>>
      tpu.enqueue_dma source(%arg13 : memref<33280xf32, #tpu.memory_space<vmem>>) target(%dma_start3A_607 : memref<33280xf32, #tpu.memory_space<vmem_shared>>) target_semaphore(%run_scoped3A : memref<!tpu.dma_semaphore, #tpu.memory_space<semaphore_mem>>)
      %dma_wait3A = tpu.memref_slice %arg19[%mul3A_48] : memref<532480xf32, #tpu.memory_space<vmem_shared>> -> memref<33280xf32, #tpu.memory_space<vmem_shared>>
      %dma_wait3A_608 = tpu.memref_slice %arg19[%mul3A_48] : memref<532480xf32, #tpu.memory_space<vmem_shared>> -> memref<33280xf32, #tpu.memory_space<vmem_shared>>
      tpu.wait_dma2 semaphore(%run_scoped3A : memref<!tpu.dma_semaphore, #tpu.memory_space<semaphore_mem>>) src(%arg13 : memref<33280xf32, #tpu.memory_space<vmem>>) dst(%dma_wait3A_608 : memref<33280xf32, #tpu.memory_space<vmem_shared>>)
      tpu.yield
    }) : () -> ()
    %barrier3A = arith.constant 0 : index
    tpu.barrier barrier_id(%barrier3A)
    %mul3A_49 = arith.constant 2080 : i32
    %mul3A_50 = arith.muli %arg1, %mul3A_49 : i32
    %add3A_51 = arith.constant 0 : i32
    %add3A_52 = arith.addi %add3A_51, %mul3A_50 : i32
    "tpu.region"() ({
      %run_scoped3A = tpu.sem_alloc : memref<!tpu.dma_semaphore, #tpu.memory_space<semaphore_mem>>
      %dma_start3A = arith.constant 0 : i32
      %dma_start3A_607 = tpu.memref_slice %arg14[%dma_start3A] : memref<33280xf32, #tpu.memory_space<vmem>> -> memref<2080xf32, #tpu.memory_space<vmem>>
      %dma_start3A_608 = tpu.memref_slice %arg19[%add3A_52] : memref<532480xf32, #tpu.memory_space<vmem_shared>> -> memref<2080xf32, #tpu.memory_space<vmem_shared>>
      %dma_start3A_609 = arith.constant 0 : i32
      %dma_start3A_610 = tpu.memref_slice %arg14[%dma_start3A_609] : memref<33280xf32, #tpu.memory_space<vmem>> -> memref<2080xf32, #tpu.memory_space<vmem>>
      %dma_start3A_611 = tpu.memref_slice %arg19[%add3A_52] : memref<532480xf32, #tpu.memory_space<vmem_shared>> -> memref<2080xf32, #tpu.memory_space<vmem_shared>>
      tpu.enqueue_dma source(%dma_start3A_611 : memref<2080xf32, #tpu.memory_space<vmem_shared>>) target(%dma_start3A_610 : memref<2080xf32, #tpu.memory_space<vmem>>) target_semaphore(%run_scoped3A : memref<!tpu.dma_semaphore, #tpu.memory_space<semaphore_mem>>)
      %dma_wait3A = arith.constant 0 : i32
      %dma_wait3A_612 = tpu.memref_slice %arg14[%dma_wait3A] : memref<33280xf32, #tpu.memory_space<vmem>> -> memref<2080xf32, #tpu.memory_space<vmem>>
      %dma_wait3A_613 = tpu.memref_slice %arg19[%add3A_52] : memref<532480xf32, #tpu.memory_space<vmem_shared>> -> memref<2080xf32, #tpu.memory_space<vmem_shared>>
      %dma_wait3A_614 = arith.constant 0 : i32
      %dma_wait3A_615 = tpu.memref_slice %arg14[%dma_wait3A_614] : memref<33280xf32, #tpu.memory_space<vmem>> -> memref<2080xf32, #tpu.memory_space<vmem>>
      %dma_wait3A_616 = tpu.memref_slice %arg19[%add3A_52] : memref<532480xf32, #tpu.memory_space<vmem_shared>> -> memref<2080xf32, #tpu.memory_space<vmem_shared>>
      tpu.wait_dma2 semaphore(%run_scoped3A : memref<!tpu.dma_semaphore, #tpu.memory_space<semaphore_mem>>) src(%dma_wait3A_616 : memref<2080xf32, #tpu.memory_space<vmem_shared>>) dst(%dma_wait3A_615 : memref<2080xf32, #tpu.memory_space<vmem>>)
      tpu.yield
    }) : () -> ()
    %add3A_53 = arith.constant 33280 : i32
    %add3A_54 = arith.addi %add3A_53, %mul3A_50 : i32
    "tpu.region"() ({
      %run_scoped3A = tpu.sem_alloc : memref<!tpu.dma_semaphore, #tpu.memory_space<semaphore_mem>>
      %dma_start3A = arith.constant 2080 : i32
      %dma_start3A_607 = tpu.memref_slice %arg14[%dma_start3A] : memref<33280xf32, #tpu.memory_space<vmem>> -> memref<2080xf32, #tpu.memory_space<vmem>>
      %dma_start3A_608 = tpu.memref_slice %arg19[%add3A_54] : memref<532480xf32, #tpu.memory_space<vmem_shared>> -> memref<2080xf32, #tpu.memory_space<vmem_shared>>
      %dma_start3A_609 = arith.constant 2080 : i32
      %dma_start3A_610 = tpu.memref_slice %arg14[%dma_start3A_609] : memref<33280xf32, #tpu.memory_space<vmem>> -> memref<2080xf32, #tpu.memory_space<vmem>>
      %dma_start3A_611 = tpu.memref_slice %arg19[%add3A_54] : memref<532480xf32, #tpu.memory_space<vmem_shared>> -> memref<2080xf32, #tpu.memory_space<vmem_shared>>
      tpu.enqueue_dma source(%dma_start3A_611 : memref<2080xf32, #tpu.memory_space<vmem_shared>>) target(%dma_start3A_610 : memref<2080xf32, #tpu.memory_space<vmem>>) target_semaphore(%run_scoped3A : memref<!tpu.dma_semaphore, #tpu.memory_space<semaphore_mem>>)
      %dma_wait3A = arith.constant 2080 : i32
      %dma_wait3A_612 = tpu.memref_slice %arg14[%dma_wait3A] : memref<33280xf32, #tpu.memory_space<vmem>> -> memref<2080xf32, #tpu.memory_space<vmem>>
      %dma_wait3A_613 = tpu.memref_slice %arg19[%add3A_54] : memref<532480xf32, #tpu.memory_space<vmem_shared>> -> memref<2080xf32, #tpu.memory_space<vmem_shared>>
      %dma_wait3A_614 = arith.constant 2080 : i32
      %dma_wait3A_615 = tpu.memref_slice %arg14[%dma_wait3A_614] : memref<33280xf32, #tpu.memory_space<vmem>> -> memref<2080xf32, #tpu.memory_space<vmem>>
      %dma_wait3A_616 = tpu.memref_slice %arg19[%add3A_54] : memref<532480xf32, #tpu.memory_space<vmem_shared>> -> memref<2080xf32, #tpu.memory_space<vmem_shared>>
      tpu.wait_dma2 semaphore(%run_scoped3A : memref<!tpu.dma_semaphore, #tpu.memory_space<semaphore_mem>>) src(%dma_wait3A_616 : memref<2080xf32, #tpu.memory_space<vmem_shared>>) dst(%dma_wait3A_615 : memref<2080xf32, #tpu.memory_space<vmem>>)
      tpu.yield
    }) : () -> ()
    %add3A_55 = arith.constant 66560 : i32
    %add3A_56 = arith.addi %add3A_55, %mul3A_50 : i32
    "tpu.region"() ({
      %run_scoped3A = tpu.sem_alloc : memref<!tpu.dma_semaphore, #tpu.memory_space<semaphore_mem>>
      %dma_start3A = arith.constant 4160 : i32
      %dma_start3A_607 = tpu.memref_slice %arg14[%dma_start3A] : memref<33280xf32, #tpu.memory_space<vmem>> -> memref<2080xf32, #tpu.memory_space<vmem>>
      %dma_start3A_608 = tpu.memref_slice %arg19[%add3A_56] : memref<532480xf32, #tpu.memory_space<vmem_shared>> -> memref<2080xf32, #tpu.memory_space<vmem_shared>>
      %dma_start3A_609 = arith.constant 4160 : i32
      %dma_start3A_610 = tpu.memref_slice %arg14[%dma_start3A_609] : memref<33280xf32, #tpu.memory_space<vmem>> -> memref<2080xf32, #tpu.memory_space<vmem>>
      %dma_start3A_611 = tpu.memref_slice %arg19[%add3A_56] : memref<532480xf32, #tpu.memory_space<vmem_shared>> -> memref<2080xf32, #tpu.memory_space<vmem_shared>>
      tpu.enqueue_dma source(%dma_start3A_611 : memref<2080xf32, #tpu.memory_space<vmem_shared>>) target(%dma_start3A_610 : memref<2080xf32, #tpu.memory_space<vmem>>) target_semaphore(%run_scoped3A : memref<!tpu.dma_semaphore, #tpu.memory_space<semaphore_mem>>)
      %dma_wait3A = arith.constant 4160 : i32
      %dma_wait3A_612 = tpu.memref_slice %arg14[%dma_wait3A] : memref<33280xf32, #tpu.memory_space<vmem>> -> memref<2080xf32, #tpu.memory_space<vmem>>
      %dma_wait3A_613 = tpu.memref_slice %arg19[%add3A_56] : memref<532480xf32, #tpu.memory_space<vmem_shared>> -> memref<2080xf32, #tpu.memory_space<vmem_shared>>
      %dma_wait3A_614 = arith.constant 4160 : i32
      %dma_wait3A_615 = tpu.memref_slice %arg14[%dma_wait3A_614] : memref<33280xf32, #tpu.memory_space<vmem>> -> memref<2080xf32, #tpu.memory_space<vmem>>
      %dma_wait3A_616 = tpu.memref_slice %arg19[%add3A_56] : memref<532480xf32, #tpu.memory_space<vmem_shared>> -> memref<2080xf32, #tpu.memory_space<vmem_shared>>
      tpu.wait_dma2 semaphore(%run_scoped3A : memref<!tpu.dma_semaphore, #tpu.memory_space<semaphore_mem>>) src(%dma_wait3A_616 : memref<2080xf32, #tpu.memory_space<vmem_shared>>) dst(%dma_wait3A_615 : memref<2080xf32, #tpu.memory_space<vmem>>)
      tpu.yield
    }) : () -> ()
    %add3A_57 = arith.constant 99840 : i32
    %add3A_58 = arith.addi %add3A_57, %mul3A_50 : i32
    "tpu.region"() ({
      %run_scoped3A = tpu.sem_alloc : memref<!tpu.dma_semaphore, #tpu.memory_space<semaphore_mem>>
      %dma_start3A = arith.constant 6240 : i32
      %dma_start3A_607 = tpu.memref_slice %arg14[%dma_start3A] : memref<33280xf32, #tpu.memory_space<vmem>> -> memref<2080xf32, #tpu.memory_space<vmem>>
      %dma_start3A_608 = tpu.memref_slice %arg19[%add3A_58] : memref<532480xf32, #tpu.memory_space<vmem_shared>> -> memref<2080xf32, #tpu.memory_space<vmem_shared>>
      %dma_start3A_609 = arith.constant 6240 : i32
      %dma_start3A_610 = tpu.memref_slice %arg14[%dma_start3A_609] : memref<33280xf32, #tpu.memory_space<vmem>> -> memref<2080xf32, #tpu.memory_space<vmem>>
      %dma_start3A_611 = tpu.memref_slice %arg19[%add3A_58] : memref<532480xf32, #tpu.memory_space<vmem_shared>> -> memref<2080xf32, #tpu.memory_space<vmem_shared>>
      tpu.enqueue_dma source(%dma_start3A_611 : memref<2080xf32, #tpu.memory_space<vmem_shared>>) target(%dma_start3A_610 : memref<2080xf32, #tpu.memory_space<vmem>>) target_semaphore(%run_scoped3A : memref<!tpu.dma_semaphore, #tpu.memory_space<semaphore_mem>>)
      %dma_wait3A = arith.constant 6240 : i32
      %dma_wait3A_612 = tpu.memref_slice %arg14[%dma_wait3A] : memref<33280xf32, #tpu.memory_space<vmem>> -> memref<2080xf32, #tpu.memory_space<vmem>>
      %dma_wait3A_613 = tpu.memref_slice %arg19[%add3A_58] : memref<532480xf32, #tpu.memory_space<vmem_shared>> -> memref<2080xf32, #tpu.memory_space<vmem_shared>>
      %dma_wait3A_614 = arith.constant 6240 : i32
      %dma_wait3A_615 = tpu.memref_slice %arg14[%dma_wait3A_614] : memref<33280xf32, #tpu.memory_space<vmem>> -> memref<2080xf32, #tpu.memory_space<vmem>>
      %dma_wait3A_616 = tpu.memref_slice %arg19[%add3A_58] : memref<532480xf32, #tpu.memory_space<vmem_shared>> -> memref<2080xf32, #tpu.memory_space<vmem_shared>>
      tpu.wait_dma2 semaphore(%run_scoped3A : memref<!tpu.dma_semaphore, #tpu.memory_space<semaphore_mem>>) src(%dma_wait3A_616 : memref<2080xf32, #tpu.memory_space<vmem_shared>>) dst(%dma_wait3A_615 : memref<2080xf32, #tpu.memory_space<vmem>>)
      tpu.yield
    }) : () -> ()
    %add3A_59 = arith.constant 133120 : i32
    %add3A_60 = arith.addi %add3A_59, %mul3A_50 : i32
    "tpu.region"() ({
      %run_scoped3A = tpu.sem_alloc : memref<!tpu.dma_semaphore, #tpu.memory_space<semaphore_mem>>
      %dma_start3A = arith.constant 8320 : i32
      %dma_start3A_607 = tpu.memref_slice %arg14[%dma_start3A] : memref<33280xf32, #tpu.memory_space<vmem>> -> memref<2080xf32, #tpu.memory_space<vmem>>
      %dma_start3A_608 = tpu.memref_slice %arg19[%add3A_60] : memref<532480xf32, #tpu.memory_space<vmem_shared>> -> memref<2080xf32, #tpu.memory_space<vmem_shared>>
      %dma_start3A_609 = arith.constant 8320 : i32
      %dma_start3A_610 = tpu.memref_slice %arg14[%dma_start3A_609] : memref<33280xf32, #tpu.memory_space<vmem>> -> memref<2080xf32, #tpu.memory_space<vmem>>
      %dma_start3A_611 = tpu.memref_slice %arg19[%add3A_60] : memref<532480xf32, #tpu.memory_space<vmem_shared>> -> memref<2080xf32, #tpu.memory_space<vmem_shared>>
      tpu.enqueue_dma source(%dma_start3A_611 : memref<2080xf32, #tpu.memory_space<vmem_shared>>) target(%dma_start3A_610 : memref<2080xf32, #tpu.memory_space<vmem>>) target_semaphore(%run_scoped3A : memref<!tpu.dma_semaphore, #tpu.memory_space<semaphore_mem>>)
      %dma_wait3A = arith.constant 8320 : i32
      %dma_wait3A_612 = tpu.memref_slice %arg14[%dma_wait3A] : memref<33280xf32, #tpu.memory_space<vmem>> -> memref<2080xf32, #tpu.memory_space<vmem>>
      %dma_wait3A_613 = tpu.memref_slice %arg19[%add3A_60] : memref<532480xf32, #tpu.memory_space<vmem_shared>> -> memref<2080xf32, #tpu.memory_space<vmem_shared>>
      %dma_wait3A_614 = arith.constant 8320 : i32
      %dma_wait3A_615 = tpu.memref_slice %arg14[%dma_wait3A_614] : memref<33280xf32, #tpu.memory_space<vmem>> -> memref<2080xf32, #tpu.memory_space<vmem>>
      %dma_wait3A_616 = tpu.memref_slice %arg19[%add3A_60] : memref<532480xf32, #tpu.memory_space<vmem_shared>> -> memref<2080xf32, #tpu.memory_space<vmem_shared>>
      tpu.wait_dma2 semaphore(%run_scoped3A : memref<!tpu.dma_semaphore, #tpu.memory_space<semaphore_mem>>) src(%dma_wait3A_616 : memref<2080xf32, #tpu.memory_space<vmem_shared>>) dst(%dma_wait3A_615 : memref<2080xf32, #tpu.memory_space<vmem>>)
      tpu.yield
    }) : () -> ()
    %add3A_61 = arith.constant 166400 : i32
    %add3A_62 = arith.addi %add3A_61, %mul3A_50 : i32
    "tpu.region"() ({
      %run_scoped3A = tpu.sem_alloc : memref<!tpu.dma_semaphore, #tpu.memory_space<semaphore_mem>>
      %dma_start3A = arith.constant 10400 : i32
      %dma_start3A_607 = tpu.memref_slice %arg14[%dma_start3A] : memref<33280xf32, #tpu.memory_space<vmem>> -> memref<2080xf32, #tpu.memory_space<vmem>>
      %dma_start3A_608 = tpu.memref_slice %arg19[%add3A_62] : memref<532480xf32, #tpu.memory_space<vmem_shared>> -> memref<2080xf32, #tpu.memory_space<vmem_shared>>
      %dma_start3A_609 = arith.constant 10400 : i32
      %dma_start3A_610 = tpu.memref_slice %arg14[%dma_start3A_609] : memref<33280xf32, #tpu.memory_space<vmem>> -> memref<2080xf32, #tpu.memory_space<vmem>>
      %dma_start3A_611 = tpu.memref_slice %arg19[%add3A_62] : memref<532480xf32, #tpu.memory_space<vmem_shared>> -> memref<2080xf32, #tpu.memory_space<vmem_shared>>
      tpu.enqueue_dma source(%dma_start3A_611 : memref<2080xf32, #tpu.memory_space<vmem_shared>>) target(%dma_start3A_610 : memref<2080xf32, #tpu.memory_space<vmem>>) target_semaphore(%run_scoped3A : memref<!tpu.dma_semaphore, #tpu.memory_space<semaphore_mem>>)
      %dma_wait3A = arith.constant 10400 : i32
      %dma_wait3A_612 = tpu.memref_slice %arg14[%dma_wait3A] : memref<33280xf32, #tpu.memory_space<vmem>> -> memref<2080xf32, #tpu.memory_space<vmem>>
      %dma_wait3A_613 = tpu.memref_slice %arg19[%add3A_62] : memref<532480xf32, #tpu.memory_space<vmem_shared>> -> memref<2080xf32, #tpu.memory_space<vmem_shared>>
      %dma_wait3A_614 = arith.constant 10400 : i32
      %dma_wait3A_615 = tpu.memref_slice %arg14[%dma_wait3A_614] : memref<33280xf32, #tpu.memory_space<vmem>> -> memref<2080xf32, #tpu.memory_space<vmem>>
      %dma_wait3A_616 = tpu.memref_slice %arg19[%add3A_62] : memref<532480xf32, #tpu.memory_space<vmem_shared>> -> memref<2080xf32, #tpu.memory_space<vmem_shared>>
      tpu.wait_dma2 semaphore(%run_scoped3A : memref<!tpu.dma_semaphore, #tpu.memory_space<semaphore_mem>>) src(%dma_wait3A_616 : memref<2080xf32, #tpu.memory_space<vmem_shared>>) dst(%dma_wait3A_615 : memref<2080xf32, #tpu.memory_space<vmem>>)
      tpu.yield
    }) : () -> ()
    %add3A_63 = arith.constant 199680 : i32
    %add3A_64 = arith.addi %add3A_63, %mul3A_50 : i32
    "tpu.region"() ({
      %run_scoped3A = tpu.sem_alloc : memref<!tpu.dma_semaphore, #tpu.memory_space<semaphore_mem>>
      %dma_start3A = arith.constant 12480 : i32
      %dma_start3A_607 = tpu.memref_slice %arg14[%dma_start3A] : memref<33280xf32, #tpu.memory_space<vmem>> -> memref<2080xf32, #tpu.memory_space<vmem>>
      %dma_start3A_608 = tpu.memref_slice %arg19[%add3A_64] : memref<532480xf32, #tpu.memory_space<vmem_shared>> -> memref<2080xf32, #tpu.memory_space<vmem_shared>>
      %dma_start3A_609 = arith.constant 12480 : i32
      %dma_start3A_610 = tpu.memref_slice %arg14[%dma_start3A_609] : memref<33280xf32, #tpu.memory_space<vmem>> -> memref<2080xf32, #tpu.memory_space<vmem>>
      %dma_start3A_611 = tpu.memref_slice %arg19[%add3A_64] : memref<532480xf32, #tpu.memory_space<vmem_shared>> -> memref<2080xf32, #tpu.memory_space<vmem_shared>>
      tpu.enqueue_dma source(%dma_start3A_611 : memref<2080xf32, #tpu.memory_space<vmem_shared>>) target(%dma_start3A_610 : memref<2080xf32, #tpu.memory_space<vmem>>) target_semaphore(%run_scoped3A : memref<!tpu.dma_semaphore, #tpu.memory_space<semaphore_mem>>)
      %dma_wait3A = arith.constant 12480 : i32
      %dma_wait3A_612 = tpu.memref_slice %arg14[%dma_wait3A] : memref<33280xf32, #tpu.memory_space<vmem>> -> memref<2080xf32, #tpu.memory_space<vmem>>
      %dma_wait3A_613 = tpu.memref_slice %arg19[%add3A_64] : memref<532480xf32, #tpu.memory_space<vmem_shared>> -> memref<2080xf32, #tpu.memory_space<vmem_shared>>
      %dma_wait3A_614 = arith.constant 12480 : i32
      %dma_wait3A_615 = tpu.memref_slice %arg14[%dma_wait3A_614] : memref<33280xf32, #tpu.memory_space<vmem>> -> memref<2080xf32, #tpu.memory_space<vmem>>
      %dma_wait3A_616 = tpu.memref_slice %arg19[%add3A_64] : memref<532480xf32, #tpu.memory_space<vmem_shared>> -> memref<2080xf32, #tpu.memory_space<vmem_shared>>
      tpu.wait_dma2 semaphore(%run_scoped3A : memref<!tpu.dma_semaphore, #tpu.memory_space<semaphore_mem>>) src(%dma_wait3A_616 : memref<2080xf32, #tpu.memory_space<vmem_shared>>) dst(%dma_wait3A_615 : memref<2080xf32, #tpu.memory_space<vmem>>)
      tpu.yield
    }) : () -> ()
    %add3A_65 = arith.constant 232960 : i32
    %add3A_66 = arith.addi %add3A_65, %mul3A_50 : i32
    "tpu.region"() ({
      %run_scoped3A = tpu.sem_alloc : memref<!tpu.dma_semaphore, #tpu.memory_space<semaphore_mem>>
      %dma_start3A = arith.constant 14560 : i32
      %dma_start3A_607 = tpu.memref_slice %arg14[%dma_start3A] : memref<33280xf32, #tpu.memory_space<vmem>> -> memref<2080xf32, #tpu.memory_space<vmem>>
      %dma_start3A_608 = tpu.memref_slice %arg19[%add3A_66] : memref<532480xf32, #tpu.memory_space<vmem_shared>> -> memref<2080xf32, #tpu.memory_space<vmem_shared>>
      %dma_start3A_609 = arith.constant 14560 : i32
      %dma_start3A_610 = tpu.memref_slice %arg14[%dma_start3A_609] : memref<33280xf32, #tpu.memory_space<vmem>> -> memref<2080xf32, #tpu.memory_space<vmem>>
      %dma_start3A_611 = tpu.memref_slice %arg19[%add3A_66] : memref<532480xf32, #tpu.memory_space<vmem_shared>> -> memref<2080xf32, #tpu.memory_space<vmem_shared>>
      tpu.enqueue_dma source(%dma_start3A_611 : memref<2080xf32, #tpu.memory_space<vmem_shared>>) target(%dma_start3A_610 : memref<2080xf32, #tpu.memory_space<vmem>>) target_semaphore(%run_scoped3A : memref<!tpu.dma_semaphore, #tpu.memory_space<semaphore_mem>>)
      %dma_wait3A = arith.constant 14560 : i32
      %dma_wait3A_612 = tpu.memref_slice %arg14[%dma_wait3A] : memref<33280xf32, #tpu.memory_space<vmem>> -> memref<2080xf32, #tpu.memory_space<vmem>>
      %dma_wait3A_613 = tpu.memref_slice %arg19[%add3A_66] : memref<532480xf32, #tpu.memory_space<vmem_shared>> -> memref<2080xf32, #tpu.memory_space<vmem_shared>>
      %dma_wait3A_614 = arith.constant 14560 : i32
      %dma_wait3A_615 = tpu.memref_slice %arg14[%dma_wait3A_614] : memref<33280xf32, #tpu.memory_space<vmem>> -> memref<2080xf32, #tpu.memory_space<vmem>>
      %dma_wait3A_616 = tpu.memref_slice %arg19[%add3A_66] : memref<532480xf32, #tpu.memory_space<vmem_shared>> -> memref<2080xf32, #tpu.memory_space<vmem_shared>>
      tpu.wait_dma2 semaphore(%run_scoped3A : memref<!tpu.dma_semaphore, #tpu.memory_space<semaphore_mem>>) src(%dma_wait3A_616 : memref<2080xf32, #tpu.memory_space<vmem_shared>>) dst(%dma_wait3A_615 : memref<2080xf32, #tpu.memory_space<vmem>>)
      tpu.yield
    }) : () -> ()
    %add3A_67 = arith.constant 266240 : i32
    %add3A_68 = arith.addi %add3A_67, %mul3A_50 : i32
    "tpu.region"() ({
      %run_scoped3A = tpu.sem_alloc : memref<!tpu.dma_semaphore, #tpu.memory_space<semaphore_mem>>
      %dma_start3A = arith.constant 16640 : i32
      %dma_start3A_607 = tpu.memref_slice %arg14[%dma_start3A] : memref<33280xf32, #tpu.memory_space<vmem>> -> memref<2080xf32, #tpu.memory_space<vmem>>
      %dma_start3A_608 = tpu.memref_slice %arg19[%add3A_68] : memref<532480xf32, #tpu.memory_space<vmem_shared>> -> memref<2080xf32, #tpu.memory_space<vmem_shared>>
      %dma_start3A_609 = arith.constant 16640 : i32
      %dma_start3A_610 = tpu.memref_slice %arg14[%dma_start3A_609] : memref<33280xf32, #tpu.memory_space<vmem>> -> memref<2080xf32, #tpu.memory_space<vmem>>
      %dma_start3A_611 = tpu.memref_slice %arg19[%add3A_68] : memref<532480xf32, #tpu.memory_space<vmem_shared>> -> memref<2080xf32, #tpu.memory_space<vmem_shared>>
      tpu.enqueue_dma source(%dma_start3A_611 : memref<2080xf32, #tpu.memory_space<vmem_shared>>) target(%dma_start3A_610 : memref<2080xf32, #tpu.memory_space<vmem>>) target_semaphore(%run_scoped3A : memref<!tpu.dma_semaphore, #tpu.memory_space<semaphore_mem>>)
      %dma_wait3A = arith.constant 16640 : i32
      %dma_wait3A_612 = tpu.memref_slice %arg14[%dma_wait3A] : memref<33280xf32, #tpu.memory_space<vmem>> -> memref<2080xf32, #tpu.memory_space<vmem>>
      %dma_wait3A_613 = tpu.memref_slice %arg19[%add3A_68] : memref<532480xf32, #tpu.memory_space<vmem_shared>> -> memref<2080xf32, #tpu.memory_space<vmem_shared>>
      %dma_wait3A_614 = arith.constant 16640 : i32
      %dma_wait3A_615 = tpu.memref_slice %arg14[%dma_wait3A_614] : memref<33280xf32, #tpu.memory_space<vmem>> -> memref<2080xf32, #tpu.memory_space<vmem>>
      %dma_wait3A_616 = tpu.memref_slice %arg19[%add3A_68] : memref<532480xf32, #tpu.memory_space<vmem_shared>> -> memref<2080xf32, #tpu.memory_space<vmem_shared>>
      tpu.wait_dma2 semaphore(%run_scoped3A : memref<!tpu.dma_semaphore, #tpu.memory_space<semaphore_mem>>) src(%dma_wait3A_616 : memref<2080xf32, #tpu.memory_space<vmem_shared>>) dst(%dma_wait3A_615 : memref<2080xf32, #tpu.memory_space<vmem>>)
      tpu.yield
    }) : () -> ()
    %add3A_69 = arith.constant 299520 : i32
    %add3A_70 = arith.addi %add3A_69, %mul3A_50 : i32
    "tpu.region"() ({
      %run_scoped3A = tpu.sem_alloc : memref<!tpu.dma_semaphore, #tpu.memory_space<semaphore_mem>>
      %dma_start3A = arith.constant 18720 : i32
      %dma_start3A_607 = tpu.memref_slice %arg14[%dma_start3A] : memref<33280xf32, #tpu.memory_space<vmem>> -> memref<2080xf32, #tpu.memory_space<vmem>>
      %dma_start3A_608 = tpu.memref_slice %arg19[%add3A_70] : memref<532480xf32, #tpu.memory_space<vmem_shared>> -> memref<2080xf32, #tpu.memory_space<vmem_shared>>
      %dma_start3A_609 = arith.constant 18720 : i32
      %dma_start3A_610 = tpu.memref_slice %arg14[%dma_start3A_609] : memref<33280xf32, #tpu.memory_space<vmem>> -> memref<2080xf32, #tpu.memory_space<vmem>>
      %dma_start3A_611 = tpu.memref_slice %arg19[%add3A_70] : memref<532480xf32, #tpu.memory_space<vmem_shared>> -> memref<2080xf32, #tpu.memory_space<vmem_shared>>
      tpu.enqueue_dma source(%dma_start3A_611 : memref<2080xf32, #tpu.memory_space<vmem_shared>>) target(%dma_start3A_610 : memref<2080xf32, #tpu.memory_space<vmem>>) target_semaphore(%run_scoped3A : memref<!tpu.dma_semaphore, #tpu.memory_space<semaphore_mem>>)
      %dma_wait3A = arith.constant 18720 : i32
      %dma_wait3A_612 = tpu.memref_slice %arg14[%dma_wait3A] : memref<33280xf32, #tpu.memory_space<vmem>> -> memref<2080xf32, #tpu.memory_space<vmem>>
      %dma_wait3A_613 = tpu.memref_slice %arg19[%add3A_70] : memref<532480xf32, #tpu.memory_space<vmem_shared>> -> memref<2080xf32, #tpu.memory_space<vmem_shared>>
      %dma_wait3A_614 = arith.constant 18720 : i32
      %dma_wait3A_615 = tpu.memref_slice %arg14[%dma_wait3A_614] : memref<33280xf32, #tpu.memory_space<vmem>> -> memref<2080xf32, #tpu.memory_space<vmem>>
      %dma_wait3A_616 = tpu.memref_slice %arg19[%add3A_70] : memref<532480xf32, #tpu.memory_space<vmem_shared>> -> memref<2080xf32, #tpu.memory_space<vmem_shared>>
      tpu.wait_dma2 semaphore(%run_scoped3A : memref<!tpu.dma_semaphore, #tpu.memory_space<semaphore_mem>>) src(%dma_wait3A_616 : memref<2080xf32, #tpu.memory_space<vmem_shared>>) dst(%dma_wait3A_615 : memref<2080xf32, #tpu.memory_space<vmem>>)
      tpu.yield
    }) : () -> ()
    %add3A_71 = arith.constant 332800 : i32
    %add3A_72 = arith.addi %add3A_71, %mul3A_50 : i32
    "tpu.region"() ({
      %run_scoped3A = tpu.sem_alloc : memref<!tpu.dma_semaphore, #tpu.memory_space<semaphore_mem>>
      %dma_start3A = arith.constant 20800 : i32
      %dma_start3A_607 = tpu.memref_slice %arg14[%dma_start3A] : memref<33280xf32, #tpu.memory_space<vmem>> -> memref<2080xf32, #tpu.memory_space<vmem>>
      %dma_start3A_608 = tpu.memref_slice %arg19[%add3A_72] : memref<532480xf32, #tpu.memory_space<vmem_shared>> -> memref<2080xf32, #tpu.memory_space<vmem_shared>>
      %dma_start3A_609 = arith.constant 20800 : i32
      %dma_start3A_610 = tpu.memref_slice %arg14[%dma_start3A_609] : memref<33280xf32, #tpu.memory_space<vmem>> -> memref<2080xf32, #tpu.memory_space<vmem>>
      %dma_start3A_611 = tpu.memref_slice %arg19[%add3A_72] : memref<532480xf32, #tpu.memory_space<vmem_shared>> -> memref<2080xf32, #tpu.memory_space<vmem_shared>>
      tpu.enqueue_dma source(%dma_start3A_611 : memref<2080xf32, #tpu.memory_space<vmem_shared>>) target(%dma_start3A_610 : memref<2080xf32, #tpu.memory_space<vmem>>) target_semaphore(%run_scoped3A : memref<!tpu.dma_semaphore, #tpu.memory_space<semaphore_mem>>)
      %dma_wait3A = arith.constant 20800 : i32
      %dma_wait3A_612 = tpu.memref_slice %arg14[%dma_wait3A] : memref<33280xf32, #tpu.memory_space<vmem>> -> memref<2080xf32, #tpu.memory_space<vmem>>
      %dma_wait3A_613 = tpu.memref_slice %arg19[%add3A_72] : memref<532480xf32, #tpu.memory_space<vmem_shared>> -> memref<2080xf32, #tpu.memory_space<vmem_shared>>
      %dma_wait3A_614 = arith.constant 20800 : i32
      %dma_wait3A_615 = tpu.memref_slice %arg14[%dma_wait3A_614] : memref<33280xf32, #tpu.memory_space<vmem>> -> memref<2080xf32, #tpu.memory_space<vmem>>
      %dma_wait3A_616 = tpu.memref_slice %arg19[%add3A_72] : memref<532480xf32, #tpu.memory_space<vmem_shared>> -> memref<2080xf32, #tpu.memory_space<vmem_shared>>
      tpu.wait_dma2 semaphore(%run_scoped3A : memref<!tpu.dma_semaphore, #tpu.memory_space<semaphore_mem>>) src(%dma_wait3A_616 : memref<2080xf32, #tpu.memory_space<vmem_shared>>) dst(%dma_wait3A_615 : memref<2080xf32, #tpu.memory_space<vmem>>)
      tpu.yield
    }) : () -> ()
    %add3A_73 = arith.constant 366080 : i32
    %add3A_74 = arith.addi %add3A_73, %mul3A_50 : i32
    "tpu.region"() ({
      %run_scoped3A = tpu.sem_alloc : memref<!tpu.dma_semaphore, #tpu.memory_space<semaphore_mem>>
      %dma_start3A = arith.constant 22880 : i32
      %dma_start3A_607 = tpu.memref_slice %arg14[%dma_start3A] : memref<33280xf32, #tpu.memory_space<vmem>> -> memref<2080xf32, #tpu.memory_space<vmem>>
      %dma_start3A_608 = tpu.memref_slice %arg19[%add3A_74] : memref<532480xf32, #tpu.memory_space<vmem_shared>> -> memref<2080xf32, #tpu.memory_space<vmem_shared>>
      %dma_start3A_609 = arith.constant 22880 : i32
      %dma_start3A_610 = tpu.memref_slice %arg14[%dma_start3A_609] : memref<33280xf32, #tpu.memory_space<vmem>> -> memref<2080xf32, #tpu.memory_space<vmem>>
      %dma_start3A_611 = tpu.memref_slice %arg19[%add3A_74] : memref<532480xf32, #tpu.memory_space<vmem_shared>> -> memref<2080xf32, #tpu.memory_space<vmem_shared>>
      tpu.enqueue_dma source(%dma_start3A_611 : memref<2080xf32, #tpu.memory_space<vmem_shared>>) target(%dma_start3A_610 : memref<2080xf32, #tpu.memory_space<vmem>>) target_semaphore(%run_scoped3A : memref<!tpu.dma_semaphore, #tpu.memory_space<semaphore_mem>>)
      %dma_wait3A = arith.constant 22880 : i32
      %dma_wait3A_612 = tpu.memref_slice %arg14[%dma_wait3A] : memref<33280xf32, #tpu.memory_space<vmem>> -> memref<2080xf32, #tpu.memory_space<vmem>>
      %dma_wait3A_613 = tpu.memref_slice %arg19[%add3A_74] : memref<532480xf32, #tpu.memory_space<vmem_shared>> -> memref<2080xf32, #tpu.memory_space<vmem_shared>>
      %dma_wait3A_614 = arith.constant 22880 : i32
      %dma_wait3A_615 = tpu.memref_slice %arg14[%dma_wait3A_614] : memref<33280xf32, #tpu.memory_space<vmem>> -> memref<2080xf32, #tpu.memory_space<vmem>>
      %dma_wait3A_616 = tpu.memref_slice %arg19[%add3A_74] : memref<532480xf32, #tpu.memory_space<vmem_shared>> -> memref<2080xf32, #tpu.memory_space<vmem_shared>>
      tpu.wait_dma2 semaphore(%run_scoped3A : memref<!tpu.dma_semaphore, #tpu.memory_space<semaphore_mem>>) src(%dma_wait3A_616 : memref<2080xf32, #tpu.memory_space<vmem_shared>>) dst(%dma_wait3A_615 : memref<2080xf32, #tpu.memory_space<vmem>>)
      tpu.yield
    }) : () -> ()
    %add3A_75 = arith.constant 399360 : i32
    %add3A_76 = arith.addi %add3A_75, %mul3A_50 : i32
    "tpu.region"() ({
      %run_scoped3A = tpu.sem_alloc : memref<!tpu.dma_semaphore, #tpu.memory_space<semaphore_mem>>
      %dma_start3A = arith.constant 24960 : i32
      %dma_start3A_607 = tpu.memref_slice %arg14[%dma_start3A] : memref<33280xf32, #tpu.memory_space<vmem>> -> memref<2080xf32, #tpu.memory_space<vmem>>
      %dma_start3A_608 = tpu.memref_slice %arg19[%add3A_76] : memref<532480xf32, #tpu.memory_space<vmem_shared>> -> memref<2080xf32, #tpu.memory_space<vmem_shared>>
      %dma_start3A_609 = arith.constant 24960 : i32
      %dma_start3A_610 = tpu.memref_slice %arg14[%dma_start3A_609] : memref<33280xf32, #tpu.memory_space<vmem>> -> memref<2080xf32, #tpu.memory_space<vmem>>
      %dma_start3A_611 = tpu.memref_slice %arg19[%add3A_76] : memref<532480xf32, #tpu.memory_space<vmem_shared>> -> memref<2080xf32, #tpu.memory_space<vmem_shared>>
      tpu.enqueue_dma source(%dma_start3A_611 : memref<2080xf32, #tpu.memory_space<vmem_shared>>) target(%dma_start3A_610 : memref<2080xf32, #tpu.memory_space<vmem>>) target_semaphore(%run_scoped3A : memref<!tpu.dma_semaphore, #tpu.memory_space<semaphore_mem>>)
      %dma_wait3A = arith.constant 24960 : i32
      %dma_wait3A_612 = tpu.memref_slice %arg14[%dma_wait3A] : memref<33280xf32, #tpu.memory_space<vmem>> -> memref<2080xf32, #tpu.memory_space<vmem>>
      %dma_wait3A_613 = tpu.memref_slice %arg19[%add3A_76] : memref<532480xf32, #tpu.memory_space<vmem_shared>> -> memref<2080xf32, #tpu.memory_space<vmem_shared>>
      %dma_wait3A_614 = arith.constant 24960 : i32
      %dma_wait3A_615 = tpu.memref_slice %arg14[%dma_wait3A_614] : memref<33280xf32, #tpu.memory_space<vmem>> -> memref<2080xf32, #tpu.memory_space<vmem>>
      %dma_wait3A_616 = tpu.memref_slice %arg19[%add3A_76] : memref<532480xf32, #tpu.memory_space<vmem_shared>> -> memref<2080xf32, #tpu.memory_space<vmem_shared>>
      tpu.wait_dma2 semaphore(%run_scoped3A : memref<!tpu.dma_semaphore, #tpu.memory_space<semaphore_mem>>) src(%dma_wait3A_616 : memref<2080xf32, #tpu.memory_space<vmem_shared>>) dst(%dma_wait3A_615 : memref<2080xf32, #tpu.memory_space<vmem>>)
      tpu.yield
    }) : () -> ()
    %add3A_77 = arith.constant 432640 : i32
    %add3A_78 = arith.addi %add3A_77, %mul3A_50 : i32
    "tpu.region"() ({
      %run_scoped3A = tpu.sem_alloc : memref<!tpu.dma_semaphore, #tpu.memory_space<semaphore_mem>>
      %dma_start3A = arith.constant 27040 : i32
      %dma_start3A_607 = tpu.memref_slice %arg14[%dma_start3A] : memref<33280xf32, #tpu.memory_space<vmem>> -> memref<2080xf32, #tpu.memory_space<vmem>>
      %dma_start3A_608 = tpu.memref_slice %arg19[%add3A_78] : memref<532480xf32, #tpu.memory_space<vmem_shared>> -> memref<2080xf32, #tpu.memory_space<vmem_shared>>
      %dma_start3A_609 = arith.constant 27040 : i32
      %dma_start3A_610 = tpu.memref_slice %arg14[%dma_start3A_609] : memref<33280xf32, #tpu.memory_space<vmem>> -> memref<2080xf32, #tpu.memory_space<vmem>>
      %dma_start3A_611 = tpu.memref_slice %arg19[%add3A_78] : memref<532480xf32, #tpu.memory_space<vmem_shared>> -> memref<2080xf32, #tpu.memory_space<vmem_shared>>
      tpu.enqueue_dma source(%dma_start3A_611 : memref<2080xf32, #tpu.memory_space<vmem_shared>>) target(%dma_start3A_610 : memref<2080xf32, #tpu.memory_space<vmem>>) target_semaphore(%run_scoped3A : memref<!tpu.dma_semaphore, #tpu.memory_space<semaphore_mem>>)
      %dma_wait3A = arith.constant 27040 : i32
      %dma_wait3A_612 = tpu.memref_slice %arg14[%dma_wait3A] : memref<33280xf32, #tpu.memory_space<vmem>> -> memref<2080xf32, #tpu.memory_space<vmem>>
      %dma_wait3A_613 = tpu.memref_slice %arg19[%add3A_78] : memref<532480xf32, #tpu.memory_space<vmem_shared>> -> memref<2080xf32, #tpu.memory_space<vmem_shared>>
      %dma_wait3A_614 = arith.constant 27040 : i32
      %dma_wait3A_615 = tpu.memref_slice %arg14[%dma_wait3A_614] : memref<33280xf32, #tpu.memory_space<vmem>> -> memref<2080xf32, #tpu.memory_space<vmem>>
      %dma_wait3A_616 = tpu.memref_slice %arg19[%add3A_78] : memref<532480xf32, #tpu.memory_space<vmem_shared>> -> memref<2080xf32, #tpu.memory_space<vmem_shared>>
      tpu.wait_dma2 semaphore(%run_scoped3A : memref<!tpu.dma_semaphore, #tpu.memory_space<semaphore_mem>>) src(%dma_wait3A_616 : memref<2080xf32, #tpu.memory_space<vmem_shared>>) dst(%dma_wait3A_615 : memref<2080xf32, #tpu.memory_space<vmem>>)
      tpu.yield
    }) : () -> ()
    %add3A_79 = arith.constant 465920 : i32
    %add3A_80 = arith.addi %add3A_79, %mul3A_50 : i32
    "tpu.region"() ({
      %run_scoped3A = tpu.sem_alloc : memref<!tpu.dma_semaphore, #tpu.memory_space<semaphore_mem>>
      %dma_start3A = arith.constant 29120 : i32
      %dma_start3A_607 = tpu.memref_slice %arg14[%dma_start3A] : memref<33280xf32, #tpu.memory_space<vmem>> -> memref<2080xf32, #tpu.memory_space<vmem>>
      %dma_start3A_608 = tpu.memref_slice %arg19[%add3A_80] : memref<532480xf32, #tpu.memory_space<vmem_shared>> -> memref<2080xf32, #tpu.memory_space<vmem_shared>>
      %dma_start3A_609 = arith.constant 29120 : i32
      %dma_start3A_610 = tpu.memref_slice %arg14[%dma_start3A_609] : memref<33280xf32, #tpu.memory_space<vmem>> -> memref<2080xf32, #tpu.memory_space<vmem>>
      %dma_start3A_611 = tpu.memref_slice %arg19[%add3A_80] : memref<532480xf32, #tpu.memory_space<vmem_shared>> -> memref<2080xf32, #tpu.memory_space<vmem_shared>>
      tpu.enqueue_dma source(%dma_start3A_611 : memref<2080xf32, #tpu.memory_space<vmem_shared>>) target(%dma_start3A_610 : memref<2080xf32, #tpu.memory_space<vmem>>) target_semaphore(%run_scoped3A : memref<!tpu.dma_semaphore, #tpu.memory_space<semaphore_mem>>)
      %dma_wait3A = arith.constant 29120 : i32
      %dma_wait3A_612 = tpu.memref_slice %arg14[%dma_wait3A] : memref<33280xf32, #tpu.memory_space<vmem>> -> memref<2080xf32, #tpu.memory_space<vmem>>
      %dma_wait3A_613 = tpu.memref_slice %arg19[%add3A_80] : memref<532480xf32, #tpu.memory_space<vmem_shared>> -> memref<2080xf32, #tpu.memory_space<vmem_shared>>
      %dma_wait3A_614 = arith.constant 29120 : i32
      %dma_wait3A_615 = tpu.memref_slice %arg14[%dma_wait3A_614] : memref<33280xf32, #tpu.memory_space<vmem>> -> memref<2080xf32, #tpu.memory_space<vmem>>
      %dma_wait3A_616 = tpu.memref_slice %arg19[%add3A_80] : memref<532480xf32, #tpu.memory_space<vmem_shared>> -> memref<2080xf32, #tpu.memory_space<vmem_shared>>
      tpu.wait_dma2 semaphore(%run_scoped3A : memref<!tpu.dma_semaphore, #tpu.memory_space<semaphore_mem>>) src(%dma_wait3A_616 : memref<2080xf32, #tpu.memory_space<vmem_shared>>) dst(%dma_wait3A_615 : memref<2080xf32, #tpu.memory_space<vmem>>)
      tpu.yield
    }) : () -> ()
    %add3A_81 = arith.constant 499200 : i32
    %add3A_82 = arith.addi %add3A_81, %mul3A_50 : i32
    "tpu.region"() ({
      %run_scoped3A = tpu.sem_alloc : memref<!tpu.dma_semaphore, #tpu.memory_space<semaphore_mem>>
      %dma_start3A = arith.constant 31200 : i32
      %dma_start3A_607 = tpu.memref_slice %arg14[%dma_start3A] : memref<33280xf32, #tpu.memory_space<vmem>> -> memref<2080xf32, #tpu.memory_space<vmem>>
      %dma_start3A_608 = tpu.memref_slice %arg19[%add3A_82] : memref<532480xf32, #tpu.memory_space<vmem_shared>> -> memref<2080xf32, #tpu.memory_space<vmem_shared>>
      %dma_start3A_609 = arith.constant 31200 : i32
      %dma_start3A_610 = tpu.memref_slice %arg14[%dma_start3A_609] : memref<33280xf32, #tpu.memory_space<vmem>> -> memref<2080xf32, #tpu.memory_space<vmem>>
      %dma_start3A_611 = tpu.memref_slice %arg19[%add3A_82] : memref<532480xf32, #tpu.memory_space<vmem_shared>> -> memref<2080xf32, #tpu.memory_space<vmem_shared>>
      tpu.enqueue_dma source(%dma_start3A_611 : memref<2080xf32, #tpu.memory_space<vmem_shared>>) target(%dma_start3A_610 : memref<2080xf32, #tpu.memory_space<vmem>>) target_semaphore(%run_scoped3A : memref<!tpu.dma_semaphore, #tpu.memory_space<semaphore_mem>>)
      %dma_wait3A = arith.constant 31200 : i32
      %dma_wait3A_612 = tpu.memref_slice %arg14[%dma_wait3A] : memref<33280xf32, #tpu.memory_space<vmem>> -> memref<2080xf32, #tpu.memory_space<vmem>>
      %dma_wait3A_613 = tpu.memref_slice %arg19[%add3A_82] : memref<532480xf32, #tpu.memory_space<vmem_shared>> -> memref<2080xf32, #tpu.memory_space<vmem_shared>>
      %dma_wait3A_614 = arith.constant 31200 : i32
      %dma_wait3A_615 = tpu.memref_slice %arg14[%dma_wait3A_614] : memref<33280xf32, #tpu.memory_space<vmem>> -> memref<2080xf32, #tpu.memory_space<vmem>>
      %dma_wait3A_616 = tpu.memref_slice %arg19[%add3A_82] : memref<532480xf32, #tpu.memory_space<vmem_shared>> -> memref<2080xf32, #tpu.memory_space<vmem_shared>>
      tpu.wait_dma2 semaphore(%run_scoped3A : memref<!tpu.dma_semaphore, #tpu.memory_space<semaphore_mem>>) src(%dma_wait3A_616 : memref<2080xf32, #tpu.memory_space<vmem_shared>>) dst(%dma_wait3A_615 : memref<2080xf32, #tpu.memory_space<vmem>>)
      tpu.yield
    }) : () -> ()
    %scan3A_83 = arith.constant 0 : i32
    %scan3A_84 = arith.constant 0 : i32
    %scan3A_85 = arith.constant 130 : i32
    %scan3A_86 = arith.addi %scan3A_84, %scan3A_85 : i32
    %scan3A_87 = arith.constant 1 : i32
    scf.for %scan3A_607 = %scan3A_84 to %scan3A_86 step %scan3A_87  : i32 {
      %mul3A_608 = arith.constant 16 : i32
      %mul3A_609 = arith.muli %scan3A_607, %mul3A_608 : i32
      %get3A_610 = arith.index_cast %mul3A_609 : i32 to index
      %get3A_611 = tpu.vector_load %arg14[%get3A_610] {strides = array<i32>} : memref<33280xf32, #tpu.memory_space<vmem>>, vector<16xf32>,
      %mul3A_612 = arith.constant 16 : i32
      %mul3A_613 = arith.muli %scan3A_607, %mul3A_612 : i32
      %add3A_614 = arith.constant 2080 : i32
      %add3A_615 = arith.addi %add3A_614, %mul3A_613 : i32
      %get3A_616 = arith.index_cast %add3A_615 : i32 to index
      %get3A_617 = tpu.vector_load %arg14[%get3A_616] {strides = array<i32>} : memref<33280xf32, #tpu.memory_space<vmem>>, vector<16xf32>,
      %add3A_618 = arith.addf %get3A_611, %get3A_617 : vector<16xf32>
      %mul3A_619 = arith.constant 16 : i32
      %mul3A_620 = arith.muli %scan3A_607, %mul3A_619 : i32
      %add3A_621 = arith.constant 4160 : i32
      %add3A_622 = arith.addi %add3A_621, %mul3A_620 : i32
      %get3A_623 = arith.index_cast %add3A_622 : i32 to index
      %get3A_624 = tpu.vector_load %arg14[%get3A_623] {strides = array<i32>} : memref<33280xf32, #tpu.memory_space<vmem>>, vector<16xf32>,
      %add3A_625 = arith.addf %add3A_618, %get3A_624 : vector<16xf32>
      %mul3A_626 = arith.constant 16 : i32
      %mul3A_627 = arith.muli %scan3A_607, %mul3A_626 : i32
      %add3A_628 = arith.constant 6240 : i32
      %add3A_629 = arith.addi %add3A_628, %mul3A_627 : i32
      %get3A_630 = arith.index_cast %add3A_629 : i32 to index
      %get3A_631 = tpu.vector_load %arg14[%get3A_630] {strides = array<i32>} : memref<33280xf32, #tpu.memory_space<vmem>>, vector<16xf32>,
      %add3A_632 = arith.addf %add3A_625, %get3A_631 : vector<16xf32>
      %mul3A_633 = arith.constant 16 : i32
      %mul3A_634 = arith.muli %scan3A_607, %mul3A_633 : i32
      %add3A_635 = arith.constant 8320 : i32
      %add3A_636 = arith.addi %add3A_635, %mul3A_634 : i32
      %get3A_637 = arith.index_cast %add3A_636 : i32 to index
      %get3A_638 = tpu.vector_load %arg14[%get3A_637] {strides = array<i32>} : memref<33280xf32, #tpu.memory_space<vmem>>, vector<16xf32>,
      %add3A_639 = arith.addf %add3A_632, %get3A_638 : vector<16xf32>
      %mul3A_640 = arith.constant 16 : i32
      %mul3A_641 = arith.muli %scan3A_607, %mul3A_640 : i32
      %add3A_642 = arith.constant 10400 : i32
      %add3A_643 = arith.addi %add3A_642, %mul3A_641 : i32
      %get3A_644 = arith.index_cast %add3A_643 : i32 to index
      %get3A_645 = tpu.vector_load %arg14[%get3A_644] {strides = array<i32>} : memref<33280xf32, #tpu.memory_space<vmem>>, vector<16xf32>,
      %add3A_646 = arith.addf %add3A_639, %get3A_645 : vector<16xf32>
      %mul3A_647 = arith.constant 16 : i32
      %mul3A_648 = arith.muli %scan3A_607, %mul3A_647 : i32
      %add3A_649 = arith.constant 12480 : i32
      %add3A_650 = arith.addi %add3A_649, %mul3A_648 : i32
      %get3A_651 = arith.index_cast %add3A_650 : i32 to index
      %get3A_652 = tpu.vector_load %arg14[%get3A_651] {strides = array<i32>} : memref<33280xf32, #tpu.memory_space<vmem>>, vector<16xf32>,
      %add3A_653 = arith.addf %add3A_646, %get3A_652 : vector<16xf32>
      %mul3A_654 = arith.constant 16 : i32
      %mul3A_655 = arith.muli %scan3A_607, %mul3A_654 : i32
      %add3A_656 = arith.constant 14560 : i32
      %add3A_657 = arith.addi %add3A_656, %mul3A_655 : i32
      %get3A_658 = arith.index_cast %add3A_657 : i32 to index
      %get3A_659 = tpu.vector_load %arg14[%get3A_658] {strides = array<i32>} : memref<33280xf32, #tpu.memory_space<vmem>>, vector<16xf32>,
      %add3A_660 = arith.addf %add3A_653, %get3A_659 : vector<16xf32>
      %mul3A_661 = arith.constant 16 : i32
      %mul3A_662 = arith.muli %scan3A_607, %mul3A_661 : i32
      %add3A_663 = arith.constant 16640 : i32
      %add3A_664 = arith.addi %add3A_663, %mul3A_662 : i32
      %get3A_665 = arith.index_cast %add3A_664 : i32 to index
      %get3A_666 = tpu.vector_load %arg14[%get3A_665] {strides = array<i32>} : memref<33280xf32, #tpu.memory_space<vmem>>, vector<16xf32>,
      %add3A_667 = arith.addf %add3A_660, %get3A_666 : vector<16xf32>
      %mul3A_668 = arith.constant 16 : i32
      %mul3A_669 = arith.muli %scan3A_607, %mul3A_668 : i32
      %add3A_670 = arith.constant 18720 : i32
      %add3A_671 = arith.addi %add3A_670, %mul3A_669 : i32
      %get3A_672 = arith.index_cast %add3A_671 : i32 to index
      %get3A_673 = tpu.vector_load %arg14[%get3A_672] {strides = array<i32>} : memref<33280xf32, #tpu.memory_space<vmem>>, vector<16xf32>,
      %add3A_674 = arith.addf %add3A_667, %get3A_673 : vector<16xf32>
      %mul3A_675 = arith.constant 16 : i32
      %mul3A_676 = arith.muli %scan3A_607, %mul3A_675 : i32
      %add3A_677 = arith.constant 20800 : i32
      %add3A_678 = arith.addi %add3A_677, %mul3A_676 : i32
      %get3A_679 = arith.index_cast %add3A_678 : i32 to index
      %get3A_680 = tpu.vector_load %arg14[%get3A_679] {strides = array<i32>} : memref<33280xf32, #tpu.memory_space<vmem>>, vector<16xf32>,
      %add3A_681 = arith.addf %add3A_674, %get3A_680 : vector<16xf32>
      %mul3A_682 = arith.constant 16 : i32
      %mul3A_683 = arith.muli %scan3A_607, %mul3A_682 : i32
      %add3A_684 = arith.constant 22880 : i32
      %add3A_685 = arith.addi %add3A_684, %mul3A_683 : i32
      %get3A_686 = arith.index_cast %add3A_685 : i32 to index
      %get3A_687 = tpu.vector_load %arg14[%get3A_686] {strides = array<i32>} : memref<33280xf32, #tpu.memory_space<vmem>>, vector<16xf32>,
      %add3A_688 = arith.addf %add3A_681, %get3A_687 : vector<16xf32>
      %mul3A_689 = arith.constant 16 : i32
      %mul3A_690 = arith.muli %scan3A_607, %mul3A_689 : i32
      %add3A_691 = arith.constant 24960 : i32
      %add3A_692 = arith.addi %add3A_691, %mul3A_690 : i32
      %get3A_693 = arith.index_cast %add3A_692 : i32 to index
      %get3A_694 = tpu.vector_load %arg14[%get3A_693] {strides = array<i32>} : memref<33280xf32, #tpu.memory_space<vmem>>, vector<16xf32>,
      %add3A_695 = arith.addf %add3A_688, %get3A_694 : vector<16xf32>
      %mul3A_696 = arith.constant 16 : i32
      %mul3A_697 = arith.muli %scan3A_607, %mul3A_696 : i32
      %add3A_698 = arith.constant 27040 : i32
      %add3A_699 = arith.addi %add3A_698, %mul3A_697 : i32
      %get3A_700 = arith.index_cast %add3A_699 : i32 to index
      %get3A_701 = tpu.vector_load %arg14[%get3A_700] {strides = array<i32>} : memref<33280xf32, #tpu.memory_space<vmem>>, vector<16xf32>,
      %add3A_702 = arith.addf %add3A_695, %get3A_701 : vector<16xf32>
      %mul3A_703 = arith.constant 16 : i32
      %mul3A_704 = arith.muli %scan3A_607, %mul3A_703 : i32
      %add3A_705 = arith.constant 29120 : i32
      %add3A_706 = arith.addi %add3A_705, %mul3A_704 : i32
      %get3A_707 = arith.index_cast %add3A_706 : i32 to index
      %get3A_708 = tpu.vector_load %arg14[%get3A_707] {strides = array<i32>} : memref<33280xf32, #tpu.memory_space<vmem>>, vector<16xf32>,
      %add3A_709 = arith.addf %add3A_702, %get3A_708 : vector<16xf32>
      %mul3A_710 = arith.constant 16 : i32
      %mul3A_711 = arith.muli %scan3A_607, %mul3A_710 : i32
      %add3A_712 = arith.constant 31200 : i32
      %add3A_713 = arith.addi %add3A_712, %mul3A_711 : i32
      %get3A_714 = arith.index_cast %add3A_713 : i32 to index
      %get3A_715 = tpu.vector_load %arg14[%get3A_714] {strides = array<i32>} : memref<33280xf32, #tpu.memory_space<vmem>>, vector<16xf32>,
      %add3A_716 = arith.addf %add3A_709, %get3A_715 : vector<16xf32>
      %mul3A_717 = arith.constant 16 : i32
      %mul3A_718 = arith.muli %scan3A_607, %mul3A_717 : i32
      %swap3A_719 = arith.index_cast %mul3A_718 : i32 to index
      %swap3A_720 = tpu.vector_load %arg15[%swap3A_719] {strides = array<i32>} : memref<2080xf32, #tpu.memory_space<vmem>>, vector<16xf32>,
      tpu.vector_store %arg15[%swap3A_719], %add3A_716 {strides = array<i32>} : memref<2080xf32, #tpu.memory_space<vmem>>, vector<16xf32>,
    }
    %scan3A_88 = arith.constant 130 : i32
    "tpu.region"() ({
      %run_scoped3A = tpu.sem_alloc : memref<!tpu.dma_semaphore, #tpu.memory_space<semaphore_mem>>
      %dma_start3A = tpu.memref_slice %arg20[%mul3A_50] : memref<33280xf32, #tpu.memory_space<vmem_shared>> -> memref<2080xf32, #tpu.memory_space<vmem_shared>>
      %dma_start3A_607 = tpu.memref_slice %arg20[%mul3A_50] : memref<33280xf32, #tpu.memory_space<vmem_shared>> -> memref<2080xf32, #tpu.memory_space<vmem_shared>>
      tpu.enqueue_dma source(%arg15 : memref<2080xf32, #tpu.memory_space<vmem>>) target(%dma_start3A_607 : memref<2080xf32, #tpu.memory_space<vmem_shared>>) target_semaphore(%run_scoped3A : memref<!tpu.dma_semaphore, #tpu.memory_space<semaphore_mem>>)
      %dma_wait3A = tpu.memref_slice %arg20[%mul3A_50] : memref<33280xf32, #tpu.memory_space<vmem_shared>> -> memref<2080xf32, #tpu.memory_space<vmem_shared>>
      %dma_wait3A_608 = tpu.memref_slice %arg20[%mul3A_50] : memref<33280xf32, #tpu.memory_space<vmem_shared>> -> memref<2080xf32, #tpu.memory_space<vmem_shared>>
      tpu.wait_dma2 semaphore(%run_scoped3A : memref<!tpu.dma_semaphore, #tpu.memory_space<semaphore_mem>>) src(%arg15 : memref<2080xf32, #tpu.memory_space<vmem>>) dst(%dma_wait3A_608 : memref<2080xf32, #tpu.memory_space<vmem_shared>>)
      tpu.yield
    }) : () -> ()
    %barrier3A_89 = arith.constant 0 : index
    tpu.barrier barrier_id(%barrier3A_89)
    %mul3A_90 = arith.constant 1056 : i32
    %mul3A_91 = arith.muli %arg1, %mul3A_90 : i32
    "tpu.region"() ({
      %run_scoped3A = tpu.sem_alloc : memref<!tpu.dma_semaphore, #tpu.memory_space<semaphore_mem>>
      %dma_start3A = tpu.memref_slice %arg20[%mul3A_91] : memref<33280xf32, #tpu.memory_space<vmem_shared>> -> memref<1056xf32, #tpu.memory_space<vmem_shared>>
      %dma_start3A_607 = tpu.memref_slice %arg20[%mul3A_91] : memref<33280xf32, #tpu.memory_space<vmem_shared>> -> memref<1056xf32, #tpu.memory_space<vmem_shared>>
      tpu.enqueue_dma source(%dma_start3A_607 : memref<1056xf32, #tpu.memory_space<vmem_shared>>) target(%arg16 : memref<1056xf32, #tpu.memory_space<vmem>>) target_semaphore(%run_scoped3A : memref<!tpu.dma_semaphore, #tpu.memory_space<semaphore_mem>>)
      %dma_wait3A = tpu.memref_slice %arg20[%mul3A_91] : memref<33280xf32, #tpu.memory_space<vmem_shared>> -> memref<1056xf32, #tpu.memory_space<vmem_shared>>
      %dma_wait3A_608 = tpu.memref_slice %arg20[%mul3A_91] : memref<33280xf32, #tpu.memory_space<vmem_shared>> -> memref<1056xf32, #tpu.memory_space<vmem_shared>>
      tpu.wait_dma2 semaphore(%run_scoped3A : memref<!tpu.dma_semaphore, #tpu.memory_space<semaphore_mem>>) src(%dma_wait3A_608 : memref<1056xf32, #tpu.memory_space<vmem_shared>>) dst(%arg16 : memref<1056xf32, #tpu.memory_space<vmem>>)
      tpu.yield
    }) : () -> ()
    %mul3A_92 = arith.constant 1024 : i32
    %mul3A_93 = arith.muli %arg1, %mul3A_92 : i32
    %add3A_94 = arith.constant 16896 : i32
    %add3A_95 = arith.addi %add3A_94, %mul3A_93 : i32
    "tpu.region"() ({
      %run_scoped3A = tpu.sem_alloc : memref<!tpu.dma_semaphore, #tpu.memory_space<semaphore_mem>>
      %dma_start3A = tpu.memref_slice %arg20[%add3A_95] : memref<33280xf32, #tpu.memory_space<vmem_shared>> -> memref<1024xf32, #tpu.memory_space<vmem_shared>>
      %dma_start3A_607 = tpu.memref_slice %arg20[%add3A_95] : memref<33280xf32, #tpu.memory_space<vmem_shared>> -> memref<1024xf32, #tpu.memory_space<vmem_shared>>
      tpu.enqueue_dma source(%dma_start3A_607 : memref<1024xf32, #tpu.memory_space<vmem_shared>>) target(%arg17 : memref<1024xf32, #tpu.memory_space<vmem>>) target_semaphore(%run_scoped3A : memref<!tpu.dma_semaphore, #tpu.memory_space<semaphore_mem>>)
      %dma_wait3A = tpu.memref_slice %arg20[%add3A_95] : memref<33280xf32, #tpu.memory_space<vmem_shared>> -> memref<1024xf32, #tpu.memory_space<vmem_shared>>
      %dma_wait3A_608 = tpu.memref_slice %arg20[%add3A_95] : memref<33280xf32, #tpu.memory_space<vmem_shared>> -> memref<1024xf32, #tpu.memory_space<vmem_shared>>
      tpu.wait_dma2 semaphore(%run_scoped3A : memref<!tpu.dma_semaphore, #tpu.memory_space<semaphore_mem>>) src(%dma_wait3A_608 : memref<1024xf32, #tpu.memory_space<vmem_shared>>) dst(%arg17 : memref<1024xf32, #tpu.memory_space<vmem>>)
      tpu.yield
    }) : () -> ()
    %get3A_96 = arith.constant 0 : index
    %get3A_97 = tpu.vector_load %arg16[%get3A_96] {strides = array<i32>} : memref<1056xf32, #tpu.memory_space<vmem>>, vector<16xf32>,
    %add3A_98 = arith.addf %broadcast_in_dim3A_5, %get3A_97 : vector<16xf32>
    %get3A_99 = arith.constant 0 : index
    %get3A_100 = tpu.vector_load %arg17[%get3A_99] {strides = array<i32>} : memref<1024xf32, #tpu.memory_space<vmem>>, vector<16xf32>,
    %add3A_101 = arith.addf %add3A_98, %get3A_100 : vector<16xf32>
    %swap3A = arith.constant 0 : index
    %swap3A_102 = tpu.vector_load %arg18[%swap3A] {strides = array<i32>} : memref<1024xf32, #tpu.memory_space<vmem>>, vector<16xf32>,
    tpu.vector_store %arg18[%swap3A], %add3A_101 {strides = array<i32>} : memref<1024xf32, #tpu.memory_space<vmem>>, vector<16xf32>,
    %get3A_103 = arith.constant 16 : index
    %get3A_104 = tpu.vector_load %arg16[%get3A_103] {strides = array<i32>} : memref<1056xf32, #tpu.memory_space<vmem>>, vector<16xf32>,
    %add3A_105 = arith.addf %broadcast_in_dim3A_5, %get3A_104 : vector<16xf32>
    %get3A_106 = arith.constant 16 : index
    %get3A_107 = tpu.vector_load %arg17[%get3A_106] {strides = array<i32>} : memref<1024xf32, #tpu.memory_space<vmem>>, vector<16xf32>,
    %add3A_108 = arith.addf %add3A_105, %get3A_107 : vector<16xf32>
    %swap3A_109 = arith.constant 16 : index
    %swap3A_110 = tpu.vector_load %arg18[%swap3A_109] {strides = array<i32>} : memref<1024xf32, #tpu.memory_space<vmem>>, vector<16xf32>,
    tpu.vector_store %arg18[%swap3A_109], %add3A_108 {strides = array<i32>} : memref<1024xf32, #tpu.memory_space<vmem>>, vector<16xf32>,
    %get3A_111 = arith.constant 32 : index
    %get3A_112 = tpu.vector_load %arg16[%get3A_111] {strides = array<i32>} : memref<1056xf32, #tpu.memory_space<vmem>>, vector<16xf32>,
    %add3A_113 = arith.addf %add3A_98, %get3A_112 : vector<16xf32>
    %get3A_114 = arith.constant 32 : index
    %get3A_115 = tpu.vector_load %arg17[%get3A_114] {strides = array<i32>} : memref<1024xf32, #tpu.memory_space<vmem>>, vector<16xf32>,
    %add3A_116 = arith.addf %add3A_113, %get3A_115 : vector<16xf32>
    %swap3A_117 = arith.constant 32 : index
    %swap3A_118 = tpu.vector_load %arg18[%swap3A_117] {strides = array<i32>} : memref<1024xf32, #tpu.memory_space<vmem>>, vector<16xf32>,
    tpu.vector_store %arg18[%swap3A_117], %add3A_116 {strides = array<i32>} : memref<1024xf32, #tpu.memory_space<vmem>>, vector<16xf32>,
    %get3A_119 = arith.constant 48 : index
    %get3A_120 = tpu.vector_load %arg16[%get3A_119] {strides = array<i32>} : memref<1056xf32, #tpu.memory_space<vmem>>, vector<16xf32>,
    %add3A_121 = arith.addf %add3A_105, %get3A_120 : vector<16xf32>
    %get3A_122 = arith.constant 48 : index
    %get3A_123 = tpu.vector_load %arg17[%get3A_122] {strides = array<i32>} : memref<1024xf32, #tpu.memory_space<vmem>>, vector<16xf32>,
    %add3A_124 = arith.addf %add3A_121, %get3A_123 : vector<16xf32>
    %swap3A_125 = arith.constant 48 : index
    %swap3A_126 = tpu.vector_load %arg18[%swap3A_125] {strides = array<i32>} : memref<1024xf32, #tpu.memory_space<vmem>>, vector<16xf32>,
    tpu.vector_store %arg18[%swap3A_125], %add3A_124 {strides = array<i32>} : memref<1024xf32, #tpu.memory_space<vmem>>, vector<16xf32>,
    %get3A_127 = arith.constant 64 : index
    %get3A_128 = tpu.vector_load %arg16[%get3A_127] {strides = array<i32>} : memref<1056xf32, #tpu.memory_space<vmem>>, vector<16xf32>,
    %add3A_129 = arith.addf %add3A_113, %get3A_128 : vector<16xf32>
    %get3A_130 = arith.constant 64 : index
    %get3A_131 = tpu.vector_load %arg17[%get3A_130] {strides = array<i32>} : memref<1024xf32, #tpu.memory_space<vmem>>, vector<16xf32>,
    %add3A_132 = arith.addf %add3A_129, %get3A_131 : vector<16xf32>
    %swap3A_133 = arith.constant 64 : index
    %swap3A_134 = tpu.vector_load %arg18[%swap3A_133] {strides = array<i32>} : memref<1024xf32, #tpu.memory_space<vmem>>, vector<16xf32>,
    tpu.vector_store %arg18[%swap3A_133], %add3A_132 {strides = array<i32>} : memref<1024xf32, #tpu.memory_space<vmem>>, vector<16xf32>,
    %get3A_135 = arith.constant 80 : index
    %get3A_136 = tpu.vector_load %arg16[%get3A_135] {strides = array<i32>} : memref<1056xf32, #tpu.memory_space<vmem>>, vector<16xf32>,
    %add3A_137 = arith.addf %add3A_121, %get3A_136 : vector<16xf32>
    %get3A_138 = arith.constant 80 : index
    %get3A_139 = tpu.vector_load %arg17[%get3A_138] {strides = array<i32>} : memref<1024xf32, #tpu.memory_space<vmem>>, vector<16xf32>,
    %add3A_140 = arith.addf %add3A_137, %get3A_139 : vector<16xf32>
    %swap3A_141 = arith.constant 80 : index
    %swap3A_142 = tpu.vector_load %arg18[%swap3A_141] {strides = array<i32>} : memref<1024xf32, #tpu.memory_space<vmem>>, vector<16xf32>,
    tpu.vector_store %arg18[%swap3A_141], %add3A_140 {strides = array<i32>} : memref<1024xf32, #tpu.memory_space<vmem>>, vector<16xf32>,
    %get3A_143 = arith.constant 96 : index
    %get3A_144 = tpu.vector_load %arg16[%get3A_143] {strides = array<i32>} : memref<1056xf32, #tpu.memory_space<vmem>>, vector<16xf32>,
    %add3A_145 = arith.addf %add3A_129, %get3A_144 : vector<16xf32>
    %get3A_146 = arith.constant 96 : index
    %get3A_147 = tpu.vector_load %arg17[%get3A_146] {strides = array<i32>} : memref<1024xf32, #tpu.memory_space<vmem>>, vector<16xf32>,
    %add3A_148 = arith.addf %add3A_145, %get3A_147 : vector<16xf32>
    %swap3A_149 = arith.constant 96 : index
    %swap3A_150 = tpu.vector_load %arg18[%swap3A_149] {strides = array<i32>} : memref<1024xf32, #tpu.memory_space<vmem>>, vector<16xf32>,
    tpu.vector_store %arg18[%swap3A_149], %add3A_148 {strides = array<i32>} : memref<1024xf32, #tpu.memory_space<vmem>>, vector<16xf32>,
    %get3A_151 = arith.constant 112 : index
    %get3A_152 = tpu.vector_load %arg16[%get3A_151] {strides = array<i32>} : memref<1056xf32, #tpu.memory_space<vmem>>, vector<16xf32>,
    %add3A_153 = arith.addf %add3A_137, %get3A_152 : vector<16xf32>
    %get3A_154 = arith.constant 112 : index
    %get3A_155 = tpu.vector_load %arg17[%get3A_154] {strides = array<i32>} : memref<1024xf32, #tpu.memory_space<vmem>>, vector<16xf32>,
    %add3A_156 = arith.addf %add3A_153, %get3A_155 : vector<16xf32>
    %swap3A_157 = arith.constant 112 : index
    %swap3A_158 = tpu.vector_load %arg18[%swap3A_157] {strides = array<i32>} : memref<1024xf32, #tpu.memory_space<vmem>>, vector<16xf32>,
    tpu.vector_store %arg18[%swap3A_157], %add3A_156 {strides = array<i32>} : memref<1024xf32, #tpu.memory_space<vmem>>, vector<16xf32>,
    %get3A_159 = arith.constant 128 : index
    %get3A_160 = tpu.vector_load %arg16[%get3A_159] {strides = array<i32>} : memref<1056xf32, #tpu.memory_space<vmem>>, vector<16xf32>,
    %add3A_161 = arith.addf %add3A_145, %get3A_160 : vector<16xf32>
    %get3A_162 = arith.constant 128 : index
    %get3A_163 = tpu.vector_load %arg17[%get3A_162] {strides = array<i32>} : memref<1024xf32, #tpu.memory_space<vmem>>, vector<16xf32>,
    %add3A_164 = arith.addf %add3A_161, %get3A_163 : vector<16xf32>
    %swap3A_165 = arith.constant 128 : index
    %swap3A_166 = tpu.vector_load %arg18[%swap3A_165] {strides = array<i32>} : memref<1024xf32, #tpu.memory_space<vmem>>, vector<16xf32>,
    tpu.vector_store %arg18[%swap3A_165], %add3A_164 {strides = array<i32>} : memref<1024xf32, #tpu.memory_space<vmem>>, vector<16xf32>,
    %get3A_167 = arith.constant 144 : index
    %get3A_168 = tpu.vector_load %arg16[%get3A_167] {strides = array<i32>} : memref<1056xf32, #tpu.memory_space<vmem>>, vector<16xf32>,
    %add3A_169 = arith.addf %add3A_153, %get3A_168 : vector<16xf32>
    %get3A_170 = arith.constant 144 : index
    %get3A_171 = tpu.vector_load %arg17[%get3A_170] {strides = array<i32>} : memref<1024xf32, #tpu.memory_space<vmem>>, vector<16xf32>,
    %add3A_172 = arith.addf %add3A_169, %get3A_171 : vector<16xf32>
    %swap3A_173 = arith.constant 144 : index
    %swap3A_174 = tpu.vector_load %arg18[%swap3A_173] {strides = array<i32>} : memref<1024xf32, #tpu.memory_space<vmem>>, vector<16xf32>,
    tpu.vector_store %arg18[%swap3A_173], %add3A_172 {strides = array<i32>} : memref<1024xf32, #tpu.memory_space<vmem>>, vector<16xf32>,
    %get3A_175 = arith.constant 160 : index
    %get3A_176 = tpu.vector_load %arg16[%get3A_175] {strides = array<i32>} : memref<1056xf32, #tpu.memory_space<vmem>>, vector<16xf32>,
    %add3A_177 = arith.addf %add3A_161, %get3A_176 : vector<16xf32>
    %get3A_178 = arith.constant 160 : index
    %get3A_179 = tpu.vector_load %arg17[%get3A_178] {strides = array<i32>} : memref<1024xf32, #tpu.memory_space<vmem>>, vector<16xf32>,
    %add3A_180 = arith.addf %add3A_177, %get3A_179 : vector<16xf32>
    %swap3A_181 = arith.constant 160 : index
    %swap3A_182 = tpu.vector_load %arg18[%swap3A_181] {strides = array<i32>} : memref<1024xf32, #tpu.memory_space<vmem>>, vector<16xf32>,
    tpu.vector_store %arg18[%swap3A_181], %add3A_180 {strides = array<i32>} : memref<1024xf32, #tpu.memory_space<vmem>>, vector<16xf32>,
    %get3A_183 = arith.constant 176 : index
    %get3A_184 = tpu.vector_load %arg16[%get3A_183] {strides = array<i32>} : memref<1056xf32, #tpu.memory_space<vmem>>, vector<16xf32>,
    %add3A_185 = arith.addf %add3A_169, %get3A_184 : vector<16xf32>
    %get3A_186 = arith.constant 176 : index
    %get3A_187 = tpu.vector_load %arg17[%get3A_186] {strides = array<i32>} : memref<1024xf32, #tpu.memory_space<vmem>>, vector<16xf32>,
    %add3A_188 = arith.addf %add3A_185, %get3A_187 : vector<16xf32>
    %swap3A_189 = arith.constant 176 : index
    %swap3A_190 = tpu.vector_load %arg18[%swap3A_189] {strides = array<i32>} : memref<1024xf32, #tpu.memory_space<vmem>>, vector<16xf32>,
    tpu.vector_store %arg18[%swap3A_189], %add3A_188 {strides = array<i32>} : memref<1024xf32, #tpu.memory_space<vmem>>, vector<16xf32>,
    %get3A_191 = arith.constant 192 : index
    %get3A_192 = tpu.vector_load %arg16[%get3A_191] {strides = array<i32>} : memref<1056xf32, #tpu.memory_space<vmem>>, vector<16xf32>,
    %add3A_193 = arith.addf %add3A_177, %get3A_192 : vector<16xf32>
    %get3A_194 = arith.constant 192 : index
    %get3A_195 = tpu.vector_load %arg17[%get3A_194] {strides = array<i32>} : memref<1024xf32, #tpu.memory_space<vmem>>, vector<16xf32>,
    %add3A_196 = arith.addf %add3A_193, %get3A_195 : vector<16xf32>
    %swap3A_197 = arith.constant 192 : index
    %swap3A_198 = tpu.vector_load %arg18[%swap3A_197] {strides = array<i32>} : memref<1024xf32, #tpu.memory_space<vmem>>, vector<16xf32>,
    tpu.vector_store %arg18[%swap3A_197], %add3A_196 {strides = array<i32>} : memref<1024xf32, #tpu.memory_space<vmem>>, vector<16xf32>,
    %get3A_199 = arith.constant 208 : index
    %get3A_200 = tpu.vector_load %arg16[%get3A_199] {strides = array<i32>} : memref<1056xf32, #tpu.memory_space<vmem>>, vector<16xf32>,
    %add3A_201 = arith.addf %add3A_185, %get3A_200 : vector<16xf32>
    %get3A_202 = arith.constant 208 : index
    %get3A_203 = tpu.vector_load %arg17[%get3A_202] {strides = array<i32>} : memref<1024xf32, #tpu.memory_space<vmem>>, vector<16xf32>,
    %add3A_204 = arith.addf %add3A_201, %get3A_203 : vector<16xf32>
    %swap3A_205 = arith.constant 208 : index
    %swap3A_206 = tpu.vector_load %arg18[%swap3A_205] {strides = array<i32>} : memref<1024xf32, #tpu.memory_space<vmem>>, vector<16xf32>,
    tpu.vector_store %arg18[%swap3A_205], %add3A_204 {strides = array<i32>} : memref<1024xf32, #tpu.memory_space<vmem>>, vector<16xf32>,
    %get3A_207 = arith.constant 224 : index
    %get3A_208 = tpu.vector_load %arg16[%get3A_207] {strides = array<i32>} : memref<1056xf32, #tpu.memory_space<vmem>>, vector<16xf32>,
    %add3A_209 = arith.addf %add3A_193, %get3A_208 : vector<16xf32>
    %get3A_210 = arith.constant 224 : index
    %get3A_211 = tpu.vector_load %arg17[%get3A_210] {strides = array<i32>} : memref<1024xf32, #tpu.memory_space<vmem>>, vector<16xf32>,
    %add3A_212 = arith.addf %add3A_209, %get3A_211 : vector<16xf32>
    %swap3A_213 = arith.constant 224 : index
    %swap3A_214 = tpu.vector_load %arg18[%swap3A_213] {strides = array<i32>} : memref<1024xf32, #tpu.memory_space<vmem>>, vector<16xf32>,
    tpu.vector_store %arg18[%swap3A_213], %add3A_212 {strides = array<i32>} : memref<1024xf32, #tpu.memory_space<vmem>>, vector<16xf32>,
    %get3A_215 = arith.constant 240 : index
    %get3A_216 = tpu.vector_load %arg16[%get3A_215] {strides = array<i32>} : memref<1056xf32, #tpu.memory_space<vmem>>, vector<16xf32>,
    %add3A_217 = arith.addf %add3A_201, %get3A_216 : vector<16xf32>
    %get3A_218 = arith.constant 240 : index
    %get3A_219 = tpu.vector_load %arg17[%get3A_218] {strides = array<i32>} : memref<1024xf32, #tpu.memory_space<vmem>>, vector<16xf32>,
    %add3A_220 = arith.addf %add3A_217, %get3A_219 : vector<16xf32>
    %swap3A_221 = arith.constant 240 : index
    %swap3A_222 = tpu.vector_load %arg18[%swap3A_221] {strides = array<i32>} : memref<1024xf32, #tpu.memory_space<vmem>>, vector<16xf32>,
    tpu.vector_store %arg18[%swap3A_221], %add3A_220 {strides = array<i32>} : memref<1024xf32, #tpu.memory_space<vmem>>, vector<16xf32>,
    %get3A_223 = arith.constant 256 : index
    %get3A_224 = tpu.vector_load %arg16[%get3A_223] {strides = array<i32>} : memref<1056xf32, #tpu.memory_space<vmem>>, vector<16xf32>,
    %add3A_225 = arith.addf %add3A_209, %get3A_224 : vector<16xf32>
    %get3A_226 = arith.constant 256 : index
    %get3A_227 = tpu.vector_load %arg17[%get3A_226] {strides = array<i32>} : memref<1024xf32, #tpu.memory_space<vmem>>, vector<16xf32>,
    %add3A_228 = arith.addf %add3A_225, %get3A_227 : vector<16xf32>
    %swap3A_229 = arith.constant 256 : index
    %swap3A_230 = tpu.vector_load %arg18[%swap3A_229] {strides = array<i32>} : memref<1024xf32, #tpu.memory_space<vmem>>, vector<16xf32>,
    tpu.vector_store %arg18[%swap3A_229], %add3A_228 {strides = array<i32>} : memref<1024xf32, #tpu.memory_space<vmem>>, vector<16xf32>,
    %get3A_231 = arith.constant 272 : index
    %get3A_232 = tpu.vector_load %arg16[%get3A_231] {strides = array<i32>} : memref<1056xf32, #tpu.memory_space<vmem>>, vector<16xf32>,
    %add3A_233 = arith.addf %add3A_217, %get3A_232 : vector<16xf32>
    %get3A_234 = arith.constant 272 : index
    %get3A_235 = tpu.vector_load %arg17[%get3A_234] {strides = array<i32>} : memref<1024xf32, #tpu.memory_space<vmem>>, vector<16xf32>,
    %add3A_236 = arith.addf %add3A_233, %get3A_235 : vector<16xf32>
    %swap3A_237 = arith.constant 272 : index
    %swap3A_238 = tpu.vector_load %arg18[%swap3A_237] {strides = array<i32>} : memref<1024xf32, #tpu.memory_space<vmem>>, vector<16xf32>,
    tpu.vector_store %arg18[%swap3A_237], %add3A_236 {strides = array<i32>} : memref<1024xf32, #tpu.memory_space<vmem>>, vector<16xf32>,
    %get3A_239 = arith.constant 288 : index
    %get3A_240 = tpu.vector_load %arg16[%get3A_239] {strides = array<i32>} : memref<1056xf32, #tpu.memory_space<vmem>>, vector<16xf32>,
    %add3A_241 = arith.addf %add3A_225, %get3A_240 : vector<16xf32>
    %get3A_242 = arith.constant 288 : index
    %get3A_243 = tpu.vector_load %arg17[%get3A_242] {strides = array<i32>} : memref<1024xf32, #tpu.memory_space<vmem>>, vector<16xf32>,
    %add3A_244 = arith.addf %add3A_241, %get3A_243 : vector<16xf32>
    %swap3A_245 = arith.constant 288 : index
    %swap3A_246 = tpu.vector_load %arg18[%swap3A_245] {strides = array<i32>} : memref<1024xf32, #tpu.memory_space<vmem>>, vector<16xf32>,
    tpu.vector_store %arg18[%swap3A_245], %add3A_244 {strides = array<i32>} : memref<1024xf32, #tpu.memory_space<vmem>>, vector<16xf32>,
    %get3A_247 = arith.constant 304 : index
    %get3A_248 = tpu.vector_load %arg16[%get3A_247] {strides = array<i32>} : memref<1056xf32, #tpu.memory_space<vmem>>, vector<16xf32>,
    %add3A_249 = arith.addf %add3A_233, %get3A_248 : vector<16xf32>
    %get3A_250 = arith.constant 304 : index
    %get3A_251 = tpu.vector_load %arg17[%get3A_250] {strides = array<i32>} : memref<1024xf32, #tpu.memory_space<vmem>>, vector<16xf32>,
    %add3A_252 = arith.addf %add3A_249, %get3A_251 : vector<16xf32>
    %swap3A_253 = arith.constant 304 : index
    %swap3A_254 = tpu.vector_load %arg18[%swap3A_253] {strides = array<i32>} : memref<1024xf32, #tpu.memory_space<vmem>>, vector<16xf32>,
    tpu.vector_store %arg18[%swap3A_253], %add3A_252 {strides = array<i32>} : memref<1024xf32, #tpu.memory_space<vmem>>, vector<16xf32>,
    %get3A_255 = arith.constant 320 : index
    %get3A_256 = tpu.vector_load %arg16[%get3A_255] {strides = array<i32>} : memref<1056xf32, #tpu.memory_space<vmem>>, vector<16xf32>,
    %add3A_257 = arith.addf %add3A_241, %get3A_256 : vector<16xf32>
    %get3A_258 = arith.constant 320 : index
    %get3A_259 = tpu.vector_load %arg17[%get3A_258] {strides = array<i32>} : memref<1024xf32, #tpu.memory_space<vmem>>, vector<16xf32>,
    %add3A_260 = arith.addf %add3A_257, %get3A_259 : vector<16xf32>
    %swap3A_261 = arith.constant 320 : index
    %swap3A_262 = tpu.vector_load %arg18[%swap3A_261] {strides = array<i32>} : memref<1024xf32, #tpu.memory_space<vmem>>, vector<16xf32>,
    tpu.vector_store %arg18[%swap3A_261], %add3A_260 {strides = array<i32>} : memref<1024xf32, #tpu.memory_space<vmem>>, vector<16xf32>,
    %get3A_263 = arith.constant 336 : index
    %get3A_264 = tpu.vector_load %arg16[%get3A_263] {strides = array<i32>} : memref<1056xf32, #tpu.memory_space<vmem>>, vector<16xf32>,
    %add3A_265 = arith.addf %add3A_249, %get3A_264 : vector<16xf32>
    %get3A_266 = arith.constant 336 : index
    %get3A_267 = tpu.vector_load %arg17[%get3A_266] {strides = array<i32>} : memref<1024xf32, #tpu.memory_space<vmem>>, vector<16xf32>,
    %add3A_268 = arith.addf %add3A_265, %get3A_267 : vector<16xf32>
    %swap3A_269 = arith.constant 336 : index
    %swap3A_270 = tpu.vector_load %arg18[%swap3A_269] {strides = array<i32>} : memref<1024xf32, #tpu.memory_space<vmem>>, vector<16xf32>,
    tpu.vector_store %arg18[%swap3A_269], %add3A_268 {strides = array<i32>} : memref<1024xf32, #tpu.memory_space<vmem>>, vector<16xf32>,
    %get3A_271 = arith.constant 352 : index
    %get3A_272 = tpu.vector_load %arg16[%get3A_271] {strides = array<i32>} : memref<1056xf32, #tpu.memory_space<vmem>>, vector<16xf32>,
    %add3A_273 = arith.addf %add3A_257, %get3A_272 : vector<16xf32>
    %get3A_274 = arith.constant 352 : index
    %get3A_275 = tpu.vector_load %arg17[%get3A_274] {strides = array<i32>} : memref<1024xf32, #tpu.memory_space<vmem>>, vector<16xf32>,
    %add3A_276 = arith.addf %add3A_273, %get3A_275 : vector<16xf32>
    %swap3A_277 = arith.constant 352 : index
    %swap3A_278 = tpu.vector_load %arg18[%swap3A_277] {strides = array<i32>} : memref<1024xf32, #tpu.memory_space<vmem>>, vector<16xf32>,
    tpu.vector_store %arg18[%swap3A_277], %add3A_276 {strides = array<i32>} : memref<1024xf32, #tpu.memory_space<vmem>>, vector<16xf32>,
    %get3A_279 = arith.constant 368 : index
    %get3A_280 = tpu.vector_load %arg16[%get3A_279] {strides = array<i32>} : memref<1056xf32, #tpu.memory_space<vmem>>, vector<16xf32>,
    %add3A_281 = arith.addf %add3A_265, %get3A_280 : vector<16xf32>
    %get3A_282 = arith.constant 368 : index
    %get3A_283 = tpu.vector_load %arg17[%get3A_282] {strides = array<i32>} : memref<1024xf32, #tpu.memory_space<vmem>>, vector<16xf32>,
    %add3A_284 = arith.addf %add3A_281, %get3A_283 : vector<16xf32>
    %swap3A_285 = arith.constant 368 : index
    %swap3A_286 = tpu.vector_load %arg18[%swap3A_285] {strides = array<i32>} : memref<1024xf32, #tpu.memory_space<vmem>>, vector<16xf32>,
    tpu.vector_store %arg18[%swap3A_285], %add3A_284 {strides = array<i32>} : memref<1024xf32, #tpu.memory_space<vmem>>, vector<16xf32>,
    %get3A_287 = arith.constant 384 : index
    %get3A_288 = tpu.vector_load %arg16[%get3A_287] {strides = array<i32>} : memref<1056xf32, #tpu.memory_space<vmem>>, vector<16xf32>,
    %add3A_289 = arith.addf %add3A_273, %get3A_288 : vector<16xf32>
    %get3A_290 = arith.constant 384 : index
    %get3A_291 = tpu.vector_load %arg17[%get3A_290] {strides = array<i32>} : memref<1024xf32, #tpu.memory_space<vmem>>, vector<16xf32>,
    %add3A_292 = arith.addf %add3A_289, %get3A_291 : vector<16xf32>
    %swap3A_293 = arith.constant 384 : index
    %swap3A_294 = tpu.vector_load %arg18[%swap3A_293] {strides = array<i32>} : memref<1024xf32, #tpu.memory_space<vmem>>, vector<16xf32>,
    tpu.vector_store %arg18[%swap3A_293], %add3A_292 {strides = array<i32>} : memref<1024xf32, #tpu.memory_space<vmem>>, vector<16xf32>,
    %get3A_295 = arith.constant 400 : index
    %get3A_296 = tpu.vector_load %arg16[%get3A_295] {strides = array<i32>} : memref<1056xf32, #tpu.memory_space<vmem>>, vector<16xf32>,
    %add3A_297 = arith.addf %add3A_281, %get3A_296 : vector<16xf32>
    %get3A_298 = arith.constant 400 : index
    %get3A_299 = tpu.vector_load %arg17[%get3A_298] {strides = array<i32>} : memref<1024xf32, #tpu.memory_space<vmem>>, vector<16xf32>,
    %add3A_300 = arith.addf %add3A_297, %get3A_299 : vector<16xf32>
    %swap3A_301 = arith.constant 400 : index
    %swap3A_302 = tpu.vector_load %arg18[%swap3A_301] {strides = array<i32>} : memref<1024xf32, #tpu.memory_space<vmem>>, vector<16xf32>,
    tpu.vector_store %arg18[%swap3A_301], %add3A_300 {strides = array<i32>} : memref<1024xf32, #tpu.memory_space<vmem>>, vector<16xf32>,
    %get3A_303 = arith.constant 416 : index
    %get3A_304 = tpu.vector_load %arg16[%get3A_303] {strides = array<i32>} : memref<1056xf32, #tpu.memory_space<vmem>>, vector<16xf32>,
    %add3A_305 = arith.addf %add3A_289, %get3A_304 : vector<16xf32>
    %get3A_306 = arith.constant 416 : index
    %get3A_307 = tpu.vector_load %arg17[%get3A_306] {strides = array<i32>} : memref<1024xf32, #tpu.memory_space<vmem>>, vector<16xf32>,
    %add3A_308 = arith.addf %add3A_305, %get3A_307 : vector<16xf32>
    %swap3A_309 = arith.constant 416 : index
    %swap3A_310 = tpu.vector_load %arg18[%swap3A_309] {strides = array<i32>} : memref<1024xf32, #tpu.memory_space<vmem>>, vector<16xf32>,
    tpu.vector_store %arg18[%swap3A_309], %add3A_308 {strides = array<i32>} : memref<1024xf32, #tpu.memory_space<vmem>>, vector<16xf32>,
    %get3A_311 = arith.constant 432 : index
    %get3A_312 = tpu.vector_load %arg16[%get3A_311] {strides = array<i32>} : memref<1056xf32, #tpu.memory_space<vmem>>, vector<16xf32>,
    %add3A_313 = arith.addf %add3A_297, %get3A_312 : vector<16xf32>
    %get3A_314 = arith.constant 432 : index
    %get3A_315 = tpu.vector_load %arg17[%get3A_314] {strides = array<i32>} : memref<1024xf32, #tpu.memory_space<vmem>>, vector<16xf32>,
    %add3A_316 = arith.addf %add3A_313, %get3A_315 : vector<16xf32>
    %swap3A_317 = arith.constant 432 : index
    %swap3A_318 = tpu.vector_load %arg18[%swap3A_317] {strides = array<i32>} : memref<1024xf32, #tpu.memory_space<vmem>>, vector<16xf32>,
    tpu.vector_store %arg18[%swap3A_317], %add3A_316 {strides = array<i32>} : memref<1024xf32, #tpu.memory_space<vmem>>, vector<16xf32>,
    %get3A_319 = arith.constant 448 : index
    %get3A_320 = tpu.vector_load %arg16[%get3A_319] {strides = array<i32>} : memref<1056xf32, #tpu.memory_space<vmem>>, vector<16xf32>,
    %add3A_321 = arith.addf %add3A_305, %get3A_320 : vector<16xf32>
    %get3A_322 = arith.constant 448 : index
    %get3A_323 = tpu.vector_load %arg17[%get3A_322] {strides = array<i32>} : memref<1024xf32, #tpu.memory_space<vmem>>, vector<16xf32>,
    %add3A_324 = arith.addf %add3A_321, %get3A_323 : vector<16xf32>
    %swap3A_325 = arith.constant 448 : index
    %swap3A_326 = tpu.vector_load %arg18[%swap3A_325] {strides = array<i32>} : memref<1024xf32, #tpu.memory_space<vmem>>, vector<16xf32>,
    tpu.vector_store %arg18[%swap3A_325], %add3A_324 {strides = array<i32>} : memref<1024xf32, #tpu.memory_space<vmem>>, vector<16xf32>,
    %get3A_327 = arith.constant 464 : index
    %get3A_328 = tpu.vector_load %arg16[%get3A_327] {strides = array<i32>} : memref<1056xf32, #tpu.memory_space<vmem>>, vector<16xf32>,
    %add3A_329 = arith.addf %add3A_313, %get3A_328 : vector<16xf32>
    %get3A_330 = arith.constant 464 : index
    %get3A_331 = tpu.vector_load %arg17[%get3A_330] {strides = array<i32>} : memref<1024xf32, #tpu.memory_space<vmem>>, vector<16xf32>,
    %add3A_332 = arith.addf %add3A_329, %get3A_331 : vector<16xf32>
    %swap3A_333 = arith.constant 464 : index
    %swap3A_334 = tpu.vector_load %arg18[%swap3A_333] {strides = array<i32>} : memref<1024xf32, #tpu.memory_space<vmem>>, vector<16xf32>,
    tpu.vector_store %arg18[%swap3A_333], %add3A_332 {strides = array<i32>} : memref<1024xf32, #tpu.memory_space<vmem>>, vector<16xf32>,
    %get3A_335 = arith.constant 480 : index
    %get3A_336 = tpu.vector_load %arg16[%get3A_335] {strides = array<i32>} : memref<1056xf32, #tpu.memory_space<vmem>>, vector<16xf32>,
    %add3A_337 = arith.addf %add3A_321, %get3A_336 : vector<16xf32>
    %get3A_338 = arith.constant 480 : index
    %get3A_339 = tpu.vector_load %arg17[%get3A_338] {strides = array<i32>} : memref<1024xf32, #tpu.memory_space<vmem>>, vector<16xf32>,
    %add3A_340 = arith.addf %add3A_337, %get3A_339 : vector<16xf32>
    %swap3A_341 = arith.constant 480 : index
    %swap3A_342 = tpu.vector_load %arg18[%swap3A_341] {strides = array<i32>} : memref<1024xf32, #tpu.memory_space<vmem>>, vector<16xf32>,
    tpu.vector_store %arg18[%swap3A_341], %add3A_340 {strides = array<i32>} : memref<1024xf32, #tpu.memory_space<vmem>>, vector<16xf32>,
    %get3A_343 = arith.constant 496 : index
    %get3A_344 = tpu.vector_load %arg16[%get3A_343] {strides = array<i32>} : memref<1056xf32, #tpu.memory_space<vmem>>, vector<16xf32>,
    %add3A_345 = arith.addf %add3A_329, %get3A_344 : vector<16xf32>
    %get3A_346 = arith.constant 496 : index
    %get3A_347 = tpu.vector_load %arg17[%get3A_346] {strides = array<i32>} : memref<1024xf32, #tpu.memory_space<vmem>>, vector<16xf32>,
    %add3A_348 = arith.addf %add3A_345, %get3A_347 : vector<16xf32>
    %swap3A_349 = arith.constant 496 : index
    %swap3A_350 = tpu.vector_load %arg18[%swap3A_349] {strides = array<i32>} : memref<1024xf32, #tpu.memory_space<vmem>>, vector<16xf32>,
    tpu.vector_store %arg18[%swap3A_349], %add3A_348 {strides = array<i32>} : memref<1024xf32, #tpu.memory_space<vmem>>, vector<16xf32>,
    %get3A_351 = arith.constant 512 : index
    %get3A_352 = tpu.vector_load %arg16[%get3A_351] {strides = array<i32>} : memref<1056xf32, #tpu.memory_space<vmem>>, vector<16xf32>,
    %add3A_353 = arith.addf %add3A_337, %get3A_352 : vector<16xf32>
    %get3A_354 = arith.constant 512 : index
    %get3A_355 = tpu.vector_load %arg17[%get3A_354] {strides = array<i32>} : memref<1024xf32, #tpu.memory_space<vmem>>, vector<16xf32>,
    %add3A_356 = arith.addf %add3A_353, %get3A_355 : vector<16xf32>
    %swap3A_357 = arith.constant 512 : index
    %swap3A_358 = tpu.vector_load %arg18[%swap3A_357] {strides = array<i32>} : memref<1024xf32, #tpu.memory_space<vmem>>, vector<16xf32>,
    tpu.vector_store %arg18[%swap3A_357], %add3A_356 {strides = array<i32>} : memref<1024xf32, #tpu.memory_space<vmem>>, vector<16xf32>,
    %get3A_359 = arith.constant 528 : index
    %get3A_360 = tpu.vector_load %arg16[%get3A_359] {strides = array<i32>} : memref<1056xf32, #tpu.memory_space<vmem>>, vector<16xf32>,
    %add3A_361 = arith.addf %add3A_345, %get3A_360 : vector<16xf32>
    %get3A_362 = arith.constant 528 : index
    %get3A_363 = tpu.vector_load %arg17[%get3A_362] {strides = array<i32>} : memref<1024xf32, #tpu.memory_space<vmem>>, vector<16xf32>,
    %add3A_364 = arith.addf %add3A_361, %get3A_363 : vector<16xf32>
    %swap3A_365 = arith.constant 528 : index
    %swap3A_366 = tpu.vector_load %arg18[%swap3A_365] {strides = array<i32>} : memref<1024xf32, #tpu.memory_space<vmem>>, vector<16xf32>,
    tpu.vector_store %arg18[%swap3A_365], %add3A_364 {strides = array<i32>} : memref<1024xf32, #tpu.memory_space<vmem>>, vector<16xf32>,
    %get3A_367 = arith.constant 544 : index
    %get3A_368 = tpu.vector_load %arg16[%get3A_367] {strides = array<i32>} : memref<1056xf32, #tpu.memory_space<vmem>>, vector<16xf32>,
    %add3A_369 = arith.addf %add3A_353, %get3A_368 : vector<16xf32>
    %get3A_370 = arith.constant 544 : index
    %get3A_371 = tpu.vector_load %arg17[%get3A_370] {strides = array<i32>} : memref<1024xf32, #tpu.memory_space<vmem>>, vector<16xf32>,
    %add3A_372 = arith.addf %add3A_369, %get3A_371 : vector<16xf32>
    %swap3A_373 = arith.constant 544 : index
    %swap3A_374 = tpu.vector_load %arg18[%swap3A_373] {strides = array<i32>} : memref<1024xf32, #tpu.memory_space<vmem>>, vector<16xf32>,
    tpu.vector_store %arg18[%swap3A_373], %add3A_372 {strides = array<i32>} : memref<1024xf32, #tpu.memory_space<vmem>>, vector<16xf32>,
    %get3A_375 = arith.constant 560 : index
    %get3A_376 = tpu.vector_load %arg16[%get3A_375] {strides = array<i32>} : memref<1056xf32, #tpu.memory_space<vmem>>, vector<16xf32>,
    %add3A_377 = arith.addf %add3A_361, %get3A_376 : vector<16xf32>
    %get3A_378 = arith.constant 560 : index
    %get3A_379 = tpu.vector_load %arg17[%get3A_378] {strides = array<i32>} : memref<1024xf32, #tpu.memory_space<vmem>>, vector<16xf32>,
    %add3A_380 = arith.addf %add3A_377, %get3A_379 : vector<16xf32>
    %swap3A_381 = arith.constant 560 : index
    %swap3A_382 = tpu.vector_load %arg18[%swap3A_381] {strides = array<i32>} : memref<1024xf32, #tpu.memory_space<vmem>>, vector<16xf32>,
    tpu.vector_store %arg18[%swap3A_381], %add3A_380 {strides = array<i32>} : memref<1024xf32, #tpu.memory_space<vmem>>, vector<16xf32>,
    %get3A_383 = arith.constant 576 : index
    %get3A_384 = tpu.vector_load %arg16[%get3A_383] {strides = array<i32>} : memref<1056xf32, #tpu.memory_space<vmem>>, vector<16xf32>,
    %add3A_385 = arith.addf %add3A_369, %get3A_384 : vector<16xf32>
    %get3A_386 = arith.constant 576 : index
    %get3A_387 = tpu.vector_load %arg17[%get3A_386] {strides = array<i32>} : memref<1024xf32, #tpu.memory_space<vmem>>, vector<16xf32>,
    %add3A_388 = arith.addf %add3A_385, %get3A_387 : vector<16xf32>
    %swap3A_389 = arith.constant 576 : index
    %swap3A_390 = tpu.vector_load %arg18[%swap3A_389] {strides = array<i32>} : memref<1024xf32, #tpu.memory_space<vmem>>, vector<16xf32>,
    tpu.vector_store %arg18[%swap3A_389], %add3A_388 {strides = array<i32>} : memref<1024xf32, #tpu.memory_space<vmem>>, vector<16xf32>,
    %get3A_391 = arith.constant 592 : index
    %get3A_392 = tpu.vector_load %arg16[%get3A_391] {strides = array<i32>} : memref<1056xf32, #tpu.memory_space<vmem>>, vector<16xf32>,
    %add3A_393 = arith.addf %add3A_377, %get3A_392 : vector<16xf32>
    %get3A_394 = arith.constant 592 : index
    %get3A_395 = tpu.vector_load %arg17[%get3A_394] {strides = array<i32>} : memref<1024xf32, #tpu.memory_space<vmem>>, vector<16xf32>,
    %add3A_396 = arith.addf %add3A_393, %get3A_395 : vector<16xf32>
    %swap3A_397 = arith.constant 592 : index
    %swap3A_398 = tpu.vector_load %arg18[%swap3A_397] {strides = array<i32>} : memref<1024xf32, #tpu.memory_space<vmem>>, vector<16xf32>,
    tpu.vector_store %arg18[%swap3A_397], %add3A_396 {strides = array<i32>} : memref<1024xf32, #tpu.memory_space<vmem>>, vector<16xf32>,
    %get3A_399 = arith.constant 608 : index
    %get3A_400 = tpu.vector_load %arg16[%get3A_399] {strides = array<i32>} : memref<1056xf32, #tpu.memory_space<vmem>>, vector<16xf32>,
    %add3A_401 = arith.addf %add3A_385, %get3A_400 : vector<16xf32>
    %get3A_402 = arith.constant 608 : index
    %get3A_403 = tpu.vector_load %arg17[%get3A_402] {strides = array<i32>} : memref<1024xf32, #tpu.memory_space<vmem>>, vector<16xf32>,
    %add3A_404 = arith.addf %add3A_401, %get3A_403 : vector<16xf32>
    %swap3A_405 = arith.constant 608 : index
    %swap3A_406 = tpu.vector_load %arg18[%swap3A_405] {strides = array<i32>} : memref<1024xf32, #tpu.memory_space<vmem>>, vector<16xf32>,
    tpu.vector_store %arg18[%swap3A_405], %add3A_404 {strides = array<i32>} : memref<1024xf32, #tpu.memory_space<vmem>>, vector<16xf32>,
    %get3A_407 = arith.constant 624 : index
    %get3A_408 = tpu.vector_load %arg16[%get3A_407] {strides = array<i32>} : memref<1056xf32, #tpu.memory_space<vmem>>, vector<16xf32>,
    %add3A_409 = arith.addf %add3A_393, %get3A_408 : vector<16xf32>
    %get3A_410 = arith.constant 624 : index
    %get3A_411 = tpu.vector_load %arg17[%get3A_410] {strides = array<i32>} : memref<1024xf32, #tpu.memory_space<vmem>>, vector<16xf32>,
    %add3A_412 = arith.addf %add3A_409, %get3A_411 : vector<16xf32>
    %swap3A_413 = arith.constant 624 : index
    %swap3A_414 = tpu.vector_load %arg18[%swap3A_413] {strides = array<i32>} : memref<1024xf32, #tpu.memory_space<vmem>>, vector<16xf32>,
    tpu.vector_store %arg18[%swap3A_413], %add3A_412 {strides = array<i32>} : memref<1024xf32, #tpu.memory_space<vmem>>, vector<16xf32>,
    %get3A_415 = arith.constant 640 : index
    %get3A_416 = tpu.vector_load %arg16[%get3A_415] {strides = array<i32>} : memref<1056xf32, #tpu.memory_space<vmem>>, vector<16xf32>,
    %add3A_417 = arith.addf %add3A_401, %get3A_416 : vector<16xf32>
    %get3A_418 = arith.constant 640 : index
    %get3A_419 = tpu.vector_load %arg17[%get3A_418] {strides = array<i32>} : memref<1024xf32, #tpu.memory_space<vmem>>, vector<16xf32>,
    %add3A_420 = arith.addf %add3A_417, %get3A_419 : vector<16xf32>
    %swap3A_421 = arith.constant 640 : index
    %swap3A_422 = tpu.vector_load %arg18[%swap3A_421] {strides = array<i32>} : memref<1024xf32, #tpu.memory_space<vmem>>, vector<16xf32>,
    tpu.vector_store %arg18[%swap3A_421], %add3A_420 {strides = array<i32>} : memref<1024xf32, #tpu.memory_space<vmem>>, vector<16xf32>,
    %get3A_423 = arith.constant 656 : index
    %get3A_424 = tpu.vector_load %arg16[%get3A_423] {strides = array<i32>} : memref<1056xf32, #tpu.memory_space<vmem>>, vector<16xf32>,
    %add3A_425 = arith.addf %add3A_409, %get3A_424 : vector<16xf32>
    %get3A_426 = arith.constant 656 : index
    %get3A_427 = tpu.vector_load %arg17[%get3A_426] {strides = array<i32>} : memref<1024xf32, #tpu.memory_space<vmem>>, vector<16xf32>,
    %add3A_428 = arith.addf %add3A_425, %get3A_427 : vector<16xf32>
    %swap3A_429 = arith.constant 656 : index
    %swap3A_430 = tpu.vector_load %arg18[%swap3A_429] {strides = array<i32>} : memref<1024xf32, #tpu.memory_space<vmem>>, vector<16xf32>,
    tpu.vector_store %arg18[%swap3A_429], %add3A_428 {strides = array<i32>} : memref<1024xf32, #tpu.memory_space<vmem>>, vector<16xf32>,
    %get3A_431 = arith.constant 672 : index
    %get3A_432 = tpu.vector_load %arg16[%get3A_431] {strides = array<i32>} : memref<1056xf32, #tpu.memory_space<vmem>>, vector<16xf32>,
    %add3A_433 = arith.addf %add3A_417, %get3A_432 : vector<16xf32>
    %get3A_434 = arith.constant 672 : index
    %get3A_435 = tpu.vector_load %arg17[%get3A_434] {strides = array<i32>} : memref<1024xf32, #tpu.memory_space<vmem>>, vector<16xf32>,
    %add3A_436 = arith.addf %add3A_433, %get3A_435 : vector<16xf32>
    %swap3A_437 = arith.constant 672 : index
    %swap3A_438 = tpu.vector_load %arg18[%swap3A_437] {strides = array<i32>} : memref<1024xf32, #tpu.memory_space<vmem>>, vector<16xf32>,
    tpu.vector_store %arg18[%swap3A_437], %add3A_436 {strides = array<i32>} : memref<1024xf32, #tpu.memory_space<vmem>>, vector<16xf32>,
    %get3A_439 = arith.constant 688 : index
    %get3A_440 = tpu.vector_load %arg16[%get3A_439] {strides = array<i32>} : memref<1056xf32, #tpu.memory_space<vmem>>, vector<16xf32>,
    %add3A_441 = arith.addf %add3A_425, %get3A_440 : vector<16xf32>
    %get3A_442 = arith.constant 688 : index
    %get3A_443 = tpu.vector_load %arg17[%get3A_442] {strides = array<i32>} : memref<1024xf32, #tpu.memory_space<vmem>>, vector<16xf32>,
    %add3A_444 = arith.addf %add3A_441, %get3A_443 : vector<16xf32>
    %swap3A_445 = arith.constant 688 : index
    %swap3A_446 = tpu.vector_load %arg18[%swap3A_445] {strides = array<i32>} : memref<1024xf32, #tpu.memory_space<vmem>>, vector<16xf32>,
    tpu.vector_store %arg18[%swap3A_445], %add3A_444 {strides = array<i32>} : memref<1024xf32, #tpu.memory_space<vmem>>, vector<16xf32>,
    %get3A_447 = arith.constant 704 : index
    %get3A_448 = tpu.vector_load %arg16[%get3A_447] {strides = array<i32>} : memref<1056xf32, #tpu.memory_space<vmem>>, vector<16xf32>,
    %add3A_449 = arith.addf %add3A_433, %get3A_448 : vector<16xf32>
    %get3A_450 = arith.constant 704 : index
    %get3A_451 = tpu.vector_load %arg17[%get3A_450] {strides = array<i32>} : memref<1024xf32, #tpu.memory_space<vmem>>, vector<16xf32>,
    %add3A_452 = arith.addf %add3A_449, %get3A_451 : vector<16xf32>
    %swap3A_453 = arith.constant 704 : index
    %swap3A_454 = tpu.vector_load %arg18[%swap3A_453] {strides = array<i32>} : memref<1024xf32, #tpu.memory_space<vmem>>, vector<16xf32>,
    tpu.vector_store %arg18[%swap3A_453], %add3A_452 {strides = array<i32>} : memref<1024xf32, #tpu.memory_space<vmem>>, vector<16xf32>,
    %get3A_455 = arith.constant 720 : index
    %get3A_456 = tpu.vector_load %arg16[%get3A_455] {strides = array<i32>} : memref<1056xf32, #tpu.memory_space<vmem>>, vector<16xf32>,
    %add3A_457 = arith.addf %add3A_441, %get3A_456 : vector<16xf32>
    %get3A_458 = arith.constant 720 : index
    %get3A_459 = tpu.vector_load %arg17[%get3A_458] {strides = array<i32>} : memref<1024xf32, #tpu.memory_space<vmem>>, vector<16xf32>,
    %add3A_460 = arith.addf %add3A_457, %get3A_459 : vector<16xf32>
    %swap3A_461 = arith.constant 720 : index
    %swap3A_462 = tpu.vector_load %arg18[%swap3A_461] {strides = array<i32>} : memref<1024xf32, #tpu.memory_space<vmem>>, vector<16xf32>,
    tpu.vector_store %arg18[%swap3A_461], %add3A_460 {strides = array<i32>} : memref<1024xf32, #tpu.memory_space<vmem>>, vector<16xf32>,
    %get3A_463 = arith.constant 736 : index
    %get3A_464 = tpu.vector_load %arg16[%get3A_463] {strides = array<i32>} : memref<1056xf32, #tpu.memory_space<vmem>>, vector<16xf32>,
    %add3A_465 = arith.addf %add3A_449, %get3A_464 : vector<16xf32>
    %get3A_466 = arith.constant 736 : index
    %get3A_467 = tpu.vector_load %arg17[%get3A_466] {strides = array<i32>} : memref<1024xf32, #tpu.memory_space<vmem>>, vector<16xf32>,
    %add3A_468 = arith.addf %add3A_465, %get3A_467 : vector<16xf32>
    %swap3A_469 = arith.constant 736 : index
    %swap3A_470 = tpu.vector_load %arg18[%swap3A_469] {strides = array<i32>} : memref<1024xf32, #tpu.memory_space<vmem>>, vector<16xf32>,
    tpu.vector_store %arg18[%swap3A_469], %add3A_468 {strides = array<i32>} : memref<1024xf32, #tpu.memory_space<vmem>>, vector<16xf32>,
    %get3A_471 = arith.constant 752 : index
    %get3A_472 = tpu.vector_load %arg16[%get3A_471] {strides = array<i32>} : memref<1056xf32, #tpu.memory_space<vmem>>, vector<16xf32>,
    %add3A_473 = arith.addf %add3A_457, %get3A_472 : vector<16xf32>
    %get3A_474 = arith.constant 752 : index
    %get3A_475 = tpu.vector_load %arg17[%get3A_474] {strides = array<i32>} : memref<1024xf32, #tpu.memory_space<vmem>>, vector<16xf32>,
    %add3A_476 = arith.addf %add3A_473, %get3A_475 : vector<16xf32>
    %swap3A_477 = arith.constant 752 : index
    %swap3A_478 = tpu.vector_load %arg18[%swap3A_477] {strides = array<i32>} : memref<1024xf32, #tpu.memory_space<vmem>>, vector<16xf32>,
    tpu.vector_store %arg18[%swap3A_477], %add3A_476 {strides = array<i32>} : memref<1024xf32, #tpu.memory_space<vmem>>, vector<16xf32>,
    %get3A_479 = arith.constant 768 : index
    %get3A_480 = tpu.vector_load %arg16[%get3A_479] {strides = array<i32>} : memref<1056xf32, #tpu.memory_space<vmem>>, vector<16xf32>,
    %add3A_481 = arith.addf %add3A_465, %get3A_480 : vector<16xf32>
    %get3A_482 = arith.constant 768 : index
    %get3A_483 = tpu.vector_load %arg17[%get3A_482] {strides = array<i32>} : memref<1024xf32, #tpu.memory_space<vmem>>, vector<16xf32>,
    %add3A_484 = arith.addf %add3A_481, %get3A_483 : vector<16xf32>
    %swap3A_485 = arith.constant 768 : index
    %swap3A_486 = tpu.vector_load %arg18[%swap3A_485] {strides = array<i32>} : memref<1024xf32, #tpu.memory_space<vmem>>, vector<16xf32>,
    tpu.vector_store %arg18[%swap3A_485], %add3A_484 {strides = array<i32>} : memref<1024xf32, #tpu.memory_space<vmem>>, vector<16xf32>,
    %get3A_487 = arith.constant 784 : index
    %get3A_488 = tpu.vector_load %arg16[%get3A_487] {strides = array<i32>} : memref<1056xf32, #tpu.memory_space<vmem>>, vector<16xf32>,
    %add3A_489 = arith.addf %add3A_473, %get3A_488 : vector<16xf32>
    %get3A_490 = arith.constant 784 : index
    %get3A_491 = tpu.vector_load %arg17[%get3A_490] {strides = array<i32>} : memref<1024xf32, #tpu.memory_space<vmem>>, vector<16xf32>,
    %add3A_492 = arith.addf %add3A_489, %get3A_491 : vector<16xf32>
    %swap3A_493 = arith.constant 784 : index
    %swap3A_494 = tpu.vector_load %arg18[%swap3A_493] {strides = array<i32>} : memref<1024xf32, #tpu.memory_space<vmem>>, vector<16xf32>,
    tpu.vector_store %arg18[%swap3A_493], %add3A_492 {strides = array<i32>} : memref<1024xf32, #tpu.memory_space<vmem>>, vector<16xf32>,
    %get3A_495 = arith.constant 800 : index
    %get3A_496 = tpu.vector_load %arg16[%get3A_495] {strides = array<i32>} : memref<1056xf32, #tpu.memory_space<vmem>>, vector<16xf32>,
    %add3A_497 = arith.addf %add3A_481, %get3A_496 : vector<16xf32>
    %get3A_498 = arith.constant 800 : index
    %get3A_499 = tpu.vector_load %arg17[%get3A_498] {strides = array<i32>} : memref<1024xf32, #tpu.memory_space<vmem>>, vector<16xf32>,
    %add3A_500 = arith.addf %add3A_497, %get3A_499 : vector<16xf32>
    %swap3A_501 = arith.constant 800 : index
    %swap3A_502 = tpu.vector_load %arg18[%swap3A_501] {strides = array<i32>} : memref<1024xf32, #tpu.memory_space<vmem>>, vector<16xf32>,
    tpu.vector_store %arg18[%swap3A_501], %add3A_500 {strides = array<i32>} : memref<1024xf32, #tpu.memory_space<vmem>>, vector<16xf32>,
    %get3A_503 = arith.constant 816 : index
    %get3A_504 = tpu.vector_load %arg16[%get3A_503] {strides = array<i32>} : memref<1056xf32, #tpu.memory_space<vmem>>, vector<16xf32>,
    %add3A_505 = arith.addf %add3A_489, %get3A_504 : vector<16xf32>
    %get3A_506 = arith.constant 816 : index
    %get3A_507 = tpu.vector_load %arg17[%get3A_506] {strides = array<i32>} : memref<1024xf32, #tpu.memory_space<vmem>>, vector<16xf32>,
    %add3A_508 = arith.addf %add3A_505, %get3A_507 : vector<16xf32>
    %swap3A_509 = arith.constant 816 : index
    %swap3A_510 = tpu.vector_load %arg18[%swap3A_509] {strides = array<i32>} : memref<1024xf32, #tpu.memory_space<vmem>>, vector<16xf32>,
    tpu.vector_store %arg18[%swap3A_509], %add3A_508 {strides = array<i32>} : memref<1024xf32, #tpu.memory_space<vmem>>, vector<16xf32>,
    %get3A_511 = arith.constant 832 : index
    %get3A_512 = tpu.vector_load %arg16[%get3A_511] {strides = array<i32>} : memref<1056xf32, #tpu.memory_space<vmem>>, vector<16xf32>,
    %add3A_513 = arith.addf %add3A_497, %get3A_512 : vector<16xf32>
    %get3A_514 = arith.constant 832 : index
    %get3A_515 = tpu.vector_load %arg17[%get3A_514] {strides = array<i32>} : memref<1024xf32, #tpu.memory_space<vmem>>, vector<16xf32>,
    %add3A_516 = arith.addf %add3A_513, %get3A_515 : vector<16xf32>
    %swap3A_517 = arith.constant 832 : index
    %swap3A_518 = tpu.vector_load %arg18[%swap3A_517] {strides = array<i32>} : memref<1024xf32, #tpu.memory_space<vmem>>, vector<16xf32>,
    tpu.vector_store %arg18[%swap3A_517], %add3A_516 {strides = array<i32>} : memref<1024xf32, #tpu.memory_space<vmem>>, vector<16xf32>,
    %get3A_519 = arith.constant 848 : index
    %get3A_520 = tpu.vector_load %arg16[%get3A_519] {strides = array<i32>} : memref<1056xf32, #tpu.memory_space<vmem>>, vector<16xf32>,
    %add3A_521 = arith.addf %add3A_505, %get3A_520 : vector<16xf32>
    %get3A_522 = arith.constant 848 : index
    %get3A_523 = tpu.vector_load %arg17[%get3A_522] {strides = array<i32>} : memref<1024xf32, #tpu.memory_space<vmem>>, vector<16xf32>,
    %add3A_524 = arith.addf %add3A_521, %get3A_523 : vector<16xf32>
    %swap3A_525 = arith.constant 848 : index
    %swap3A_526 = tpu.vector_load %arg18[%swap3A_525] {strides = array<i32>} : memref<1024xf32, #tpu.memory_space<vmem>>, vector<16xf32>,
    tpu.vector_store %arg18[%swap3A_525], %add3A_524 {strides = array<i32>} : memref<1024xf32, #tpu.memory_space<vmem>>, vector<16xf32>,
    %get3A_527 = arith.constant 864 : index
    %get3A_528 = tpu.vector_load %arg16[%get3A_527] {strides = array<i32>} : memref<1056xf32, #tpu.memory_space<vmem>>, vector<16xf32>,
    %add3A_529 = arith.addf %add3A_513, %get3A_528 : vector<16xf32>
    %get3A_530 = arith.constant 864 : index
    %get3A_531 = tpu.vector_load %arg17[%get3A_530] {strides = array<i32>} : memref<1024xf32, #tpu.memory_space<vmem>>, vector<16xf32>,
    %add3A_532 = arith.addf %add3A_529, %get3A_531 : vector<16xf32>
    %swap3A_533 = arith.constant 864 : index
    %swap3A_534 = tpu.vector_load %arg18[%swap3A_533] {strides = array<i32>} : memref<1024xf32, #tpu.memory_space<vmem>>, vector<16xf32>,
    tpu.vector_store %arg18[%swap3A_533], %add3A_532 {strides = array<i32>} : memref<1024xf32, #tpu.memory_space<vmem>>, vector<16xf32>,
    %get3A_535 = arith.constant 880 : index
    %get3A_536 = tpu.vector_load %arg16[%get3A_535] {strides = array<i32>} : memref<1056xf32, #tpu.memory_space<vmem>>, vector<16xf32>,
    %add3A_537 = arith.addf %add3A_521, %get3A_536 : vector<16xf32>
    %get3A_538 = arith.constant 880 : index
    %get3A_539 = tpu.vector_load %arg17[%get3A_538] {strides = array<i32>} : memref<1024xf32, #tpu.memory_space<vmem>>, vector<16xf32>,
    %add3A_540 = arith.addf %add3A_537, %get3A_539 : vector<16xf32>
    %swap3A_541 = arith.constant 880 : index
    %swap3A_542 = tpu.vector_load %arg18[%swap3A_541] {strides = array<i32>} : memref<1024xf32, #tpu.memory_space<vmem>>, vector<16xf32>,
    tpu.vector_store %arg18[%swap3A_541], %add3A_540 {strides = array<i32>} : memref<1024xf32, #tpu.memory_space<vmem>>, vector<16xf32>,
    %get3A_543 = arith.constant 896 : index
    %get3A_544 = tpu.vector_load %arg16[%get3A_543] {strides = array<i32>} : memref<1056xf32, #tpu.memory_space<vmem>>, vector<16xf32>,
    %add3A_545 = arith.addf %add3A_529, %get3A_544 : vector<16xf32>
    %get3A_546 = arith.constant 896 : index
    %get3A_547 = tpu.vector_load %arg17[%get3A_546] {strides = array<i32>} : memref<1024xf32, #tpu.memory_space<vmem>>, vector<16xf32>,
    %add3A_548 = arith.addf %add3A_545, %get3A_547 : vector<16xf32>
    %swap3A_549 = arith.constant 896 : index
    %swap3A_550 = tpu.vector_load %arg18[%swap3A_549] {strides = array<i32>} : memref<1024xf32, #tpu.memory_space<vmem>>, vector<16xf32>,
    tpu.vector_store %arg18[%swap3A_549], %add3A_548 {strides = array<i32>} : memref<1024xf32, #tpu.memory_space<vmem>>, vector<16xf32>,
    %get3A_551 = arith.constant 912 : index
    %get3A_552 = tpu.vector_load %arg16[%get3A_551] {strides = array<i32>} : memref<1056xf32, #tpu.memory_space<vmem>>, vector<16xf32>,
    %add3A_553 = arith.addf %add3A_537, %get3A_552 : vector<16xf32>
    %get3A_554 = arith.constant 912 : index
    %get3A_555 = tpu.vector_load %arg17[%get3A_554] {strides = array<i32>} : memref<1024xf32, #tpu.memory_space<vmem>>, vector<16xf32>,
    %add3A_556 = arith.addf %add3A_553, %get3A_555 : vector<16xf32>
    %swap3A_557 = arith.constant 912 : index
    %swap3A_558 = tpu.vector_load %arg18[%swap3A_557] {strides = array<i32>} : memref<1024xf32, #tpu.memory_space<vmem>>, vector<16xf32>,
    tpu.vector_store %arg18[%swap3A_557], %add3A_556 {strides = array<i32>} : memref<1024xf32, #tpu.memory_space<vmem>>, vector<16xf32>,
    %get3A_559 = arith.constant 928 : index
    %get3A_560 = tpu.vector_load %arg16[%get3A_559] {strides = array<i32>} : memref<1056xf32, #tpu.memory_space<vmem>>, vector<16xf32>,
    %add3A_561 = arith.addf %add3A_545, %get3A_560 : vector<16xf32>
    %get3A_562 = arith.constant 928 : index
    %get3A_563 = tpu.vector_load %arg17[%get3A_562] {strides = array<i32>} : memref<1024xf32, #tpu.memory_space<vmem>>, vector<16xf32>,
    %add3A_564 = arith.addf %add3A_561, %get3A_563 : vector<16xf32>
    %swap3A_565 = arith.constant 928 : index
    %swap3A_566 = tpu.vector_load %arg18[%swap3A_565] {strides = array<i32>} : memref<1024xf32, #tpu.memory_space<vmem>>, vector<16xf32>,
    tpu.vector_store %arg18[%swap3A_565], %add3A_564 {strides = array<i32>} : memref<1024xf32, #tpu.memory_space<vmem>>, vector<16xf32>,
    %get3A_567 = arith.constant 944 : index
    %get3A_568 = tpu.vector_load %arg16[%get3A_567] {strides = array<i32>} : memref<1056xf32, #tpu.memory_space<vmem>>, vector<16xf32>,
    %add3A_569 = arith.addf %add3A_553, %get3A_568 : vector<16xf32>
    %get3A_570 = arith.constant 944 : index
    %get3A_571 = tpu.vector_load %arg17[%get3A_570] {strides = array<i32>} : memref<1024xf32, #tpu.memory_space<vmem>>, vector<16xf32>,
    %add3A_572 = arith.addf %add3A_569, %get3A_571 : vector<16xf32>
    %swap3A_573 = arith.constant 944 : index
    %swap3A_574 = tpu.vector_load %arg18[%swap3A_573] {strides = array<i32>} : memref<1024xf32, #tpu.memory_space<vmem>>, vector<16xf32>,
    tpu.vector_store %arg18[%swap3A_573], %add3A_572 {strides = array<i32>} : memref<1024xf32, #tpu.memory_space<vmem>>, vector<16xf32>,
    %get3A_575 = arith.constant 960 : index
    %get3A_576 = tpu.vector_load %arg16[%get3A_575] {strides = array<i32>} : memref<1056xf32, #tpu.memory_space<vmem>>, vector<16xf32>,
    %add3A_577 = arith.addf %add3A_561, %get3A_576 : vector<16xf32>
    %get3A_578 = arith.constant 960 : index
    %get3A_579 = tpu.vector_load %arg17[%get3A_578] {strides = array<i32>} : memref<1024xf32, #tpu.memory_space<vmem>>, vector<16xf32>,
    %add3A_580 = arith.addf %add3A_577, %get3A_579 : vector<16xf32>
    %swap3A_581 = arith.constant 960 : index
    %swap3A_582 = tpu.vector_load %arg18[%swap3A_581] {strides = array<i32>} : memref<1024xf32, #tpu.memory_space<vmem>>, vector<16xf32>,
    tpu.vector_store %arg18[%swap3A_581], %add3A_580 {strides = array<i32>} : memref<1024xf32, #tpu.memory_space<vmem>>, vector<16xf32>,
    %get3A_583 = arith.constant 976 : index
    %get3A_584 = tpu.vector_load %arg16[%get3A_583] {strides = array<i32>} : memref<1056xf32, #tpu.memory_space<vmem>>, vector<16xf32>,
    %add3A_585 = arith.addf %add3A_569, %get3A_584 : vector<16xf32>
    %get3A_586 = arith.constant 976 : index
    %get3A_587 = tpu.vector_load %arg17[%get3A_586] {strides = array<i32>} : memref<1024xf32, #tpu.memory_space<vmem>>, vector<16xf32>,
    %add3A_588 = arith.addf %add3A_585, %get3A_587 : vector<16xf32>
    %swap3A_589 = arith.constant 976 : index
    %swap3A_590 = tpu.vector_load %arg18[%swap3A_589] {strides = array<i32>} : memref<1024xf32, #tpu.memory_space<vmem>>, vector<16xf32>,
    tpu.vector_store %arg18[%swap3A_589], %add3A_588 {strides = array<i32>} : memref<1024xf32, #tpu.memory_space<vmem>>, vector<16xf32>,
    %get3A_591 = arith.constant 992 : index
    %get3A_592 = tpu.vector_load %arg16[%get3A_591] {strides = array<i32>} : memref<1056xf32, #tpu.memory_space<vmem>>, vector<16xf32>,
    %add3A_593 = arith.addf %add3A_577, %get3A_592 : vector<16xf32>
    %get3A_594 = arith.constant 992 : index
    %get3A_595 = tpu.vector_load %arg17[%get3A_594] {strides = array<i32>} : memref<1024xf32, #tpu.memory_space<vmem>>, vector<16xf32>,
    %add3A_596 = arith.addf %add3A_593, %get3A_595 : vector<16xf32>
    %swap3A_597 = arith.constant 992 : index
    %swap3A_598 = tpu.vector_load %arg18[%swap3A_597] {strides = array<i32>} : memref<1024xf32, #tpu.memory_space<vmem>>, vector<16xf32>,
    tpu.vector_store %arg18[%swap3A_597], %add3A_596 {strides = array<i32>} : memref<1024xf32, #tpu.memory_space<vmem>>, vector<16xf32>,
    %get3A_599 = arith.constant 1008 : index
    %get3A_600 = tpu.vector_load %arg16[%get3A_599] {strides = array<i32>} : memref<1056xf32, #tpu.memory_space<vmem>>, vector<16xf32>,
    %add3A_601 = arith.addf %add3A_585, %get3A_600 : vector<16xf32>
    %get3A_602 = arith.constant 1008 : index
    %get3A_603 = tpu.vector_load %arg17[%get3A_602] {strides = array<i32>} : memref<1024xf32, #tpu.memory_space<vmem>>, vector<16xf32>,
    %add3A_604 = arith.addf %add3A_601, %get3A_603 : vector<16xf32>
    %swap3A_605 = arith.constant 1008 : index
    %swap3A_606 = tpu.vector_load %arg18[%swap3A_605] {strides = array<i32>} : memref<1024xf32, #tpu.memory_space<vmem>>, vector<16xf32>,
    tpu.vector_store %arg18[%swap3A_605], %add3A_604 {strides = array<i32>} : memref<1024xf32, #tpu.memory_space<vmem>>, vector<16xf32>,
    "tpu.region"() ({
      %run_scoped3A = tpu.sem_alloc : memref<!tpu.dma_semaphore, #tpu.memory_space<semaphore_mem>>
      %dma_start3A = arith.constant 0 : i32
      %dma_start3A_607 = tpu.memref_slice %arg7[%arg0, %arg1, %dma_start3A] : memref<2x16x1024xf32, #tpu.memory_space<hbm>> -> memref<1x1x1024xf32, #tpu.memory_space<hbm>>
      %dma_start3A_608 = tpu.memref_squeeze %dma_start3A_607 : memref<1x1x1024xf32, #tpu.memory_space<hbm>> -> memref<1024xf32, #tpu.memory_space<hbm>>
      %dma_start3A_609 = arith.constant 0 : i32
      %dma_start3A_610 = tpu.memref_slice %arg7[%arg0, %arg1, %dma_start3A_609] : memref<2x16x1024xf32, #tpu.memory_space<hbm>> -> memref<1x1x1024xf32, #tpu.memory_space<hbm>>
      %dma_start3A_611 = tpu.memref_squeeze %dma_start3A_610 : memref<1x1x1024xf32, #tpu.memory_space<hbm>> -> memref<1024xf32, #tpu.memory_space<hbm>>
      tpu.enqueue_dma source(%arg18 : memref<1024xf32, #tpu.memory_space<vmem>>) target(%dma_start3A_611 : memref<1024xf32, #tpu.memory_space<hbm>>) target_semaphore(%run_scoped3A : memref<!tpu.dma_semaphore, #tpu.memory_space<semaphore_mem>>)
      %dma_wait3A = arith.constant 0 : i32
      %dma_wait3A_612 = tpu.memref_slice %arg7[%arg0, %arg1, %dma_wait3A] : memref<2x16x1024xf32, #tpu.memory_space<hbm>> -> memref<1x1x1024xf32, #tpu.memory_space<hbm>>
      %dma_wait3A_613 = tpu.memref_squeeze %dma_wait3A_612 : memref<1x1x1024xf32, #tpu.memory_space<hbm>> -> memref<1024xf32, #tpu.memory_space<hbm>>
      %dma_wait3A_614 = arith.constant 0 : i32
      %dma_wait3A_615 = tpu.memref_slice %arg7[%arg0, %arg1, %dma_wait3A_614] : memref<2x16x1024xf32, #tpu.memory_space<hbm>> -> memref<1x1x1024xf32, #tpu.memory_space<hbm>>
      %dma_wait3A_616 = tpu.memref_squeeze %dma_wait3A_615 : memref<1x1x1024xf32, #tpu.memory_space<hbm>> -> memref<1024xf32, #tpu.memory_space<hbm>>
      tpu.wait_dma2 semaphore(%run_scoped3A : memref<!tpu.dma_semaphore, #tpu.memory_space<semaphore_mem>>) src(%arg18 : memref<1024xf32, #tpu.memory_space<vmem>>) dst(%dma_wait3A_616 : memref<1024xf32, #tpu.memory_space<hbm>>)
      tpu.yield
    }) : () -> ()
    return
  }
}

module attributes {stable_mosaic.version = 14 : i64} {
  func.func @_tc_kernel(%arg0: i32, %arg1: memref<3x4096xf32, #tpu.memory_space<vmem>>, %arg2: memref<4096x1xi32, #tpu.memory_space<vmem>>, %arg3: memref<32x3xf32, #tpu.memory_space<vmem>>, %arg4: memref<1024x16xf32, #tpu.memory_space<vmem>>) attributes {dimension_semantics = [#tpu.dimension_semantics<arbitrary>], iteration_bounds = array<i64: 8>, scalar_prefetch = 0 : i64, scratch_operands = 0 : i64, tpu.core_type = #tpu.core_type<tc>, window_params = [{transform_indices = @transform_0, window_bounds = array<i64: 3, 4096>}, {transform_indices = @transform_1, window_bounds = array<i64: 4096, 1>}, {pipeline_mode = #tpu.pipeline_mode<synchronous>, transform_indices = @transform_2, window_bounds = array<i64: 32, 3>}, {pipeline_mode = #tpu.pipeline_mode<synchronous>, transform_indices = @transform_3, window_bounds = array<i64: 1024, 16>}]} {
    %eq3A = arith.constant 0 : i32
    %eq3A_0 = arith.cmpi eq, %arg0, %eq3A : i32
    %convert_element_type3A = arith.extui %eq3A_0 : i1 to i32
    %cond3A = arith.constant 0 : i32
    %cond3A_1 = arith.cmpi ne, %convert_element_type3A, %cond3A : i32
    scf.if %cond3A_1 {
      %broadcast_in_dim3A = arith.constant 0.000000e+00 : f32
      %broadcast_in_dim3A_327 = vector.broadcast %broadcast_in_dim3A : f32 to vector<1024x16xf32>
      %swap3A_328 = arith.constant 0 : index
      %swap3A_329 = arith.constant 0 : index
      %swap3A_330 = vector.load %arg4[%swap3A_328, %swap3A_329] : memref<1024x16xf32, #tpu.memory_space<vmem>>, vector<1024x16xf32>
      tpu.vector_store %arg4[%swap3A_328, %swap3A_329], %broadcast_in_dim3A_327 {strides = array<i32>} : memref<1024x16xf32, #tpu.memory_space<vmem>>, vector<1024x16xf32>,
    } else {
    }
    %get3A = arith.constant 0 : index
    %get3A_2 = arith.constant 0 : index
    %get3A_3 = vector.load %arg3[%get3A, %get3A_2] : memref<32x3xf32, #tpu.memory_space<vmem>>, vector<32x3xf32>
    %get3A_4 = arith.constant 0 : index
    %get3A_5 = arith.constant 0 : index
    %get3A_6 = vector.load %arg1[%get3A_4, %get3A_5] : memref<3x4096xf32, #tpu.memory_space<vmem>>, vector<3x4096xf32>
    %dot_general3A = arith.constant dense<0.000000e+00> : vector<32x4096xf32>
    %dot_general3A_7 = tpu.matmul %get3A_3, %get3A_6, %dot_general3A {dimension_numbers = #tpu.dot_dimension_numbers<[1], [0], [0], [1], [0, 0, 1, 1], [], []>, transpose_lhs_hint = false} : vector<32x3xf32>, vector<3x4096xf32>, vector<32x4096xf32> -> vector<32x4096xf32>
    %sub3A = arith.constant -56.7741928 : f32
    %sub3A_8 = vector.broadcast %sub3A : f32 to vector<32x4096xf32>
    %sub3A_9 = arith.subf %dot_general3A_7, %sub3A_8 : vector<32x4096xf32>
    %jit3A = arith.constant -8.800000e+01 : f32
    %jit3A_10 = arith.constant 8.800000e+01 : f32
    %max3A = vector.broadcast %jit3A : f32 to vector<32x4096xf32>
    %max3A_11 = arith.maximumf %max3A, %sub3A_9 : vector<32x4096xf32>
    %min3A = vector.broadcast %jit3A_10 : f32 to vector<32x4096xf32>
    %min3A_12 = arith.minimumf %min3A, %max3A_11 : vector<32x4096xf32>
    %exp3A = math.exp %min3A_12 : vector<32x4096xf32>
    %convert_element_type3A_13 = arith.truncf %exp3A : vector<32x4096xf32> to vector<32x4096xbf16>
    %sub3A_14 = arith.constant 56.7741928 : f32
    %sub3A_15 = vector.broadcast %sub3A_14 : f32 to vector<32x4096xf32>
    %sub3A_16 = arith.subf %dot_general3A_7, %sub3A_15 : vector<32x4096xf32>
    %jit3A_17 = arith.constant -8.800000e+01 : f32
    %jit3A_18 = arith.constant 8.800000e+01 : f32
    %max3A_19 = vector.broadcast %jit3A_17 : f32 to vector<32x4096xf32>
    %max3A_20 = arith.maximumf %max3A_19, %sub3A_16 : vector<32x4096xf32>
    %min3A_21 = vector.broadcast %jit3A_18 : f32 to vector<32x4096xf32>
    %min3A_22 = arith.minimumf %min3A_21, %max3A_20 : vector<32x4096xf32>
    %exp3A_23 = math.exp %min3A_22 : vector<32x4096xf32>
    %convert_element_type3A_24 = arith.truncf %exp3A_23 : vector<32x4096xf32> to vector<32x4096xbf16>
    %mul3A = arith.constant 1.304550e+23 : bf16
    %mul3A_25 = vector.broadcast %mul3A : bf16 to vector<32x4096xbf16>
    %mul3A_26 = arith.mulf %convert_element_type3A_13, %mul3A_25 : vector<32x4096xbf16>
    %add3A = arith.constant 1.000000e+00 : bf16
    %add3A_27 = vector.broadcast %add3A : bf16 to vector<32x4096xbf16>
    %add3A_28 = arith.addf %add3A_27, %mul3A_26 : vector<32x4096xbf16>
    %div3A = arith.constant 1.000000e+00 : bf16
    %div3A_29 = vector.broadcast %div3A : bf16 to vector<32x4096xbf16>
    %div3A_30 = arith.divf %div3A_29, %add3A_28 : vector<32x4096xbf16>
    %mul3A_31 = arith.constant 1.077980e+20 : bf16
    %mul3A_32 = vector.broadcast %mul3A_31 : bf16 to vector<32x4096xbf16>
    %mul3A_33 = arith.mulf %convert_element_type3A_13, %mul3A_32 : vector<32x4096xbf16>
    %add3A_34 = arith.constant 1.000000e+00 : bf16
    %add3A_35 = vector.broadcast %add3A_34 : bf16 to vector<32x4096xbf16>
    %add3A_36 = arith.addf %add3A_35, %mul3A_33 : vector<32x4096xbf16>
    %div3A_37 = arith.constant 1.000000e+00 : bf16
    %div3A_38 = vector.broadcast %div3A_37 : bf16 to vector<32x4096xbf16>
    %div3A_39 = arith.divf %div3A_38, %add3A_36 : vector<32x4096xbf16>
    %mul3A_40 = arith.constant 8.950900e+16 : bf16
    %mul3A_41 = vector.broadcast %mul3A_40 : bf16 to vector<32x4096xbf16>
    %mul3A_42 = arith.mulf %convert_element_type3A_13, %mul3A_41 : vector<32x4096xbf16>
    %add3A_43 = arith.constant 1.000000e+00 : bf16
    %add3A_44 = vector.broadcast %add3A_43 : bf16 to vector<32x4096xbf16>
    %add3A_45 = arith.addf %add3A_44, %mul3A_42 : vector<32x4096xbf16>
    %div3A_46 = arith.constant 1.000000e+00 : bf16
    %div3A_47 = vector.broadcast %div3A_46 : bf16 to vector<32x4096xbf16>
    %div3A_48 = arith.divf %div3A_47, %add3A_45 : vector<32x4096xbf16>
    %mul3A_49 = arith.constant 7.421700e+13 : bf16
    %mul3A_50 = vector.broadcast %mul3A_49 : bf16 to vector<32x4096xbf16>
    %mul3A_51 = arith.mulf %convert_element_type3A_13, %mul3A_50 : vector<32x4096xbf16>
    %add3A_52 = arith.constant 1.000000e+00 : bf16
    %add3A_53 = vector.broadcast %add3A_52 : bf16 to vector<32x4096xbf16>
    %add3A_54 = arith.addf %add3A_53, %mul3A_51 : vector<32x4096xbf16>
    %div3A_55 = arith.constant 1.000000e+00 : bf16
    %div3A_56 = vector.broadcast %div3A_55 : bf16 to vector<32x4096xbf16>
    %div3A_57 = arith.divf %div3A_56, %add3A_54 : vector<32x4096xbf16>
    %mul3A_58 = arith.constant 6.120330e+10 : bf16
    %mul3A_59 = vector.broadcast %mul3A_58 : bf16 to vector<32x4096xbf16>
    %mul3A_60 = arith.mulf %convert_element_type3A_13, %mul3A_59 : vector<32x4096xbf16>
    %add3A_61 = arith.constant 1.000000e+00 : bf16
    %add3A_62 = vector.broadcast %add3A_61 : bf16 to vector<32x4096xbf16>
    %add3A_63 = arith.addf %add3A_62, %mul3A_60 : vector<32x4096xbf16>
    %div3A_64 = arith.constant 1.000000e+00 : bf16
    %div3A_65 = vector.broadcast %div3A_64 : bf16 to vector<32x4096xbf16>
    %div3A_66 = arith.divf %div3A_65, %add3A_63 : vector<32x4096xbf16>
    %mul3A_67 = arith.constant 5.085590e+07 : bf16
    %mul3A_68 = vector.broadcast %mul3A_67 : bf16 to vector<32x4096xbf16>
    %mul3A_69 = arith.mulf %convert_element_type3A_13, %mul3A_68 : vector<32x4096xbf16>
    %add3A_70 = arith.constant 1.000000e+00 : bf16
    %add3A_71 = vector.broadcast %add3A_70 : bf16 to vector<32x4096xbf16>
    %add3A_72 = arith.addf %add3A_71, %mul3A_69 : vector<32x4096xbf16>
    %div3A_73 = arith.constant 1.000000e+00 : bf16
    %div3A_74 = vector.broadcast %div3A_73 : bf16 to vector<32x4096xbf16>
    %div3A_75 = arith.divf %div3A_74, %add3A_72 : vector<32x4096xbf16>
    %mul3A_76 = arith.constant 4.198400e+04 : bf16
    %mul3A_77 = vector.broadcast %mul3A_76 : bf16 to vector<32x4096xbf16>
    %mul3A_78 = arith.mulf %convert_element_type3A_13, %mul3A_77 : vector<32x4096xbf16>
    %add3A_79 = arith.constant 1.000000e+00 : bf16
    %add3A_80 = vector.broadcast %add3A_79 : bf16 to vector<32x4096xbf16>
    %add3A_81 = arith.addf %add3A_80, %mul3A_78 : vector<32x4096xbf16>
    %div3A_82 = arith.constant 1.000000e+00 : bf16
    %div3A_83 = vector.broadcast %div3A_82 : bf16 to vector<32x4096xbf16>
    %div3A_84 = arith.divf %div3A_83, %add3A_81 : vector<32x4096xbf16>
    %mul3A_85 = arith.constant 3.475000e+01 : bf16
    %mul3A_86 = vector.broadcast %mul3A_85 : bf16 to vector<32x4096xbf16>
    %mul3A_87 = arith.mulf %convert_element_type3A_13, %mul3A_86 : vector<32x4096xbf16>
    %add3A_88 = arith.constant 1.000000e+00 : bf16
    %add3A_89 = vector.broadcast %add3A_88 : bf16 to vector<32x4096xbf16>
    %add3A_90 = arith.addf %add3A_89, %mul3A_87 : vector<32x4096xbf16>
    %div3A_91 = arith.constant 1.000000e+00 : bf16
    %div3A_92 = vector.broadcast %div3A_91 : bf16 to vector<32x4096xbf16>
    %div3A_93 = arith.divf %div3A_92, %add3A_90 : vector<32x4096xbf16>
    %mul3A_94 = arith.constant 2.880860e-02 : bf16
    %mul3A_95 = vector.broadcast %mul3A_94 : bf16 to vector<32x4096xbf16>
    %mul3A_96 = arith.mulf %convert_element_type3A_13, %mul3A_95 : vector<32x4096xbf16>
    %add3A_97 = arith.constant 1.000000e+00 : bf16
    %add3A_98 = vector.broadcast %add3A_97 : bf16 to vector<32x4096xbf16>
    %add3A_99 = arith.addf %add3A_98, %mul3A_96 : vector<32x4096xbf16>
    %div3A_100 = arith.constant 1.000000e+00 : bf16
    %div3A_101 = vector.broadcast %div3A_100 : bf16 to vector<32x4096xbf16>
    %div3A_102 = arith.divf %div3A_101, %add3A_99 : vector<32x4096xbf16>
    %mul3A_103 = arith.constant 2.384190e-05 : bf16
    %mul3A_104 = vector.broadcast %mul3A_103 : bf16 to vector<32x4096xbf16>
    %mul3A_105 = arith.mulf %convert_element_type3A_13, %mul3A_104 : vector<32x4096xbf16>
    %add3A_106 = arith.constant 1.000000e+00 : bf16
    %add3A_107 = vector.broadcast %add3A_106 : bf16 to vector<32x4096xbf16>
    %add3A_108 = arith.addf %add3A_107, %mul3A_105 : vector<32x4096xbf16>
    %div3A_109 = arith.constant 1.000000e+00 : bf16
    %div3A_110 = vector.broadcast %div3A_109 : bf16 to vector<32x4096xbf16>
    %div3A_111 = arith.divf %div3A_110, %add3A_108 : vector<32x4096xbf16>
    %mul3A_112 = arith.constant 1.967420e-08 : bf16
    %mul3A_113 = vector.broadcast %mul3A_112 : bf16 to vector<32x4096xbf16>
    %mul3A_114 = arith.mulf %convert_element_type3A_13, %mul3A_113 : vector<32x4096xbf16>
    %add3A_115 = arith.constant 1.000000e+00 : bf16
    %add3A_116 = vector.broadcast %add3A_115 : bf16 to vector<32x4096xbf16>
    %add3A_117 = arith.addf %add3A_116, %mul3A_114 : vector<32x4096xbf16>
    %div3A_118 = arith.constant 1.000000e+00 : bf16
    %div3A_119 = vector.broadcast %div3A_118 : bf16 to vector<32x4096xbf16>
    %div3A_120 = arith.divf %div3A_119, %add3A_117 : vector<32x4096xbf16>
    %mul3A_121 = arith.constant 1.637090e-11 : bf16
    %mul3A_122 = vector.broadcast %mul3A_121 : bf16 to vector<32x4096xbf16>
    %mul3A_123 = arith.mulf %convert_element_type3A_13, %mul3A_122 : vector<32x4096xbf16>
    %add3A_124 = arith.constant 1.000000e+00 : bf16
    %add3A_125 = vector.broadcast %add3A_124 : bf16 to vector<32x4096xbf16>
    %add3A_126 = arith.addf %add3A_125, %mul3A_123 : vector<32x4096xbf16>
    %div3A_127 = arith.constant 1.000000e+00 : bf16
    %div3A_128 = vector.broadcast %div3A_127 : bf16 to vector<32x4096xbf16>
    %div3A_129 = arith.divf %div3A_128, %add3A_126 : vector<32x4096xbf16>
    %mul3A_130 = arith.constant 1.348920e-14 : bf16
    %mul3A_131 = vector.broadcast %mul3A_130 : bf16 to vector<32x4096xbf16>
    %mul3A_132 = arith.mulf %convert_element_type3A_13, %mul3A_131 : vector<32x4096xbf16>
    %add3A_133 = arith.constant 1.000000e+00 : bf16
    %add3A_134 = vector.broadcast %add3A_133 : bf16 to vector<32x4096xbf16>
    %add3A_135 = arith.addf %add3A_134, %mul3A_132 : vector<32x4096xbf16>
    %div3A_136 = arith.constant 1.000000e+00 : bf16
    %div3A_137 = vector.broadcast %div3A_136 : bf16 to vector<32x4096xbf16>
    %div3A_138 = arith.divf %div3A_137, %add3A_135 : vector<32x4096xbf16>
    %mul3A_139 = arith.constant 1.116730e-17 : bf16
    %mul3A_140 = vector.broadcast %mul3A_139 : bf16 to vector<32x4096xbf16>
    %mul3A_141 = arith.mulf %convert_element_type3A_13, %mul3A_140 : vector<32x4096xbf16>
    %add3A_142 = arith.constant 1.000000e+00 : bf16
    %add3A_143 = vector.broadcast %add3A_142 : bf16 to vector<32x4096xbf16>
    %add3A_144 = arith.addf %add3A_143, %mul3A_141 : vector<32x4096xbf16>
    %div3A_145 = arith.constant 1.000000e+00 : bf16
    %div3A_146 = vector.broadcast %div3A_145 : bf16 to vector<32x4096xbf16>
    %div3A_147 = arith.divf %div3A_146, %add3A_144 : vector<32x4096xbf16>
    %mul3A_148 = arith.constant 9.264420e-21 : bf16
    %mul3A_149 = vector.broadcast %mul3A_148 : bf16 to vector<32x4096xbf16>
    %mul3A_150 = arith.mulf %convert_element_type3A_13, %mul3A_149 : vector<32x4096xbf16>
    %add3A_151 = arith.constant 1.000000e+00 : bf16
    %add3A_152 = vector.broadcast %add3A_151 : bf16 to vector<32x4096xbf16>
    %add3A_153 = arith.addf %add3A_152, %mul3A_150 : vector<32x4096xbf16>
    %div3A_154 = arith.constant 1.000000e+00 : bf16
    %div3A_155 = vector.broadcast %div3A_154 : bf16 to vector<32x4096xbf16>
    %div3A_156 = arith.divf %div3A_155, %add3A_153 : vector<32x4096xbf16>
    %mul3A_157 = arith.constant 7.651420e-24 : bf16
    %mul3A_158 = vector.broadcast %mul3A_157 : bf16 to vector<32x4096xbf16>
    %mul3A_159 = arith.mulf %convert_element_type3A_13, %mul3A_158 : vector<32x4096xbf16>
    %add3A_160 = arith.constant 1.000000e+00 : bf16
    %add3A_161 = vector.broadcast %add3A_160 : bf16 to vector<32x4096xbf16>
    %add3A_162 = arith.addf %add3A_161, %mul3A_159 : vector<32x4096xbf16>
    %div3A_163 = arith.constant 1.000000e+00 : bf16
    %div3A_164 = vector.broadcast %div3A_163 : bf16 to vector<32x4096xbf16>
    %div3A_165 = arith.divf %div3A_164, %add3A_162 : vector<32x4096xbf16>
    %mul3A_166 = arith.constant 1.304550e+23 : bf16
    %mul3A_167 = vector.broadcast %mul3A_166 : bf16 to vector<32x4096xbf16>
    %mul3A_168 = arith.mulf %convert_element_type3A_24, %mul3A_167 : vector<32x4096xbf16>
    %add3A_169 = arith.constant 1.000000e+00 : bf16
    %add3A_170 = vector.broadcast %add3A_169 : bf16 to vector<32x4096xbf16>
    %add3A_171 = arith.addf %add3A_170, %mul3A_168 : vector<32x4096xbf16>
    %div3A_172 = arith.constant 1.000000e+00 : bf16
    %div3A_173 = vector.broadcast %div3A_172 : bf16 to vector<32x4096xbf16>
    %div3A_174 = arith.divf %div3A_173, %add3A_171 : vector<32x4096xbf16>
    %mul3A_175 = arith.constant 1.077980e+20 : bf16
    %mul3A_176 = vector.broadcast %mul3A_175 : bf16 to vector<32x4096xbf16>
    %mul3A_177 = arith.mulf %convert_element_type3A_24, %mul3A_176 : vector<32x4096xbf16>
    %add3A_178 = arith.constant 1.000000e+00 : bf16
    %add3A_179 = vector.broadcast %add3A_178 : bf16 to vector<32x4096xbf16>
    %add3A_180 = arith.addf %add3A_179, %mul3A_177 : vector<32x4096xbf16>
    %div3A_181 = arith.constant 1.000000e+00 : bf16
    %div3A_182 = vector.broadcast %div3A_181 : bf16 to vector<32x4096xbf16>
    %div3A_183 = arith.divf %div3A_182, %add3A_180 : vector<32x4096xbf16>
    %mul3A_184 = arith.constant 8.950900e+16 : bf16
    %mul3A_185 = vector.broadcast %mul3A_184 : bf16 to vector<32x4096xbf16>
    %mul3A_186 = arith.mulf %convert_element_type3A_24, %mul3A_185 : vector<32x4096xbf16>
    %add3A_187 = arith.constant 1.000000e+00 : bf16
    %add3A_188 = vector.broadcast %add3A_187 : bf16 to vector<32x4096xbf16>
    %add3A_189 = arith.addf %add3A_188, %mul3A_186 : vector<32x4096xbf16>
    %div3A_190 = arith.constant 1.000000e+00 : bf16
    %div3A_191 = vector.broadcast %div3A_190 : bf16 to vector<32x4096xbf16>
    %div3A_192 = arith.divf %div3A_191, %add3A_189 : vector<32x4096xbf16>
    %mul3A_193 = arith.constant 7.421700e+13 : bf16
    %mul3A_194 = vector.broadcast %mul3A_193 : bf16 to vector<32x4096xbf16>
    %mul3A_195 = arith.mulf %convert_element_type3A_24, %mul3A_194 : vector<32x4096xbf16>
    %add3A_196 = arith.constant 1.000000e+00 : bf16
    %add3A_197 = vector.broadcast %add3A_196 : bf16 to vector<32x4096xbf16>
    %add3A_198 = arith.addf %add3A_197, %mul3A_195 : vector<32x4096xbf16>
    %div3A_199 = arith.constant 1.000000e+00 : bf16
    %div3A_200 = vector.broadcast %div3A_199 : bf16 to vector<32x4096xbf16>
    %div3A_201 = arith.divf %div3A_200, %add3A_198 : vector<32x4096xbf16>
    %mul3A_202 = arith.constant 6.120330e+10 : bf16
    %mul3A_203 = vector.broadcast %mul3A_202 : bf16 to vector<32x4096xbf16>
    %mul3A_204 = arith.mulf %convert_element_type3A_24, %mul3A_203 : vector<32x4096xbf16>
    %add3A_205 = arith.constant 1.000000e+00 : bf16
    %add3A_206 = vector.broadcast %add3A_205 : bf16 to vector<32x4096xbf16>
    %add3A_207 = arith.addf %add3A_206, %mul3A_204 : vector<32x4096xbf16>
    %div3A_208 = arith.constant 1.000000e+00 : bf16
    %div3A_209 = vector.broadcast %div3A_208 : bf16 to vector<32x4096xbf16>
    %div3A_210 = arith.divf %div3A_209, %add3A_207 : vector<32x4096xbf16>
    %mul3A_211 = arith.constant 5.085590e+07 : bf16
    %mul3A_212 = vector.broadcast %mul3A_211 : bf16 to vector<32x4096xbf16>
    %mul3A_213 = arith.mulf %convert_element_type3A_24, %mul3A_212 : vector<32x4096xbf16>
    %add3A_214 = arith.constant 1.000000e+00 : bf16
    %add3A_215 = vector.broadcast %add3A_214 : bf16 to vector<32x4096xbf16>
    %add3A_216 = arith.addf %add3A_215, %mul3A_213 : vector<32x4096xbf16>
    %div3A_217 = arith.constant 1.000000e+00 : bf16
    %div3A_218 = vector.broadcast %div3A_217 : bf16 to vector<32x4096xbf16>
    %div3A_219 = arith.divf %div3A_218, %add3A_216 : vector<32x4096xbf16>
    %mul3A_220 = arith.constant 4.198400e+04 : bf16
    %mul3A_221 = vector.broadcast %mul3A_220 : bf16 to vector<32x4096xbf16>
    %mul3A_222 = arith.mulf %convert_element_type3A_24, %mul3A_221 : vector<32x4096xbf16>
    %add3A_223 = arith.constant 1.000000e+00 : bf16
    %add3A_224 = vector.broadcast %add3A_223 : bf16 to vector<32x4096xbf16>
    %add3A_225 = arith.addf %add3A_224, %mul3A_222 : vector<32x4096xbf16>
    %div3A_226 = arith.constant 1.000000e+00 : bf16
    %div3A_227 = vector.broadcast %div3A_226 : bf16 to vector<32x4096xbf16>
    %div3A_228 = arith.divf %div3A_227, %add3A_225 : vector<32x4096xbf16>
    %mul3A_229 = arith.constant 3.475000e+01 : bf16
    %mul3A_230 = vector.broadcast %mul3A_229 : bf16 to vector<32x4096xbf16>
    %mul3A_231 = arith.mulf %convert_element_type3A_24, %mul3A_230 : vector<32x4096xbf16>
    %add3A_232 = arith.constant 1.000000e+00 : bf16
    %add3A_233 = vector.broadcast %add3A_232 : bf16 to vector<32x4096xbf16>
    %add3A_234 = arith.addf %add3A_233, %mul3A_231 : vector<32x4096xbf16>
    %div3A_235 = arith.constant 1.000000e+00 : bf16
    %div3A_236 = vector.broadcast %div3A_235 : bf16 to vector<32x4096xbf16>
    %div3A_237 = arith.divf %div3A_236, %add3A_234 : vector<32x4096xbf16>
    %mul3A_238 = arith.constant 2.880860e-02 : bf16
    %mul3A_239 = vector.broadcast %mul3A_238 : bf16 to vector<32x4096xbf16>
    %mul3A_240 = arith.mulf %convert_element_type3A_24, %mul3A_239 : vector<32x4096xbf16>
    %add3A_241 = arith.constant 1.000000e+00 : bf16
    %add3A_242 = vector.broadcast %add3A_241 : bf16 to vector<32x4096xbf16>
    %add3A_243 = arith.addf %add3A_242, %mul3A_240 : vector<32x4096xbf16>
    %div3A_244 = arith.constant 1.000000e+00 : bf16
    %div3A_245 = vector.broadcast %div3A_244 : bf16 to vector<32x4096xbf16>
    %div3A_246 = arith.divf %div3A_245, %add3A_243 : vector<32x4096xbf16>
    %mul3A_247 = arith.constant 2.384190e-05 : bf16
    %mul3A_248 = vector.broadcast %mul3A_247 : bf16 to vector<32x4096xbf16>
    %mul3A_249 = arith.mulf %convert_element_type3A_24, %mul3A_248 : vector<32x4096xbf16>
    %add3A_250 = arith.constant 1.000000e+00 : bf16
    %add3A_251 = vector.broadcast %add3A_250 : bf16 to vector<32x4096xbf16>
    %add3A_252 = arith.addf %add3A_251, %mul3A_249 : vector<32x4096xbf16>
    %div3A_253 = arith.constant 1.000000e+00 : bf16
    %div3A_254 = vector.broadcast %div3A_253 : bf16 to vector<32x4096xbf16>
    %div3A_255 = arith.divf %div3A_254, %add3A_252 : vector<32x4096xbf16>
    %mul3A_256 = arith.constant 1.967420e-08 : bf16
    %mul3A_257 = vector.broadcast %mul3A_256 : bf16 to vector<32x4096xbf16>
    %mul3A_258 = arith.mulf %convert_element_type3A_24, %mul3A_257 : vector<32x4096xbf16>
    %add3A_259 = arith.constant 1.000000e+00 : bf16
    %add3A_260 = vector.broadcast %add3A_259 : bf16 to vector<32x4096xbf16>
    %add3A_261 = arith.addf %add3A_260, %mul3A_258 : vector<32x4096xbf16>
    %div3A_262 = arith.constant 1.000000e+00 : bf16
    %div3A_263 = vector.broadcast %div3A_262 : bf16 to vector<32x4096xbf16>
    %div3A_264 = arith.divf %div3A_263, %add3A_261 : vector<32x4096xbf16>
    %mul3A_265 = arith.constant 1.637090e-11 : bf16
    %mul3A_266 = vector.broadcast %mul3A_265 : bf16 to vector<32x4096xbf16>
    %mul3A_267 = arith.mulf %convert_element_type3A_24, %mul3A_266 : vector<32x4096xbf16>
    %add3A_268 = arith.constant 1.000000e+00 : bf16
    %add3A_269 = vector.broadcast %add3A_268 : bf16 to vector<32x4096xbf16>
    %add3A_270 = arith.addf %add3A_269, %mul3A_267 : vector<32x4096xbf16>
    %div3A_271 = arith.constant 1.000000e+00 : bf16
    %div3A_272 = vector.broadcast %div3A_271 : bf16 to vector<32x4096xbf16>
    %div3A_273 = arith.divf %div3A_272, %add3A_270 : vector<32x4096xbf16>
    %mul3A_274 = arith.constant 1.348920e-14 : bf16
    %mul3A_275 = vector.broadcast %mul3A_274 : bf16 to vector<32x4096xbf16>
    %mul3A_276 = arith.mulf %convert_element_type3A_24, %mul3A_275 : vector<32x4096xbf16>
    %add3A_277 = arith.constant 1.000000e+00 : bf16
    %add3A_278 = vector.broadcast %add3A_277 : bf16 to vector<32x4096xbf16>
    %add3A_279 = arith.addf %add3A_278, %mul3A_276 : vector<32x4096xbf16>
    %div3A_280 = arith.constant 1.000000e+00 : bf16
    %div3A_281 = vector.broadcast %div3A_280 : bf16 to vector<32x4096xbf16>
    %div3A_282 = arith.divf %div3A_281, %add3A_279 : vector<32x4096xbf16>
    %mul3A_283 = arith.constant 1.116730e-17 : bf16
    %mul3A_284 = vector.broadcast %mul3A_283 : bf16 to vector<32x4096xbf16>
    %mul3A_285 = arith.mulf %convert_element_type3A_24, %mul3A_284 : vector<32x4096xbf16>
    %add3A_286 = arith.constant 1.000000e+00 : bf16
    %add3A_287 = vector.broadcast %add3A_286 : bf16 to vector<32x4096xbf16>
    %add3A_288 = arith.addf %add3A_287, %mul3A_285 : vector<32x4096xbf16>
    %div3A_289 = arith.constant 1.000000e+00 : bf16
    %div3A_290 = vector.broadcast %div3A_289 : bf16 to vector<32x4096xbf16>
    %div3A_291 = arith.divf %div3A_290, %add3A_288 : vector<32x4096xbf16>
    %mul3A_292 = arith.constant 9.264420e-21 : bf16
    %mul3A_293 = vector.broadcast %mul3A_292 : bf16 to vector<32x4096xbf16>
    %mul3A_294 = arith.mulf %convert_element_type3A_24, %mul3A_293 : vector<32x4096xbf16>
    %add3A_295 = arith.constant 1.000000e+00 : bf16
    %add3A_296 = vector.broadcast %add3A_295 : bf16 to vector<32x4096xbf16>
    %add3A_297 = arith.addf %add3A_296, %mul3A_294 : vector<32x4096xbf16>
    %div3A_298 = arith.constant 1.000000e+00 : bf16
    %div3A_299 = vector.broadcast %div3A_298 : bf16 to vector<32x4096xbf16>
    %div3A_300 = arith.divf %div3A_299, %add3A_297 : vector<32x4096xbf16>
    %mul3A_301 = arith.constant 7.651420e-24 : bf16
    %mul3A_302 = vector.broadcast %mul3A_301 : bf16 to vector<32x4096xbf16>
    %mul3A_303 = arith.mulf %convert_element_type3A_24, %mul3A_302 : vector<32x4096xbf16>
    %add3A_304 = arith.constant 1.000000e+00 : bf16
    %add3A_305 = vector.broadcast %add3A_304 : bf16 to vector<32x4096xbf16>
    %add3A_306 = arith.addf %add3A_305, %mul3A_303 : vector<32x4096xbf16>
    %div3A_307 = arith.constant 1.000000e+00 : bf16
    %div3A_308 = vector.broadcast %div3A_307 : bf16 to vector<32x4096xbf16>
    %div3A_309 = arith.divf %div3A_308, %add3A_306 : vector<32x4096xbf16>
    %concatenate3A = tpu.concatenate %div3A_30, %div3A_39, %div3A_48, %div3A_57, %div3A_66, %div3A_75, %div3A_84, %div3A_93, %div3A_102, %div3A_111, %div3A_120, %div3A_129, %div3A_138, %div3A_147, %div3A_156, %div3A_165, %div3A_174, %div3A_183, %div3A_192, %div3A_201, %div3A_210, %div3A_219, %div3A_228, %div3A_237, %div3A_246, %div3A_255, %div3A_264, %div3A_273, %div3A_282, %div3A_291, %div3A_300, %div3A_309 in 0 : vector<32x4096xbf16>, vector<32x4096xbf16>, vector<32x4096xbf16>, vector<32x4096xbf16>, vector<32x4096xbf16>, vector<32x4096xbf16>, vector<32x4096xbf16>, vector<32x4096xbf16>, vector<32x4096xbf16>, vector<32x4096xbf16>, vector<32x4096xbf16>, vector<32x4096xbf16>, vector<32x4096xbf16>, vector<32x4096xbf16>, vector<32x4096xbf16>, vector<32x4096xbf16>, vector<32x4096xbf16>, vector<32x4096xbf16>, vector<32x4096xbf16>, vector<32x4096xbf16>, vector<32x4096xbf16>, vector<32x4096xbf16>, vector<32x4096xbf16>, vector<32x4096xbf16>, vector<32x4096xbf16>, vector<32x4096xbf16>, vector<32x4096xbf16>, vector<32x4096xbf16>, vector<32x4096xbf16>, vector<32x4096xbf16>, vector<32x4096xbf16>, vector<32x4096xbf16> -> vector<1024x4096xbf16>
    %get3A_310 = arith.constant 0 : index
    %get3A_311 = arith.constant 0 : index
    %get3A_312 = vector.load %arg2[%get3A_310, %get3A_311] : memref<4096x1xi32, #tpu.memory_space<vmem>>, vector<4096x1xi32>
    %iota3A = tpu.iota {dimensions = array<i32: 1>} : vector<1x16xi32>
    %eq3A_313 = vector.broadcast %get3A_312 : vector<4096x1xi32> to vector<4096x16xi32>
    %eq3A_314 = vector.broadcast %iota3A : vector<1x16xi32> to vector<4096x16xi32>
    %eq3A_315 = arith.cmpi eq, %eq3A_313, %eq3A_314 : vector<4096x16xi32>
    %convert_element_type3A_316 = arith.extui %eq3A_315 : vector<4096x16xi1> to vector<4096x16xi32>
    %convert_element_type3A_317 = arith.sitofp %convert_element_type3A_316 : vector<4096x16xi32> to vector<4096x16xf32>
    %convert_element_type3A_318 = arith.truncf %convert_element_type3A_317 : vector<4096x16xf32> to vector<4096x16xbf16>
    %get3A_319 = arith.constant 0 : index
    %get3A_320 = arith.constant 0 : index
    %get3A_321 = vector.load %arg4[%get3A_319, %get3A_320] : memref<1024x16xf32, #tpu.memory_space<vmem>>, vector<1024x16xf32>
    %dot_general3A_322 = arith.constant dense<0.000000e+00> : vector<1024x16xf32>
    %dot_general3A_323 = tpu.matmul %concatenate3A, %convert_element_type3A_318, %dot_general3A_322 {dimension_numbers = #tpu.dot_dimension_numbers<[1], [0], [0], [1], [0, 0, 1, 1], [], []>, transpose_lhs_hint = false} : vector<1024x4096xbf16>, vector<4096x16xbf16>, vector<1024x16xf32> -> vector<1024x16xf32>
    %add3A_324 = arith.addf %get3A_321, %dot_general3A_323 : vector<1024x16xf32>
    %swap3A = arith.constant 0 : index
    %swap3A_325 = arith.constant 0 : index
    %swap3A_326 = vector.load %arg4[%swap3A, %swap3A_325] : memref<1024x16xf32, #tpu.memory_space<vmem>>, vector<1024x16xf32>
    tpu.vector_store %arg4[%swap3A, %swap3A_325], %add3A_324 {strides = array<i32>} : memref<1024x16xf32, #tpu.memory_space<vmem>>, vector<1024x16xf32>,
    return
  }
  func.func @transform_0(%arg0: i32) -> (i32, i32) {
    %c0_i32 = arith.constant 0 : i32
    %c0_i32_0 = arith.constant 0 : i32
    return %c0_i32, %arg0 : i32, i32
  }
  func.func @transform_1(%arg0: i32) -> (i32, i32) {
    %c0_i32 = arith.constant 0 : i32
    %c0_i32_0 = arith.constant 0 : i32
    return %arg0, %c0_i32 : i32, i32
  }
  func.func @transform_2(%arg0: i32) -> (i32, i32) {
    %c0_i32 = arith.constant 0 : i32
    %c0_i32_0 = arith.constant 0 : i32
    %c0_i32_1 = arith.constant 0 : i32
    return %c0_i32, %c0_i32_0 : i32, i32
  }
  func.func @transform_3(%arg0: i32) -> (i32, i32) {
    %c0_i32 = arith.constant 0 : i32
    %c0_i32_0 = arith.constant 0 : i32
    %c0_i32_1 = arith.constant 0 : i32
    return %c0_i32, %c0_i32_0 : i32, i32
  }
}

</mosaic_0001>

<sc_bundles>
// kernel: kernel.4.cloned.1.call-start
scs
__scs_entry_jumppad:
0x0: {  	(pc) =	sbr.rel $0x88, $3  }
0x1: {  	(tag) =	ssettag $0x0;
	lr =	simm.s32 $0x1  }
0x2: {  	[smem:$0x3F9E] =	sst lr;
	_ =	strace $0xD0000000  }
0x3: {  	_ = 	snop  }
0x4: {  	_ = 	snop  }
0x5: {  	_ = 	snop  }
0x6: {  	_ = 	snop  }
0x7: {  	_ = 	snop  }
__scs_overlays_trampoline_lowered:
0x8: {  	[smem:$0x3FAD] =	sst s0  }
0x9: {  	[smem:$0x3FAE] =	sst s1  }
0xa: {  	[smem:$0x3FAF] =	sst s2  }
0xb: {  	[smem:$0x3FB0] =	sst s3  }
0xc: {  	[smem:$0x3FB1] =	sst s4  }
0xd: {  	[smem:$0x3FB2] =	sst s5  }
0xe: {  	[smem:$0x3FB3] =	sst s6  }
0xf: {  	[smem:$0x3FB4] =	sst s7  }
0x10: {  	[smem:$0x3FB5] =	sst s8  }
0x11: {  	[smem:$0x3FB6] =	sst s9;
	s0 =	simm.s32 @!p0 $0x0  }
0x12: {  	s1 =	sld [smem:$0x3F9C];
	s0 =	simm.s32 @p0 $0x1  }
0x13: {  	[smem:$0x3FB7] =	sst s0;
	s0 =	simm.s32 @!p1 $0x0  }
0x14: {  	s2 =	sld [smem:$0x3F9B];
	s0 =	simm.s32 @p1 $0x1  }
0x15: {  	[smem:$0x3FB8] =	sst s0;
	s0 =	simm.s32 @!p2 $0x0  }
0x16: {  	s3 =	sld [smem:$0x3FDB];
	s0 =	simm.s32 @p2 $0x1  }
0x17: {  	s4 =	simm.s32 $0x1BF5;
	[smem:$0x3FBA] =	sst s0  }
0x18: {  	s0 =	sld [smem:$0x3F9D];
	_ =	swait.ge [sflag:s4], $0x0  }
0x19: {  	s7 =	sld [smem:$0x3F9E]  }
0x1a: {  	s8 =	sadd.s32 $0xFFFFE003, lr  }
0x1b: {  	s9 =	sadd.s32 $0xFFFFFEF7, lr;
	s5 =	simm.s32 $0xFFFFFFFF;
	p2 =	slt.u32 s8, $0xFFFFF086  }
0x1c: {  	p1 =	slt.u32 s9, $0xF7A;
	s5 =	simm.s32 @!p2 $0x0  }
0x1d: {  	s5 =	simm.s32 @p1 $0x1;
	p0 =	seq.s32 s7, s2  }
0x1e: {  	s7 =	smul.u32 @!p0 $0xF7A, s2;
	p2 =	seq.s32 @!p0 s5, $0x0  }
0x1f: {  	s9 =	smul.u32 $0xF7A, s1;
	s8 =	simm.s32 @!p0 $0x1BF5;
	p2 =	por !p2, p0  }
0x20: {  	[sflag:s8] =	ssyncset.s32 @!p0 $0xFFFFF086;
	s6 =	sadd.s32 @!p0 s3, s7;
	s7 =	simm.s32 @!p0 $0x108  }
0x21: {  	s3 =	sadd.s32 s3, s9;
	s6 =	sadd.s32 @!p0 $0x88, s6;
	s7 =	simm.s32 @p2 $0x1082  }
0x22: {  	[simem:s7], [sflag:s8] =	dma.local @!p0 [hbm:s6], $0xF7A  }
0x23: {  	s9 =	sor.u32 $0xD0000000, s2;
	s6 =	simm.s32 $0x108;
	_ =	swait.ge @!p0 [sflag:s8], $0x0  }
0x24: {  	s3 =	sadd.s32 $0x88, s3;
	s6 =	simm.s32 @!p1 $0x1082;
	[sflag:s4] =	ssyncset.s32 $0xFFFFF086  }
0x25: {  	[simem:s6], [sflag:s4] =	dma.local [hbm:s3], $0xF7A  }
0x26: {  	[smem:$0x3F9E] =	sst s1;
	(tag) =	ssettag s2;
	_ =	strace s9  }
0x27: {  	s1 =	sld [smem:$0x3FAE]  }
0x28: {  	s2 =	sld [smem:$0x3FAF]  }
0x29: {  	s4 =	sld [smem:$0x3FB1]  }
0x2a: {  	p0 =	seq.s32 s5, $0x0;
	s5 =	sld [smem:$0x3FB2]  }
0x2b: {  	s6 =	sld [smem:$0x3FB3]  }
0x2c: {  	s7 =	sld [smem:$0x3FB4]  }
0x2d: {  	s3 =	simm.s32 $0x108;
	s8 =	sld [smem:$0x3FB5]  }
0x2e: {  	s3 =	simm.s32 @!p0 $0x1082;
	s9 =	sld [smem:$0x3FB6]  }
0x2f: {  	lr =	sadd.s32 s0, s3;
	s0 =	sld [smem:$0x3FAD]  }
0x30: {  	s3 =	sld [smem:$0x3FB0]  }
0x31: {  	[smem:$0x3FB9] =	sst s10  }
0x32: {  	s10 =	sld [smem:$0x3FB7];
	_ =	sdelay $0x3  }
0x33: {  	p0 =	seq.s32 s10, $0x1;
	s10 =	sld [smem:$0x3FB9];
	_ =	sdelay $0x3  }
0x34: {  	[smem:$0x3FB9] =	sst s10  }
0x35: {  	s10 =	sld [smem:$0x3FB8];
	_ =	sdelay $0x3  }
0x36: {  	p1 =	seq.s32 s10, $0x1;
	s10 =	sld [smem:$0x3FB9];
	_ =	sdelay $0x3  }
0x37: {  	[smem:$0x3FB9] =	sst s10  }
0x38: {  	s10 =	sld [smem:$0x3FBA]  }
0x39: {  	_ = 	snop;
	(pc) =	sbr.ind lr, $3  }
0x3a: {  	_ = 	snop  }
0x3b: {  	_ = 	snop  }
0x3c: {  	p2 =	seq.s32 s10, $0x1;
	s10 =	sld [smem:$0x3FB9]  }
0x3d: {  	_ =	shalt  }
0x3e: {  	_ =	shalt  }
0x3f: {  	_ =	shalt  }
0x40: {  	_ =	shalt  }
0x41: {  	_ =	shalt  }
0x42: {  	_ =	shalt  }
0x43: {  	_ =	shalt  }
0x44: {  	_ =	shalt  }
0x45: {  	_ =	shalt  }
0x46: {  	_ =	shalt  }
0x47: {  	_ =	shalt  }
0x48: {  	_ =	shalt  }
0x49: {  	_ =	shalt  }
0x4a: {  	_ =	shalt  }
0x4b: {  	_ =	shalt  }
0x4c: {  	_ =	shalt  }
0x4d: {  	_ =	shalt  }
0x4e: {  	_ =	shalt  }
0x4f: {  	_ =	shalt  }
0x50: {  	_ =	shalt  }
0x51: {  	_ =	shalt  }
0x52: {  	_ =	shalt  }
0x53: {  	_ =	shalt  }
0x54: {  	_ =	shalt  }
0x55: {  	_ =	shalt  }
0x56: {  	_ =	shalt  }
0x57: {  	_ =	shalt  }
0x58: {  	_ =	shalt  }
0x59: {  	_ =	shalt  }
0x5a: {  	_ =	shalt  }
0x5b: {  	_ =	shalt  }
0x5c: {  	_ =	shalt  }
0x5d: {  	_ =	shalt  }
0x5e: {  	_ =	shalt  }
0x5f: {  	_ =	shalt  }
0x60: {  	_ =	shalt  }
0x61: {  	_ =	shalt  }
0x62: {  	_ =	shalt  }
0x63: {  	_ =	shalt  }
0x64: {  	_ =	shalt  }
0x65: {  	_ =	shalt  }
0x66: {  	_ =	shalt  }
0x67: {  	_ =	shalt  }
0x68: {  	_ =	shalt  }
0x69: {  	_ =	shalt  }
0x6a: {  	_ =	shalt  }
0x6b: {  	_ =	shalt  }
0x6c: {  	_ =	shalt  }
0x6d: {  	_ =	shalt  }
0x6e: {  	_ =	shalt  }
0x6f: {  	_ =	shalt  }
0x70: {  	_ =	shalt  }
0x71: {  	_ =	shalt  }
0x72: {  	_ =	shalt  }
0x73: {  	_ =	shalt  }
0x74: {  	_ =	shalt  }
0x75: {  	_ =	shalt  }
0x76: {  	_ =	shalt  }
0x77: {  	_ =	shalt  }
0x78: {  	_ =	shalt  }
0x79: {  	_ =	shalt  }
0x7a: {  	_ =	shalt  }
0x7b: {  	_ =	shalt  }
0x7c: {  	_ =	shalt  }
0x7d: {  	_ =	shalt  }
0x7e: {  	_ =	shalt  }
0x7f: {  	_ =	shalt  }
0x80: {  	_ =	shalt  }
0x81: {  	_ =	shalt  }
0x82: {  	_ =	shalt  }
0x83: {  	_ =	shalt  }
0x84: {  	_ =	shalt  }
0x85: {  	_ =	shalt  }
0x86: {  	_ =	shalt  }
0x87: {  	_ =	shalt  }
.Lfunc_end0:
.L_simem_size_0:
called_computation_lowered:
.L_overlay_start_0:
0x88: {  	s2 =	sld [smem:$0x3FD9]  }
0x89: {  	s3 =	sld [smem:$0x3FFE];
	_ =	sdelay $0x1  }
0x8a: {  	s1 =	srdreg.scid  }
0x8b: {  	s0 =	sand.u32 $0x1, s1  }
0x8c: {  	s17 =	sshll.u32 s0, $0xA;
	s2 =	sadd.s32 s3, s2  }
0x8d: {  	s2 =	sadd.s32 s2, s17  }
0x8e: {  	[smem:$0x3FC5] =	sst s2  }
0x8f: {  	_ = 	snop  }
0x90: {  	s2 =	sld [smem:$0x3FD0];
	(tm) =	ssettm $0x1  }
0x91: {  	s18 =	sld [smem:$0x3FFB];
	_ =	sdelay $0x3  }
0x92: {  	_ =	strace s18  }
0x93: {  	s3 =	sld [smem:$0x3FFC];
	_ =	sdelay $0x3  }
0x94: {  	_ =	strace s3  }
0x95: {  	s3 =	sld [smem:$0x3FFD];
	_ =	sdelay $0x3  }
0x96: {  	_ =	strace s3  }
0x97: {  	_ =	strace $0x8FFFFFFF  }
0x98: {  	s19 =	sld [smem:$0x3FDB];
	_ =	sdelay $0x1  }
0x99: {  	s4 =	simm.s32 $_scs_section_size  }
0x9a: {  	s5 =	simm.s32 $_size__tile_overlayer_lowered;
	s6 =	simm.s32 $_tile_overlayer_lowered  }
0x9b: {  	s22 =	simm.s32 $0x1BFF;
	s21 =	sshll.u32 s6, $0x1;
	s3 =	sadd.s32 s4, s19  }
0x9c: {  	s7 =	simm.s32 $0x0;
	s20 =	sshll.u32 s5, $0x1;
	s5 =	sadd.s32 s21, s3  }
0x9d: {  	[timem:s7], [sflag:s22] =	dma.local [hbm:s5], s20  }
0x9e: {  	_ =	swait.ge [sflag:s22], s20  }
0x9f: {  	s4 =	ssub.s32 $0x0, s20;
	[sflag:s22] =	ssyncset.done $0x0  }
0xa0: {  	[sflag:s22] =	ssyncadd.s32 s4;
	_ =	sdelay $0x1  }
0xa1: {  	s23 =	simm.s32 $0x1B8B  }
0xa2: {  	_ =	swait.ge [sflag:s23], $0x1  }
0xa3: {  	[sflag:s23] =	ssyncset.done $0x0  }
0xa4: {  	s25 =	simm.s32 $0x1B8E;
	s24 =	sld [smem:$0x3FFE];
	[sflag:s23] =	ssyncadd.s32 $0xFFFFFFFF  }
0xa5: {  	s26 =	simm.s32 $execute0_lowered;
	[smem:$0x3FD2] =	sst s25  }
0xa6: {  	s5 =	sshll.u32 s26, $0x1;
	_ =	strace $0x80000046;
	[dreg:$0x1] =	wrdreg $0xFFFFFFFF  }
0xa7: {  	s28 =	simm.s32 $_size_execute0_lowered;
	s3 =	sadd.s32 s3, s5;
	[dreg:$0x0] =	wrdreg $0x0  }
0xa8: {  	s5 =	sshll.u32 s28, $0x1;
	[dreg:$0x2] =	wrdreg s3  }
0xa9: {  	[dreg:$0x3] =	wrdreg s5  }
0xaa: {  	[dreg:$0x4] =	wrdreg $0xC0  }
0xab: {  	_ =	task [dreg:s7], $0x5FFFF  }
0xac: {  	[dreg:$0x1] =	wrdreg $0xFFFFFFFF  }
0xad: {  	[dreg:$0x0] =	wrdreg $0x60  }
0xae: {  	[dreg:$0x2] =	wrdreg s24  }
0xaf: {  	[dreg:$0x3] =	wrdreg s2  }
0xb0: {  	[dreg:$0x4] =	wrdreg $0x121600  }
0xb1: {  	[dreg:$0x5] =	wrdreg $0x1A3600  }
0xb2: {  	[dreg:$0x6] =	wrdreg $0x9  }
0xb3: {  	_ =	task.clear_ibuf [dreg:s7], $0x7FFFF;
	_ =	strace $0x90000046  }
0xb4: {  	s29 =	simm.s32 $0x9;
	_ =	strace $0x80000048  }
0xb5: {  	_ =	swait.ge [sflag:s29], $0x1  }
0xb6: {  	[sflag:s29] =	ssyncadd.s32 $0xFFFFFFFF  }
0xb7: {  	_ =	strace $0x90000048  }
0xb8: {  	_ =	sfence  }
0xb9: {  	s30 =	sld [smem:$0x0];
	_ =	sdelay $0x2  }
0xba: {  	s31 =	sshll.u32 s1, $0xD;
	s1 =	sshrl.u32 s1, $0x2  }
0xbb: {  	s3 =	sand.u32 $0x4000, s31;
	s1 =	sadd.s32 s1, s30  }
0xbc: {  	s0 =	sor.u32 s3, s0;
	s1 =	sshll.u32 s1, $0x11  }
0xbd: {  	s0 =	sor.u32 s1, s0  }
0xbe: {  	s0 =	sadd.s32 $0x8F2B, s0  }
0xbf: {  	[sflag:s0] =	ssyncadd.remote.s32 $0x1  }
0xc0: {  	_ =	sfence.sel $0xFFFF  }
0xc1: {  	[dreg:$0x0] =	wrdreg $0xFFFFFFFF;
	(pc) =	sbr.abs _section_cstart, $3  }
0xc2: {  	[dreg:$0x1] =	wrdreg $0xFFFFFFFF  }
0xc3: {  	_ =	task.clear_ibuf [dreg:s7], $0x2FFFF;
	_ =	strace $0x9FFFFFFF  }
0xc4: {  	(tm) =	ssettm $0x7FFFFFFF  }
0xc5: {  	_ =	shalt  }
tec
execute0_lowered:
.L_overlay_start_1:
0x0: {  	(tag) =	ssettag $0x1  }
0x1: {  	s1 =	rddreg [dreg:$0x0]  }
0x2: {  	s0 =	srdreg.scid;
	s3 =	rddreg [dreg:$0x1]  }
0x3: {  	s19 =	stileid.u32;
	s4 =	rddreg [dreg:$0x2]  }
0x4: {  	s5 =	rddreg [dreg:$0x3];
	s11 =	smul.u32 $0x20800, s19  }
0x5: {  	s0 =	sand.u32 $0x1, s0;
	s7 =	sshll.u32 s19, $0xA;
	s23 =	smul.u32 $0x1080, s19  }
0x6: {  	s25 =	smul.u32 $0x220, s19;
	s2 =	sshll.u32 s0, $0x4;
	s8 =	sshll.u32 s0, $0xE  }
0x7: {  	s16 =	ssub.s32 $0x2, s0;
	s0 =	smul.u32 $0x2200, s0;
	s2 =	sor.u32 s19, s2  }
0x8: {  	s10 =	sadd.s32 $0x600, s1;
	s26 =	sadd.s32 s7, s5;
	s6 =	smul.u32 $0x220, s2  }
0x9: {  	s8 =	sor.u32 s7, s8;
	s17 =	sshrl.u32 s16, $0x1;
	s2 =	simm.s32 $0x0  }
0xa: {  	s21 =	sshrl.u32 s11, $0x2;
	[smem:$0x7FF] =	sst s2;
	s6 =	sor.u32 $0x8000, s6  }
0xb: {  	s8 =	sshrl.u32 s8, $0x3;
	_ =	strace $0x80000047;
	s6 =	sshrl.u32 s6, $0x3  }
0xc: {  	[dreg:$0x5] =	wrdreg s10;
	s9 =	sadd.s32 s6, s1;
	s3 =	sadd.s32 s3, s6  }
0xd: {  	s24 =	ssub.s32 s16, s17;
	s18 =	sadd.s32 $0x2200, s9;
	[dreg:$0x8] =	wrdreg s3  }
0xe: {  	s0 =	sadd.s32 s25, s0;
	s20 =	sadd.s32 $0x800, s9;
	[dreg:$0x6] =	wrdreg s18  }
0xf: {  	s24 =	smax.u32 s24, $0x1;
	s22 =	sadd.s32 $0x3C00, s9;
	[dreg:$0x7] =	wrdreg s20  }
0x10: {  	s1 =	sadd.s32 s8, s1;
	s3 =	sadd.s32 s21, s4;
	[dreg:$0x9] =	wrdreg s22  }
0x11: {  	s18 =	smul.u32 $0x820, s19;
	[dreg:$0xa] =	wrdreg s3;
	s3 =	sshrl.u32 s23, $0x2  }
0x12: {  	s22 =	sadd.s32 $0x4200, s26;
	s23 =	sadd.s32 $0x5600, s1;
	s1 =	simm.s32 $0x1  }
0x13: {  	s19 =	sadd.s32 s3, s5;
	s3 =	simm.s32 $0x0;
	s9 =	sadd.s32 s18, s4  }
0x14: {  	s18 =	sadd.s32 s18, s5;
	s5 =	sor.u32 $0x8000, s0;
	s0 =	simm.s32 $0x920  }
0x15: {  	s10 =	sadd.s32 $0x8200, s9;
	s11 =	sadd.s32 $0x10400, s9;
	s12 =	sadd.s32 $0x18600, s9  }
0x16: {  	s13 =	sadd.s32 $0x20800, s9;
	s14 =	sadd.s32 $0x28A00, s9;
	s15 =	sadd.s32 $0x30C00, s9  }
0x17: {  	s16 =	sadd.s32 $0x38E00, s9;
	s17 =	sadd.s32 $0x41000, s9;
	s20 =	sadd.s32 $0x49200, s9  }
0x18: {  	v0 =	vlaneseq.u32;
	s21 =	sadd.s32 $0x51400, s9;
	s26 =	sadd.s32 $0x59600, s9;
	s28 =	sadd.s32 $0x61800, s9  }
0x19: {  	v1 =	vimm.f32 $0.0e+00;
	v2 =	vor.u32 $0x10, v0;
	s29 =	sadd.s32 $0x69A00, s9;
	s30 =	sadd.s32 $0x71C00, s9;
	s31 =	sadd.s32 $0x79E00, s9  }
.LBB2_1:
0x1a: {  	s4 =	rddreg [dreg:$0x6]  }
0x1b: {  	[tilespmem:s2], [sflag:$0x1] =	stream.linear.gather [hbm4b:s4+s2], $0x220, $0x38;
	[tilespmem:$0x1AB80] =	vst v63  }
0x1c: {  	_ =	swait.ge [sflag:s1], $0x220  }
0x1d: {  	[sflag:s1] =	ssyncset.done $0x0  }
0x1e: {  	s6 =	simm.s32 $0x230;
	s7 =	rddreg [dreg:$0x7];
	[sflag:s1] =	ssyncadd.s32 $0xFFFFFDE0  }
0x1f: {  	[tilespmem:s6], [sflag:$0x1] =	stream.linear.gather [hbm4b:s7+s2], $0x220, $0x38;
	[tilespmem:$0x1AB80] =	vst v63  }
0x20: {  	_ =	swait.ge [sflag:s1], $0x220  }
0x21: {  	[sflag:s1] =	ssyncset.done $0x0  }
0x22: {  	s25 =	simm.s32 $0x460;
	s8 =	rddreg [dreg:$0x8];
	[sflag:s1] =	ssyncadd.s32 $0xFFFFFDE0  }
0x23: {  	[tilespmem:s25], [sflag:$0x1] =	stream.linear.gather [hbm4b:s8+s2], $0x220, $0x38;
	[tilespmem:$0x1AB80] =	vst v63  }
0x24: {  	_ =	swait.ge [sflag:s1], $0x220  }
0x25: {  	[sflag:s1] =	ssyncset.done $0x0  }
0x26: {  	s7 =	simm.s32 $0x690;
	s6 =	rddreg [dreg:$0x9];
	[sflag:s1] =	ssyncadd.s32 $0xFFFFFDE0  }
0x27: {  	[tilespmem:s7], [sflag:$0x1] =	stream.linear.gather [hbm4b:s6+s2], $0x220, $0x38;
	[tilespmem:$0x1AB80] =	vst v63  }
0x28: {  	_ =	swait.ge [sflag:s1], $0x220  }
0x29: {  	[sflag:s1] =	ssyncset.done $0x0  }
0x2a: {  	s25 =	simm.s32 $0x8C0;
	s8 =	rddreg [dreg:$0x5];
	[sflag:s1] =	ssyncadd.s32 $0xFFFFFDE0  }
0x2b: {  	[tilespmem:s25], [sflag:$0x1] =	stream.linear.gather [hbm4b:s8+s2], $0x60, $0x38;
	[tilespmem:$0x1AB80] =	vst v63  }
0x2c: {  	_ =	swait.ge [sflag:s1], $0x60  }
0x2d: {  	[sflag:s1] =	ssyncset.done $0x0  }
0x2e: {  	s4 =	simm.s32 $0x40;
	s6 =	simm.s32 $0x0;
	[sflag:s1] =	ssyncadd.s32 $0xFFFFFFA0  }
.LBB2_2:
0x2f: {  	p0 =	sne.s32 s4, $0x207C0;
	[tilespmem:s6+$0x920] =	vst v1;
	s6 =	smov.u32 s4;
	s4 =	sadd.s32 $0x40, s4  }
.Ltmp0:
0x30: {  	(pc) =	sbr.rel @p0 .LBB2_2-.Ltmp0, $2  }
0x31: {  	_ =	sdelay $0x2  }
0x32: {  	s6 =	sshra.s32 s6, $0x2  }
0x33: {  	[tilespmem:s6+$0x920] =	vst v1  }
0x34: {  	v3 =	vld [tilespmem:$0x8C0]  }
0x35: {  	v4 =	vld [tilespmem:$0x8D0]  }
0x36: {  	v5 =	vld [tilespmem:$0x8E0]  }
0x37: {  	s4 =	simm.s32 $0x0;
	v6 =	vld [tilespmem:$0x8F0]  }
0x38: {  	v9 =	vld.msk [tilespmem:s4+$0x0 ss:$0x0], $0xffff  }
0x39: {  	v10 =	vld.msk [tilespmem:s4+$0x230 ss:$0x0], $0xffff  }
0x3a: {  	v7 =	vld [tilespmem:$0x900]  }
0x3b: {  	v11 =	vld.msk [tilespmem:s4+$0x460 ss:$0x0], $0xffff  }
0x3c: {  	v8 =	vld [tilespmem:$0x910];
	_ =	sdelay $0x1  }
0x3d: {  	v12 =	vld [tilespmem:s4+$0x690];
	v13 =	vmul.f32 v9, v3;
	v14 =	vmul.f32 v10, v5  }
0x3e: {  	v9 =	vmul.f32 v9, v4;
	v10 =	vmul.f32 v10, v6  }
0x3f: {  	v13 =	vadd.f32 v14, v13;
	v14 =	vmul.f32 v11, v7  }
0x40: {  	v9 =	vadd.f32 v10, v9;
	v10 =	vmul.f32 v11, v8  }
0x41: {  	v11 =	vadd.f32 v14, v13  }
0x42: {  	(v2sf) =	vpush v12, $0x0;
	v9 =	vadd.f32 v10, v9  }
0x43: {  	v10 =	vadd.f32 $1.100000000e+02, v11  }
0x44: {  	v9 =	vadd.f32 $1.100000000e+02, v9  }
0x45: {  	v12 =	vmul.f32 $1.409090910e-01, v10  }
0x46: {  	v14 =	vmul.f32 $1.409090910e-01, v9  }
0x47: {  	v9 =	vadd.f32 $1.000000000e+00, v12;
	v10 =	vadd.f32 $5.000000000e-01, v12  }
0x48: {  	v11 =	vadd.f32 $5.000000000e-01, v14  }
0x49: {  	v13 =	vadd.f32 $1.000000000e+00, v14;
	v9 =	vmax.f32 v9, $0.0e+00;
	v10 =	vmax.f32 v10, $0.0e+00  }
0x4a: {  	v11 =	vmax.f32 v11, $0.0e+00;
	v9 =	vmin.f32 v9, $3.290000150e+01;
	v10 =	vmin.f32 v10, $3.189999960e+01  }
0x4b: {  	v11 =	vmin.f32 v11, $3.189999960e+01;
	v9 =	vtrunc.f32 v9;
	v10 =	vtrunc.f32 v10  }
0x4c: {  	v11 =	vtrunc.f32 v11;
	v10 =	vcvt.f32.s32 v10  }
0x4d: {  	v13 =	vmax.f32 v13, $0.0e+00;
	v15 =	vcvt.f32.s32 v9;
	v9 =	vcvt.f32.s32 v11  }
0x4e: {  	v16 =	vmin.f32 v13, $3.290000150e+01;
	v17 =	vcvt.s32.f32 v10;
	v11 =	vadd.s32 $0xFFFFFFFF, v10  }
0x4f: {  	v18 =	vadd.s32 $0x1, v10;
	v19 =	vcvt.s32.f32 v9;
	v15 =	vshll.u32 v15, $0x5  }
0x50: {  	v62 =	vshll.u32 v9, $0x5;
	v24 =	vshll.u32 v10, $0x5;
	v13 =	vsub.f32 v12, v17  }
0x51: {  	s8 =	spop (v2sf);
	v63 =	vadd.s32 $0x1, v9;
	v20 =	vadd.f32 $-1.000000000e+00, v17;
	v21 =	vsub.f32 v14, v19  }
0x52: {  	s7 =	smul.u32 $0x420, s8;
	vm0 =	vgt.s32 v11, $0x0;
	vm2 =	vlt.s32 v18, $0x1F;
	v22 =	vmul.f32 $7.096774100e+00, v13  }
0x53: {  	v11 =	vnsel vm0, $0x0, v11;
	vm1 =	vlt.f32 v12, v20;
	v20 =	vmul.f32 $7.096774100e+00, v21  }
0x54: {  	vm0 =	vlt.f32 v14, v19;
	v13 =	vadd.s32 s7, v15;
	v15 =	vmul.f32 $1.442695020e+00, v22  }
0x55: {  	v61 =	vadd.f32 $-1.000000000e+00, v19;
	v23 =	vadd.f32 $1.000000000e+00, v17;
	v20 =	vmul.f32 $1.442695020e+00, v20  }
0x56: {  	v19 =	vadd.f32 $1.000000000e+00, v19;
	v18 =	vnsel vm2, $0x1F, v18;
	(erf) = vpow2.f32 v15  }
0x57: {  	vm5 =	vlt.f32 v12, v17;
	v11 =	vshll.u32 v11, $0x5;
	(erf) = vpow2.f32 v20  }
0x58: {  	v18 =	vshll.u32 v18, $0x5;
	vm4 =	vlt.f32 v14, v19;
	v19 =	vadd.s32 $0xFFFFFFFF, v9  }
0x59: {  	s25 =	sshll.u32 s8, $0xA;
	vm2 =	vlt.f32 v12, v23;
	v12 =	vtrunc.f32 v16;
	vm3 =	vgt.s32 v19, $0x0  }
0x5a: {  	s6 =	sadd.s32 $0x4200, s25;
	v17 =	vnsel vm3, $0x0, v19;
	vm3 =	vlt.s32 v63, $0x1F;
	v20 =	vcvt.f32.s32 v12  }
0x5b: {  	v11 =	vadd.s32 s6, v11;
	v16 =	vadd.s32 s6, v18;
	v19 =	vnsel vm3, $0x1F, v63  }
0x5c: {  	p0 =	slt.u32 s5, $0xC350;
	vm3 =	vlt.f32 v14, v61;
	v15 =	vadd.s32 s6, v24;
	v18 =	vshll.u32 v20, $0x5  }
0x5d: {  	s4 =	simm.s32 $0x4;
	p0 =	por p0, p0;
	s25 =	smov.u32 s5;
	v14 =	vshll.u32 v19, $0x5;
	v12 =	vadd.s32 s6, v62;
	v18 =	vadd.s32 s7, v18  }
.LBB2_4:
0x5e: {  	p1 =	sne.s32 s4, $0x87C  }
0x5f: {  	s25 =	sadd.s32 $0x1, s25;
	v19 =	vpop (erf);
	s7 =	smov.u32 s4;
	s4 =	sadd.s32 $0x4, s4  }
0x60: {  	s7 =	sshra.s32 s7, $0x2;
	p2 =	slt.u32 s25, $0xC350;
	v20 =	vmul.f32 $1.208063840e+03, v19;
	v21 =	vadd.f32 $1.000000000e+00, v19;
	v19 =	vmul.f32 $8.277708550e-04, v19;
	v22 =	vpop (erf)  }
0x61: {  	v23 =	vmul.f32 $1.208063840e+03, v22;
	v24 =	vadd.f32 $1.000000000e+00, v22;
	v22 =	vmul.f32 $8.277708550e-04, v22  }
0x62: {  	v20 =	vadd.f32 $1.000000000e+00, v20;
	v19 =	vadd.f32 $1.000000000e+00, v19;
	(erf) = vrcp.f32 v21  }
0x63: {  	v21 =	vadd.f32 $1.000000000e+00, v23;
	v22 =	vadd.f32 $1.000000000e+00, v22;
	(erf) = vrcp.f32 v24  }
0x64: {  	(erf) = vrcp.f32 v20  }
0x65: {  	(erf) = vrcp.f32 v19  }
0x66: {  	(erf) = vrcp.f32 v21  }
0x67: {  	(erf) = vrcp.f32 v22;
	_ =	sdelay $0x1  }
0x68: {  	vm6 =	vlt.s32 v10, $0x1F;
	v17 =	vshll.u32 v17, $0x5  }
0x69: {  	vm7 =	vgt.s32 v10, $0x0;
	v10 =	vor.u32 v2, v18;
	v17 =	vadd.s32 s6, v17  }
0x6a: {  	v18 =	vsel vm5, $0x3F800000, v1;
	v17 =	vor.u32 v2, v17;
	v19 =	vsel vm4, $0x3F800000, v1;
	v20 =	vpop (erf)  }
0x6b: {  	v15 =	vor.u32 v0, v15;
	v16 =	vor.u32 v0, v16;
	v21 =	vsel vm0, $0x3F800000, v1;
	v22 =	vpop (erf)  }
0x6c: {  	v13 =	vor.u32 v0, v13;
	s8 =	simm.f32 $1.000000000e+00;
	v23 =	vsel vm1, $0x3F800000, v1;
	v21 =	vsub.f32 v22, v21;
	v22 =	vpop (erf)  }
0x6d: {  	v11 =	vor.u32 v0, v11;
	s8 =	simm.s32 @!p0 $0x0;
	p0 =	por p2, p2;
	v22 =	vsub.f32 v22, v23;
	v23 =	vsel vm2, $0x3F800000, v1;
	v24 =	vpop (erf)  }
0x6e: {  	v26 =	vsel vm3, $0x3F800000, v1;
	v23 =	vsub.f32 v24, v23;
	v21 =	vmul.f32 s8, v21;
	v25 =	vpop (erf)  }
0x6f: {  	v18 =	vsub.f32 v20, v18;
	v22 =	vmul.f32 s8, v22;
	v20 =	vsub.f32 v25, v26;
	v24 =	vpop (erf)  }
0x70: {  	v25 =	vmov s8;
	v23 =	vmul.f32 s8, v23;
	v19 =	vsub.f32 v24, v19  }
0x71: {  	v18 =	vmul.f32 s8, v18;
	[tilespmem:v13+s0+$0x0] =	vst.idx.add.f32.msk $0xffff, v25;
	v13 =	vnsel vm7, $0x0, v22;
	v20 =	vmul.f32 s8, v20  }
0x72: {  	[tilespmem:v11+s0+$0x0] =	vst.idx.add.f32.msk $0xffff, v13;
	v11 =	vor.u32 v2, v12;
	v12 =	vmul.f32 s8, v19;
	v13 =	vadd.s32 s6, v14  }
0x73: {  	v14 =	vnsel vm6, $0x0, v23;
	[tilespmem:v15+s0+$0x0] =	vst.idx.add.f32.msk $0xffff, v18;
	v13 =	vor.u32 v2, v13  }
0x74: {  	vm0 =	vgt.s32 v9, $0x0;
	[tilespmem:v16+s0+$0x0] =	vst.idx.add.f32.msk $0xffff, v14  }
0x75: {  	[tilespmem:v10+s0+$0x0] =	vst.idx.add.f32.msk $0xffff, v25;
	v10 =	vnsel vm0, $0x0, v20  }
0x76: {  	vm0 =	vlt.s32 v9, $0x1F;
	[tilespmem:v17+s0+$0x0] =	vst.idx.add.f32.msk $0xffff, v10  }
0x77: {  	v9 =	vnsel vm0, $0x0, v12;
	[tilespmem:v11+s0+$0x0] =	vst.idx.add.f32.msk $0xffff, v21  }
0x78: {  	[tilespmem:v13+s0+$0x0] =	vst.idx.add.f32.msk $0xffff, v9  }
0x79: {  	v9 =	vld.msk [tilespmem:s7+$0x0 ss:$0x0], $0xffff  }
0x7a: {  	v10 =	vld.msk [tilespmem:s7+$0x230 ss:$0x0], $0xffff  }
0x7b: {  	v11 =	vld.msk [tilespmem:s7+$0x460 ss:$0x0], $0xffff  }
0x7c: {  	v12 =	vld [tilespmem:s7+$0x690];
	_ =	sdelay $0x3  }
0x7d: {  	v13 =	vmul.f32 v9, v3;
	v14 =	vmul.f32 v10, v5  }
0x7e: {  	v9 =	vmul.f32 v9, v4;
	v10 =	vmul.f32 v10, v6;
	(v2sf) =	vpush v12, $0x0  }
0x7f: {  	v12 =	vadd.f32 v14, v13;
	v13 =	vmul.f32 v11, v7  }
0x80: {  	v9 =	vadd.f32 v10, v9;
	v10 =	vmul.f32 v11, v8  }
0x81: {  	v11 =	vadd.f32 v13, v12  }
0x82: {  	v9 =	vadd.f32 v10, v9  }
0x83: {  	v10 =	vadd.f32 $1.100000000e+02, v11  }
0x84: {  	v9 =	vadd.f32 $1.100000000e+02, v9  }
0x85: {  	v12 =	vmul.f32 $1.409090910e-01, v10  }
0x86: {  	v14 =	vmul.f32 $1.409090910e-01, v9  }
0x87: {  	v9 =	vadd.f32 $1.000000000e+00, v12;
	v10 =	vadd.f32 $5.000000000e-01, v12  }
0x88: {  	v11 =	vadd.f32 $1.000000000e+00, v14;
	v13 =	vadd.f32 $5.000000000e-01, v14  }
0x89: {  	v9 =	vmax.f32 v9, $0.0e+00;
	v10 =	vmax.f32 v10, $0.0e+00  }
0x8a: {  	v13 =	vmax.f32 v13, $0.0e+00;
	v9 =	vmin.f32 v9, $3.290000150e+01;
	v10 =	vmin.f32 v10, $3.189999960e+01  }
0x8b: {  	v13 =	vmin.f32 v13, $3.189999960e+01;
	v9 =	vtrunc.f32 v9;
	v10 =	vtrunc.f32 v10  }
0x8c: {  	v11 =	vmax.f32 v11, $0.0e+00;
	v13 =	vtrunc.f32 v13;
	v10 =	vcvt.f32.s32 v10  }
0x8d: {  	v17 =	vmin.f32 v11, $3.290000150e+01;
	v15 =	vcvt.f32.s32 v9;
	v9 =	vcvt.f32.s32 v13;
	s6 =	spop (v2sf)  }
0x8e: {  	v16 =	vcvt.s32.f32 v10;
	v11 =	vadd.s32 $0xFFFFFFFF, v10;
	v18 =	vadd.s32 $0x1, v10;
	s7 =	smul.u32 $0x420, s6;
	s6 =	sshll.u32 s6, $0xA  }
0x8f: {  	v19 =	vcvt.s32.f32 v9;
	vm0 =	vgt.s32 v11, $0x0;
	vm2 =	vlt.s32 v18, $0x1F  }
0x90: {  	v13 =	vsub.f32 v12, v16;
	v20 =	vadd.f32 $-1.000000000e+00, v16;
	v11 =	vnsel vm0, $0x0, v11  }
0x91: {  	v15 =	vshll.u32 v15, $0x5;
	v21 =	vsub.f32 v14, v19;
	vm0 =	vlt.f32 v14, v19  }
0x92: {  	s6 =	sadd.s32 $0x4200, s6;
	v11 =	vshll.u32 v11, $0x5;
	v22 =	vmul.f32 $7.096774100e+00, v13;
	vm1 =	vlt.f32 v12, v20  }
0x93: {  	v11 =	vadd.s32 s6, v11;
	v20 =	vmul.f32 $7.096774100e+00, v21;
	v21 =	vadd.f32 $-1.000000000e+00, v19  }
0x94: {  	v13 =	vadd.s32 s7, v15;
	v15 =	vmul.f32 $1.442695020e+00, v22;
	v22 =	vshll.u32 v9, $0x5  }
0x95: {  	v23 =	vadd.f32 $1.000000000e+00, v16;
	v19 =	vadd.f32 $1.000000000e+00, v19;
	v20 =	vmul.f32 $1.442695020e+00, v20  }
0x96: {  	v24 =	vshll.u32 v10, $0x5;
	v18 =	vnsel vm2, $0x1F, v18;
	(erf) = vpow2.f32 v15  }
0x97: {  	vm2 =	vlt.f32 v12, v23;
	vm4 =	vlt.f32 v14, v19;
	(erf) = vpow2.f32 v20  }
0x98: {  	v18 =	vshll.u32 v18, $0x5;
	v19 =	vadd.s32 $0xFFFFFFFF, v9;
	v15 =	vadd.s32 s6, v24  }
0x99: {  	vm5 =	vlt.f32 v12, v16;
	v16 =	vadd.s32 s6, v18;
	vm3 =	vgt.s32 v19, $0x0  }
.Ltmp1:
0x9a: {  	v18 =	vtrunc.f32 v17;
	v12 =	vadd.s32 s6, v22;
	v17 =	vnsel vm3, $0x0, v19;
	(pc) =	sbr.rel @p1 .LBB2_4-.Ltmp1, $4  }
0x9b: {  	v18 =	vcvt.f32.s32 v18;
	vm3 =	vlt.f32 v14, v21;
	v14 =	vadd.s32 $0x1, v9  }
0x9c: {  	vm6 =	vlt.s32 v14, $0x1F  }
0x9d: {  	v18 =	vshll.u32 v18, $0x5;
	v14 =	vnsel vm6, $0x1F, v14  }
0x9e: {  	v18 =	vadd.s32 s7, v18;
	v14 =	vshll.u32 v14, $0x5  }
0x9f: {  	v3 =	vpop (erf)  }
0xa0: {  	v4 =	vmul.f32 $1.208063840e+03, v3;
	v5 =	vadd.f32 $1.000000000e+00, v3;
	v6 =	vpop (erf)  }
0xa1: {  	v7 =	vadd.f32 $1.000000000e+00, v6  }
0xa2: {  	v3 =	vmul.f32 $8.277708550e-04, v3;
	v4 =	vadd.f32 $1.000000000e+00, v4;
	(erf) = vrcp.f32 v5  }
0xa3: {  	(erf) = vrcp.f32 v7  }
0xa4: {  	v5 =	vmul.f32 $1.208063840e+03, v6;
	v3 =	vadd.f32 $1.000000000e+00, v3;
	(erf) = vrcp.f32 v4  }
0xa5: {  	v4 =	vmul.f32 $8.277708550e-04, v6  }
0xa6: {  	v5 =	vadd.f32 $1.000000000e+00, v5;
	(erf) = vrcp.f32 v3  }
0xa7: {  	v3 =	vadd.f32 $1.000000000e+00, v4  }
0xa8: {  	(erf) = vrcp.f32 v5  }
0xa9: {  	(erf) = vrcp.f32 v3  }
0xaa: {  	vm6 =	vlt.s32 v10, $0x1F;
	vm7 =	vgt.s32 v10, $0x0  }
0xab: {  	v10 =	vor.u32 v0, v15;
	v13 =	vor.u32 v0, v13;
	v54 =	vsel vm1, $0x3F800000, v1;
	s4 =	simm.f32 $1.000000000e+00;
	v5 =	vpop (erf)  }
0xac: {  	v11 =	vor.u32 v0, v11;
	v56 =	vsel vm2, $0x3F800000, v1;
	v16 =	vor.u32 v0, v16;
	s4 =	simm.s32 @!p0 $0x0;
	v8 =	vpop (erf)  }
0xad: {  	v19 =	vsel vm0, $0x3F800000, v1;
	v58 =	vsel vm3, $0x3F800000, v1;
	v59 =	vmov s4;
	v55 =	vpop (erf)  }
0xae: {  	v7 =	vsel vm4, $0x3F800000, v1;
	v6 =	vsel vm5, $0x3F800000, v1;
	v15 =	vsub.f32 v55, v54  }
0xaf: {  	v4 =	vor.u32 v2, v18;
	v3 =	vshll.u32 v17, $0x5;
	v5 =	vsub.f32 v5, v6;
	v57 =	vpop (erf)  }
0xb0: {  	v3 =	vadd.s32 s6, v3;
	v17 =	vsub.f32 v57, v56;
	v15 =	vmul.f32 s4, v15  }
0xb1: {  	v3 =	vor.u32 v2, v3;
	v8 =	vsub.f32 v8, v19;
	v5 =	vmul.f32 s4, v5;
	v6 =	vpop (erf)  }
0xb2: {  	[tilespmem:v13+s0+$0x0] =	vst.idx.add.f32.msk $0xffff, v59;
	v6 =	vsub.f32 v6, v58;
	v60 =	vpop (erf);
	v17 =	vmul.f32 s4, v17;
	v61 =	vnsel vm7, $0x0, v15  }
0xb3: {  	v62 =	vadd.s32 s6, v14;
	v7 =	vsub.f32 v60, v7;
	[tilespmem:v11+s0+$0x0] =	vst.idx.add.f32.msk $0xffff, v61;
	v11 =	vor.u32 v2, v12  }
0xb4: {  	v6 =	vmul.f32 s4, v6;
	[tilespmem:v10+s0+$0x0] =	vst.idx.add.f32.msk $0xffff, v5;
	v5 =	vnsel vm6, $0x0, v17;
	v10 =	vor.u32 v2, v62  }
0xb5: {  	vm14 =	vgt.s32 v9, $0x0;
	[tilespmem:v16+s0+$0x0] =	vst.idx.add.f32.msk $0xffff, v5  }
0xb6: {  	v7 =	vmul.f32 s4, v7;
	v5 =	vmul.f32 s4, v8;
	[tilespmem:v4+s0+$0x0] =	vst.idx.add.f32.msk $0xffff, v59;
	v4 =	vnsel vm14, $0x0, v6  }
0xb7: {  	vm15 =	vlt.s32 v9, $0x1F;
	[tilespmem:v3+s0+$0x0] =	vst.idx.add.f32.msk $0xffff, v4  }
0xb8: {  	v3 =	vnsel vm15, $0x0, v7;
	[tilespmem:v11+s0+$0x0] =	vst.idx.add.f32.msk $0xffff, v5  }
0xb9: {  	s25 =	rddreg [dreg:$0xa];
	[tilespmem:v10+s0+$0x0] =	vst.idx.add.f32.msk $0xffff, v3  }
0xba: {  	[spmem:s25] =	stream.linear.scatter [tilespmem:s0], [sflag:$0x1], $0x8200, $0x38;
	[tilespmem:$0x1AB80] =	vst v63  }
0xbb: {  	_ =	swait.ge [sflag:s1], $0x8200  }
0xbc: {  	[sflag:s1] =	ssyncset.done $0x0  }
0xbd: {  	[sflag:s1] =	ssyncadd.s32 $0xFFFF7E00  }
0xbe: {  	s6 =	simm.s32 $0x8B20;
	[bflag:$0x0] =	sbarrier.arrive $0xFFFF  }
0xbf: {  	[tilespmem:s6], [sflag:$0x1] =	stream.linear.gather [spmem:s9], $0x820, $0x38;
	[tilespmem:$0x1AB80] =	vst v63  }
0xc0: {  	_ =	swait.ge [sflag:s1], $0x820  }
0xc1: {  	[sflag:s1] =	ssyncset.done $0x0  }
0xc2: {  	s7 =	simm.s32 $0x9340;
	[sflag:s1] =	ssyncadd.s32 $0xFFFFF7E0  }
0xc3: {  	[tilespmem:s7], [sflag:$0x1] =	stream.linear.gather [spmem:s10], $0x820, $0x38;
	[tilespmem:$0x1AB80] =	vst v63  }
0xc4: {  	_ =	swait.ge [sflag:s1], $0x820  }
0xc5: {  	[sflag:s1] =	ssyncset.done $0x0  }
0xc6: {  	s8 =	simm.s32 $0x9B60;
	[sflag:s1] =	ssyncadd.s32 $0xFFFFF7E0  }
0xc7: {  	[tilespmem:s8], [sflag:$0x1] =	stream.linear.gather [spmem:s11], $0x820, $0x38;
	[tilespmem:$0x1AB80] =	vst v63  }
0xc8: {  	_ =	swait.ge [sflag:s1], $0x820  }
0xc9: {  	[sflag:s1] =	ssyncset.done $0x0  }
0xca: {  	s25 =	simm.s32 $0xA380;
	[sflag:s1] =	ssyncadd.s32 $0xFFFFF7E0  }
0xcb: {  	[tilespmem:s25], [sflag:$0x1] =	stream.linear.gather [spmem:s12], $0x820, $0x38;
	[tilespmem:$0x1AB80] =	vst v63  }
0xcc: {  	_ =	swait.ge [sflag:s1], $0x820  }
0xcd: {  	[sflag:s1] =	ssyncset.done $0x0  }
0xce: {  	s6 =	simm.s32 $0xABA0;
	[sflag:s1] =	ssyncadd.s32 $0xFFFFF7E0  }
0xcf: {  	[tilespmem:s6], [sflag:$0x1] =	stream.linear.gather [spmem:s13], $0x820, $0x38;
	[tilespmem:$0x1AB80] =	vst v63  }
0xd0: {  	_ =	swait.ge [sflag:s1], $0x820  }
0xd1: {  	[sflag:s1] =	ssyncset.done $0x0  }
0xd2: {  	s7 =	simm.s32 $0xB3C0;
	[sflag:s1] =	ssyncadd.s32 $0xFFFFF7E0  }
0xd3: {  	[tilespmem:s7], [sflag:$0x1] =	stream.linear.gather [spmem:s14], $0x820, $0x38;
	[tilespmem:$0x1AB80] =	vst v63  }
0xd4: {  	_ =	swait.ge [sflag:s1], $0x820  }
0xd5: {  	[sflag:s1] =	ssyncset.done $0x0  }
0xd6: {  	s8 =	simm.s32 $0xBBE0;
	[sflag:s1] =	ssyncadd.s32 $0xFFFFF7E0  }
0xd7: {  	[tilespmem:s8], [sflag:$0x1] =	stream.linear.gather [spmem:s15], $0x820, $0x38;
	[tilespmem:$0x1AB80] =	vst v63  }
0xd8: {  	_ =	swait.ge [sflag:s1], $0x820  }
0xd9: {  	[sflag:s1] =	ssyncset.done $0x0  }
0xda: {  	s25 =	simm.s32 $0xC400;
	[sflag:s1] =	ssyncadd.s32 $0xFFFFF7E0  }
0xdb: {  	[tilespmem:s25], [sflag:$0x1] =	stream.linear.gather [spmem:s16], $0x820, $0x38;
	[tilespmem:$0x1AB80] =	vst v63  }
0xdc: {  	_ =	swait.ge [sflag:s1], $0x820  }
0xdd: {  	[sflag:s1] =	ssyncset.done $0x0  }
0xde: {  	s6 =	simm.s32 $0xCC20;
	[sflag:s1] =	ssyncadd.s32 $0xFFFFF7E0  }
0xdf: {  	[tilespmem:s6], [sflag:$0x1] =	stream.linear.gather [spmem:s17], $0x820, $0x38;
	[tilespmem:$0x1AB80] =	vst v63  }
0xe0: {  	_ =	swait.ge [sflag:s1], $0x820  }
0xe1: {  	[sflag:s1] =	ssyncset.done $0x0  }
0xe2: {  	s7 =	simm.s32 $0xD440;
	[sflag:s1] =	ssyncadd.s32 $0xFFFFF7E0  }
0xe3: {  	[tilespmem:s7], [sflag:$0x1] =	stream.linear.gather [spmem:s20], $0x820, $0x38;
	[tilespmem:$0x1AB80] =	vst v63  }
0xe4: {  	_ =	swait.ge [sflag:s1], $0x820  }
0xe5: {  	[sflag:s1] =	ssyncset.done $0x0  }
0xe6: {  	s8 =	simm.s32 $0xDC60;
	[sflag:s1] =	ssyncadd.s32 $0xFFFFF7E0  }
0xe7: {  	[tilespmem:s8], [sflag:$0x1] =	stream.linear.gather [spmem:s21], $0x820, $0x38;
	[tilespmem:$0x1AB80] =	vst v63  }
0xe8: {  	_ =	swait.ge [sflag:s1], $0x820  }
0xe9: {  	[sflag:s1] =	ssyncset.done $0x0  }
0xea: {  	s25 =	simm.s32 $0xE480;
	[sflag:s1] =	ssyncadd.s32 $0xFFFFF7E0  }
0xeb: {  	[tilespmem:s25], [sflag:$0x1] =	stream.linear.gather [spmem:s26], $0x820, $0x38;
	[tilespmem:$0x1AB80] =	vst v63  }
0xec: {  	_ =	swait.ge [sflag:s1], $0x820  }
0xed: {  	[sflag:s1] =	ssyncset.done $0x0  }
0xee: {  	s6 =	simm.s32 $0xECA0;
	[sflag:s1] =	ssyncadd.s32 $0xFFFFF7E0  }
0xef: {  	[tilespmem:s6], [sflag:$0x1] =	stream.linear.gather [spmem:s28], $0x820, $0x38;
	[tilespmem:$0x1AB80] =	vst v63  }
0xf0: {  	_ =	swait.ge [sflag:s1], $0x820  }
0xf1: {  	[sflag:s1] =	ssyncset.done $0x0  }
0xf2: {  	s7 =	simm.s32 $0xF4C0;
	[sflag:s1] =	ssyncadd.s32 $0xFFFFF7E0  }
0xf3: {  	[tilespmem:s7], [sflag:$0x1] =	stream.linear.gather [spmem:s29], $0x820, $0x38;
	[tilespmem:$0x1AB80] =	vst v63  }
0xf4: {  	_ =	swait.ge [sflag:s1], $0x820  }
0xf5: {  	[sflag:s1] =	ssyncset.done $0x0  }
0xf6: {  	s8 =	simm.s32 $0xFCE0;
	[sflag:s1] =	ssyncadd.s32 $0xFFFFF7E0  }
0xf7: {  	[tilespmem:s8], [sflag:$0x1] =	stream.linear.gather [spmem:s30], $0x820, $0x38;
	[tilespmem:$0x1AB80] =	vst v63  }
0xf8: {  	_ =	swait.ge [sflag:s1], $0x820  }
0xf9: {  	[sflag:s1] =	ssyncset.done $0x0  }
0xfa: {  	s25 =	simm.s32 $0x10500;
	[sflag:s1] =	ssyncadd.s32 $0xFFFFF7E0  }
0xfb: {  	[tilespmem:s25], [sflag:$0x1] =	stream.linear.gather [spmem:s31], $0x820, $0x38;
	[tilespmem:$0x1AB80] =	vst v63  }
0xfc: {  	_ =	swait.ge [sflag:s1], $0x820  }
0xfd: {  	[sflag:s1] =	ssyncset.done $0x0  }
0xfe: {  	s6 =	simm.s32 $0x0;
	[sflag:s1] =	ssyncadd.s32 $0xFFFFF7E0  }
0xff: {  	v3 =	vld [tilespmem:s6+$0x8B20]  }
0x100: {  	v4 =	vld [tilespmem:s6+$0x9340];
	_ =	sdelay $0x1  }
0x101: {  	v5 =	vld [tilespmem:s6+$0x9B60];
	_ =	sdelay $0x1  }
0x102: {  	v6 =	vld [tilespmem:s6+$0xA380]  }
0x103: {  	v3 =	vadd.f32 v4, v3  }
0x104: {  	v4 =	vld [tilespmem:s6+$0xABA0]  }
0x105: {  	v3 =	vadd.f32 v5, v3  }
0x106: {  	v5 =	vld [tilespmem:s6+$0xB3C0]  }
0x107: {  	v3 =	vadd.f32 v6, v3  }
0x108: {  	v6 =	vld [tilespmem:s6+$0xBBE0]  }
0x109: {  	v3 =	vadd.f32 v4, v3  }
0x10a: {  	v4 =	vld [tilespmem:s6+$0xC400]  }
0x10b: {  	s4 =	simm.s32 $0x10;
	v7 =	vld [tilespmem:s6+$0xCC20];
	v3 =	vadd.f32 v5, v3  }
0x10c: {  	v8 =	vld [tilespmem:s4+$0x8B20]  }
0x10d: {  	v5 =	vld [tilespmem:s6+$0xD440];
	v3 =	vadd.f32 v6, v3  }
0x10e: {  	v6 =	vld [tilespmem:s4+$0x9340]  }
0x10f: {  	v9 =	vld [tilespmem:s4+$0x9B60];
	v3 =	vadd.f32 v4, v3  }
0x110: {  	v4 =	vld [tilespmem:s6+$0xDC60]  }
0x111: {  	v10 =	vld [tilespmem:s4+$0xA380];
	v3 =	vadd.f32 v7, v3  }
0x112: {  	v7 =	vld [tilespmem:s6+$0xE480]  }
0x113: {  	v6 =	vadd.f32 v6, v8;
	v8 =	vld [tilespmem:s4+$0xABA0];
	v3 =	vadd.f32 v5, v3  }
0x114: {  	v5 =	vld [tilespmem:s6+$0xECA0]  }
0x115: {  	v6 =	vadd.f32 v9, v6;
	v9 =	vld [tilespmem:s4+$0xB3C0];
	v3 =	vadd.f32 v4, v3  }
0x116: {  	v4 =	vld [tilespmem:s6+$0xF4C0]  }
0x117: {  	v11 =	vld [tilespmem:s4+$0xBBE0];
	v6 =	vadd.f32 v10, v6;
	v3 =	vadd.f32 v7, v3  }
0x118: {  	v10 =	vld [tilespmem:s6+$0xFCE0]  }
0x119: {  	v7 =	vadd.f32 v8, v6;
	v6 =	vld [tilespmem:s4+$0xC400];
	v8 =	vadd.f32 v5, v3  }
0x11a: {  	v5 =	vld [tilespmem:s6+$0x10500]  }
0x11b: {  	v3 =	vld [tilespmem:s4+$0xD440];
	v9 =	vadd.f32 v9, v7;
	v63 =	vadd.f32 v4, v8  }
0x11c: {  	s7 =	simm.s32 $0x20;
	v7 =	vld [tilespmem:s4+$0xCC20]  }
0x11d: {  	s25 =	simm.s32 $0xC0;
	v4 =	vld [tilespmem:s7+$0x8B20];
	v8 =	vadd.f32 v11, v9;
	v9 =	vadd.f32 v10, v63  }
.LBB2_6:
0x11e: {  	p0 =	sne.s32 s25, $0x2040;
	v10 =	vld [tilespmem:s7+$0x9340]  }
0x11f: {  	v6 =	vadd.f32 v6, v8;
	v8 =	vld [tilespmem:s4+$0xDC60];
	v5 =	vadd.f32 v5, v9  }
0x120: {  	v9 =	vld [tilespmem:s7+$0x9B60]  }
0x121: {  	v6 =	vadd.f32 v7, v6;
	v7 =	vld [tilespmem:s4+$0xE480];
	[tilespmem:s6+$0x10D20] =	vst v5;
	s6 =	smov.u32 s4;
	s4 =	smov.u32 s7  }
0x122: {  	v5 =	vld [tilespmem:s4+$0xA380]  }
0x123: {  	v4 =	vadd.f32 v10, v4;
	v3 =	vadd.f32 v3, v6;
	v6 =	vld [tilespmem:s6+$0xECA0]  }
0x124: {  	v10 =	vld [tilespmem:s4+$0xABA0]  }
0x125: {  	v4 =	vadd.f32 v9, v4;
	v3 =	vadd.f32 v8, v3;
	v8 =	vld [tilespmem:s6+$0xF4C0]  }
0x126: {  	v9 =	vld [tilespmem:s4+$0xB3C0]  }
0x127: {  	v4 =	vadd.f32 v5, v4;
	v3 =	vadd.f32 v7, v3;
	v11 =	vld [tilespmem:s6+$0xFCE0]  }
0x128: {  	v12 =	vld [tilespmem:s4+$0xBBE0]  }
.Ltmp2:
0x129: {  	v4 =	vadd.f32 v10, v4;
	v7 =	vadd.f32 v6, v3;
	v5 =	vld [tilespmem:s6+$0x10500];
	(pc) =	sbr.rel @p0 .LBB2_6-.Ltmp2, $4  }
0x12a: {  	v6 =	vld [tilespmem:s4+$0xC400]  }
0x12b: {  	v9 =	vadd.f32 v9, v4;
	v3 =	vld [tilespmem:s4+$0xD440];
	v10 =	vadd.f32 v8, v7  }
0x12c: {  	s7 =	sshra.s32 s25, $0x2;
	v7 =	vld [tilespmem:s4+$0xCC20]  }
0x12d: {  	s25 =	sadd.s32 $0x40, s25;
	v4 =	vld [tilespmem:s7+$0x8B20];
	v8 =	vadd.f32 v12, v9;
	v9 =	vadd.f32 v11, v10  }
0x12e: {  	v10 =	vld [tilespmem:s7+$0x9340]  }
0x12f: {  	v11 =	vld [tilespmem:s4+$0xDC60];
	v5 =	vadd.f32 v5, v9  }
0x130: {  	v47 =	vld [tilespmem:s7+$0x9B60]  }
0x131: {  	v12 =	vld [tilespmem:s4+$0xE480];
	v6 =	vadd.f32 v6, v8;
	[tilespmem:s6+$0x10D20] =	vst v5  }
0x132: {  	v5 =	vld [tilespmem:s7+$0xA380]  }
0x133: {  	v6 =	vadd.f32 v7, v6;
	v4 =	vadd.f32 v10, v4  }
0x134: {  	v48 =	vld [tilespmem:s7+$0xABA0]  }
0x135: {  	v49 =	vld [tilespmem:s4+$0xECA0];
	v3 =	vadd.f32 v3, v6;
	v4 =	vadd.f32 v47, v4  }
0x136: {  	v50 =	vld [tilespmem:s7+$0xB3C0]  }
0x137: {  	v51 =	vld [tilespmem:s4+$0xF4C0];
	v3 =	vadd.f32 v11, v3;
	v4 =	vadd.f32 v5, v4  }
0x138: {  	v52 =	vld [tilespmem:s7+$0xBBE0]  }
0x139: {  	v53 =	vld [tilespmem:s4+$0xFCE0];
	v3 =	vadd.f32 v12, v3;
	v4 =	vadd.f32 v48, v4  }
0x13a: {  	v54 =	vld [tilespmem:s7+$0xC400]  }
0x13b: {  	v55 =	vld [tilespmem:s4+$0x10500];
	v3 =	vadd.f32 v49, v3;
	v4 =	vadd.f32 v50, v4  }
0x13c: {  	v56 =	vld [tilespmem:s7+$0xCC20]  }
0x13d: {  	v3 =	vadd.f32 v51, v3;
	v4 =	vadd.f32 v52, v4  }
0x13e: {  	v57 =	vld [tilespmem:s7+$0xD440]  }
0x13f: {  	v3 =	vadd.f32 v53, v3;
	v4 =	vadd.f32 v54, v4  }
0x140: {  	v58 =	vld [tilespmem:s7+$0xDC60]  }
0x141: {  	v3 =	vadd.f32 v55, v3;
	v4 =	vadd.f32 v56, v4  }
0x142: {  	v59 =	vld [tilespmem:s7+$0xE480]  }
0x143: {  	[tilespmem:s4+$0x10D20] =	vst v3;
	v3 =	vadd.f32 v57, v4  }
0x144: {  	v60 =	vld [tilespmem:s7+$0xECA0]  }
0x145: {  	v3 =	vadd.f32 v58, v3  }
0x146: {  	v61 =	vld [tilespmem:s7+$0xF4C0]  }
0x147: {  	v3 =	vadd.f32 v59, v3  }
0x148: {  	v62 =	vld [tilespmem:s7+$0xFCE0]  }
0x149: {  	v3 =	vadd.f32 v60, v3  }
0x14a: {  	v63 =	vld [tilespmem:s7+$0x10500]  }
0x14b: {  	v3 =	vadd.f32 v61, v3;
	_ =	sdelay $0x1  }
0x14c: {  	v3 =	vadd.f32 v62, v3;
	_ =	sdelay $0x1  }
0x14d: {  	v3 =	vadd.f32 v63, v3;
	_ =	sdelay $0x1  }
0x14e: {  	s6 =	simm.s32 $0x10D20;
	[tilespmem:s7+$0x10D20] =	vst v3  }
0x14f: {  	[spmem:s18] =	stream.linear.scatter [tilespmem:s6], [sflag:$0x1], $0x820, $0x38;
	[tilespmem:$0x1AB80] =	vst v63  }
0x150: {  	_ =	swait.ge [sflag:s1], $0x820  }
0x151: {  	[sflag:s1] =	ssyncset.done $0x0  }
0x152: {  	[sflag:s1] =	ssyncadd.s32 $0xFFFFF7E0  }
0x153: {  	s7 =	simm.s32 $0x11540;
	[bflag:$0x0] =	sbarrier.arrive $0xFFFF  }
0x154: {  	[tilespmem:s7], [sflag:$0x1] =	stream.linear.gather [spmem:s19], $0x420, $0x38;
	[tilespmem:$0x1AB80] =	vst v63  }
0x155: {  	_ =	swait.ge [sflag:s1], $0x420  }
0x156: {  	[sflag:s1] =	ssyncset.done $0x0  }
0x157: {  	s8 =	simm.s32 $0x11960;
	[sflag:s1] =	ssyncadd.s32 $0xFFFFFBE0  }
0x158: {  	[tilespmem:s8], [sflag:$0x1] =	stream.linear.gather [spmem:s22], $0x400, $0x38;
	[tilespmem:$0x1AB80] =	vst v63  }
0x159: {  	_ =	swait.ge [sflag:s1], $0x400  }
0x15a: {  	[sflag:s1] =	ssyncset.done $0x0  }
0x15b: {  	[sflag:s1] =	ssyncadd.s32 $0xFFFFFC00  }
0x15c: {  	v3 =	vld [tilespmem:$0x11540]  }
0x15d: {  	v5 =	vld [tilespmem:$0x11960]  }
0x15e: {  	v7 =	vld [tilespmem:$0x11550]  }
0x15f: {  	v11 =	vld [tilespmem:$0x11970]  }
0x160: {  	v12 =	vld [tilespmem:$0x11560]  }
0x161: {  	v13 =	vld [tilespmem:$0x11980]  }
0x162: {  	v14 =	vld [tilespmem:$0x11570]  }
0x163: {  	v15 =	vld [tilespmem:$0x11990]  }
0x164: {  	v16 =	vld [tilespmem:$0x11580]  }
0x165: {  	v17 =	vld [tilespmem:$0x119A0]  }
0x166: {  	v18 =	vld [tilespmem:$0x11590]  }
0x167: {  	v19 =	vld [tilespmem:$0x119B0]  }
0x168: {  	v20 =	vld [tilespmem:$0x115A0]  }
0x169: {  	v21 =	vld [tilespmem:$0x119C0]  }
0x16a: {  	v22 =	vld [tilespmem:$0x115B0]  }
0x16b: {  	v23 =	vld [tilespmem:$0x119D0]  }
0x16c: {  	v24 =	vld [tilespmem:$0x115C0]  }
0x16d: {  	v25 =	vld [tilespmem:$0x119E0]  }
0x16e: {  	v26 =	vld [tilespmem:$0x115D0]  }
0x16f: {  	v27 =	vld [tilespmem:$0x119F0]  }
0x170: {  	v28 =	vld [tilespmem:$0x115E0]  }
0x171: {  	v29 =	vld [tilespmem:$0x11A00]  }
0x172: {  	v30 =	vld [tilespmem:$0x115F0]  }
0x173: {  	v31 =	vld [tilespmem:$0x11A10]  }
0x174: {  	v32 =	vld [tilespmem:$0x11600]  }
0x175: {  	v33 =	vld [tilespmem:$0x11A20]  }
0x176: {  	v34 =	vld [tilespmem:$0x11610]  }
0x177: {  	v35 =	vld [tilespmem:$0x11A30]  }
0x178: {  	v36 =	vld [tilespmem:$0x11620]  }
0x179: {  	v37 =	vld [tilespmem:$0x11A40]  }
0x17a: {  	v38 =	vld [tilespmem:$0x11630]  }
0x17b: {  	v39 =	vld [tilespmem:$0x11A50]  }
0x17c: {  	v40 =	vld [tilespmem:$0x11640]  }
0x17d: {  	v41 =	vld [tilespmem:$0x11A60]  }
0x17e: {  	v42 =	vld [tilespmem:$0x11650]  }
0x17f: {  	v43 =	vld [tilespmem:$0x11A70]  }
0x180: {  	v44 =	vld [tilespmem:$0x11660]  }
0x181: {  	v45 =	vld [tilespmem:$0x11A80]  }
0x182: {  	v46 =	vld [tilespmem:$0x11670]  }
0x183: {  	v47 =	vld [tilespmem:$0x11A90]  }
0x184: {  	v48 =	vld [tilespmem:$0x11680]  }
0x185: {  	v49 =	vld [tilespmem:$0x11AA0]  }
0x186: {  	v50 =	vld [tilespmem:$0x11690]  }
0x187: {  	v51 =	vld [tilespmem:$0x11AB0]  }
0x188: {  	v52 =	vld [tilespmem:$0x116A0]  }
0x189: {  	v4 =	vld [tilespmem:$0x11B50]  }
0x18a: {  	v53 =	vld [tilespmem:$0x11AC0]  }
0x18b: {  	v54 =	vld [tilespmem:$0x116B0]  }
0x18c: {  	v55 =	vld [tilespmem:$0x11AD0]  }
0x18d: {  	v56 =	vld [tilespmem:$0x116C0]  }
0x18e: {  	[tilespmem:$0x1FFC0] =	vst v4;
	v4 =	vld [tilespmem:$0x11740]  }
0x18f: {  	v57 =	vld [tilespmem:$0x11AE0]  }
0x190: {  	v58 =	vld [tilespmem:$0x116D0]  }
0x191: {  	v59 =	vld [tilespmem:$0x11AF0]  }
0x192: {  	v60 =	vld [tilespmem:$0x116E0]  }
0x193: {  	[tilespmem:$0x1FFB0] =	vst v4;
	v4 =	vld [tilespmem:$0x11B60]  }
0x194: {  	v61 =	vld [tilespmem:$0x11B00]  }
0x195: {  	v62 =	vld [tilespmem:$0x116F0]  }
0x196: {  	v63 =	vld [tilespmem:$0x11B10]  }
0x197: {  	v8 =	vld [tilespmem:$0x11B20]  }
0x198: {  	[tilespmem:$0x1FFE0] =	vst v4;
	v4 =	vld [tilespmem:$0x11750]  }
0x199: {  	v9 =	vld [tilespmem:$0x11B30]  }
0x19a: {  	v10 =	vld [tilespmem:$0x11B40]  }
0x19b: {  	v6 =	vld [tilespmem:$0x11700]  }
0x19c: {  	[tilespmem:$0x1FF80] =	vst v8;
	v8 =	vld [tilespmem:$0x11710]  }
0x19d: {  	v3 =	vadd.f32 $0.0e+00, v3;
	[tilespmem:$0x1FFD0] =	vst v4;
	v4 =	vld [tilespmem:$0x11B70]  }
0x19e: {  	[tilespmem:$0x1FF90] =	vst v9;
	v9 =	vld [tilespmem:$0x11720]  }
0x19f: {  	[tilespmem:$0x1FFA0] =	vst v10;
	v10 =	vld [tilespmem:$0x11730];
	v5 =	vadd.f32 v5, v3;
	v3 =	vadd.f32 v12, v3  }
0x1a0: {  	v12 =	vld [tilespmem:$0x11B80]  }
0x1a1: {  	[tilespmem:$0x11D60] =	vst v5;
	v5 =	vadd.f32 v13, v3;
	v13 =	vadd.f32 v16, v3;
	v3 =	vld [tilespmem:$0x11B90]  }
0x1a2: {  	v16 =	vld [tilespmem:$0x11BA0];
	[tilespmem:$0x1FFF0] =	vst v4;
	v4 =	vadd.f32 $0.0e+00, v7  }
0x1a3: {  	[tilespmem:$0x11D80] =	vst v5;
	v5 =	vadd.f32 v17, v13;
	v13 =	vadd.f32 v20, v13;
	v17 =	vld [tilespmem:$0x11790]  }
0x1a4: {  	v20 =	vld [tilespmem:$0x11BC0];
	v11 =	vadd.f32 v11, v4;
	v4 =	vadd.f32 v14, v4  }
0x1a5: {  	v7 =	vld [tilespmem:$0x11760]  }
0x1a6: {  	v14 =	vld [tilespmem:$0x11770];
	[tilespmem:$0x11D70] =	vst v11;
	v11 =	vadd.f32 v15, v4;
	v4 =	vadd.f32 v18, v4  }
0x1a7: {  	v15 =	vld [tilespmem:$0x11780]  }
0x1a8: {  	v18 =	vld [tilespmem:$0x11BB0];
	[tilespmem:$0x11D90] =	vst v11;
	v11 =	vadd.f32 v19, v4  }
0x1a9: {  	v4 =	vadd.f32 v22, v4;
	v22 =	vadd.f32 v21, v13;
	v19 =	vld [tilespmem:$0x117A0]  }
0x1aa: {  	v21 =	vld [tilespmem:$0x117B0]  }
0x1ab: {  	v13 =	vadd.f32 v24, v13;
	[tilespmem:$0x11DC0] =	vst v22;
	v22 =	vld [tilespmem:$0x11BD0]  }
0x1ac: {  	v24 =	vadd.f32 v23, v4;
	v23 =	vld [tilespmem:$0x117C0]  }
0x1ad: {  	v4 =	vadd.f32 v26, v4;
	v26 =	vadd.f32 v25, v13;
	v25 =	vld [tilespmem:$0x117D0]  }
0x1ae: {  	[tilespmem:$0x11DD0] =	vst v24;
	v24 =	vld [tilespmem:$0x11BE0]  }
0x1af: {  	v13 =	vadd.f32 v28, v13;
	[tilespmem:$0x11DE0] =	vst v26;
	v26 =	vld [tilespmem:$0x11BF0]  }
0x1b0: {  	v28 =	vadd.f32 v27, v4;
	v27 =	vld [tilespmem:$0x117E0]  }
0x1b1: {  	v4 =	vadd.f32 v30, v4;
	v30 =	vadd.f32 v29, v13;
	v29 =	vld [tilespmem:$0x117F0]  }
0x1b2: {  	[tilespmem:$0x11DF0] =	vst v28;
	v28 =	vld [tilespmem:$0x11C00]  }
0x1b3: {  	v13 =	vadd.f32 v32, v13;
	[tilespmem:$0x11E00] =	vst v30;
	v30 =	vld [tilespmem:$0x11C10]  }
0x1b4: {  	[tilespmem:$0x11DA0] =	vst v5;
	v32 =	vadd.f32 v31, v4;
	v4 =	vadd.f32 v34, v4;
	v31 =	vld [tilespmem:$0x11800]  }
0x1b5: {  	[tilespmem:$0x11DB0] =	vst v11;
	v34 =	vadd.f32 v33, v13;
	v13 =	vadd.f32 v36, v13;
	v33 =	vld [tilespmem:$0x11810]  }
0x1b6: {  	[tilespmem:$0x11E10] =	vst v32;
	v36 =	vadd.f32 v35, v4;
	v4 =	vadd.f32 v38, v4;
	v32 =	vld [tilespmem:$0x11C20]  }
0x1b7: {  	[tilespmem:$0x11E20] =	vst v34;
	v38 =	vadd.f32 v37, v13;
	v13 =	vadd.f32 v40, v13;
	v34 =	vld [tilespmem:$0x11C30]  }
0x1b8: {  	v35 =	vld [tilespmem:$0x11820];
	[tilespmem:$0x11E30] =	vst v36;
	v40 =	vadd.f32 v39, v4;
	v4 =	vadd.f32 v42, v4  }
0x1b9: {  	v37 =	vld [tilespmem:$0x11830];
	[tilespmem:$0x11E40] =	vst v38;
	v42 =	vadd.f32 v41, v13;
	v13 =	vadd.f32 v44, v13  }
0x1ba: {  	v36 =	vld [tilespmem:$0x11C40];
	[tilespmem:$0x11E50] =	vst v40;
	v44 =	vadd.f32 v43, v4;
	v4 =	vadd.f32 v46, v4  }
0x1bb: {  	v41 =	vld [tilespmem:$0x1FF80];
	[tilespmem:$0x11E60] =	vst v42;
	v46 =	vadd.f32 v45, v13;
	v13 =	vadd.f32 v48, v13  }
0x1bc: {  	v38 =	vld [tilespmem:$0x11C70];
	[tilespmem:$0x11E70] =	vst v44;
	v48 =	vadd.f32 v47, v4;
	v4 =	vadd.f32 v50, v4  }
0x1bd: {  	v42 =	vld [tilespmem:$0x1FF90];
	[tilespmem:$0x11E80] =	vst v46;
	v50 =	vadd.f32 v49, v13;
	v13 =	vadd.f32 v52, v13  }
0x1be: {  	v43 =	vld [tilespmem:$0x1FFA0];
	[tilespmem:$0x11E90] =	vst v48;
	v52 =	vadd.f32 v51, v4;
	v4 =	vadd.f32 v54, v4  }
0x1bf: {  	v45 =	vld [tilespmem:$0x1FFC0];
	[tilespmem:$0x11EA0] =	vst v50;
	v54 =	vadd.f32 v53, v13;
	v13 =	vadd.f32 v56, v13  }
0x1c0: {  	v44 =	vld [tilespmem:$0x1FFB0];
	[tilespmem:$0x11EB0] =	vst v52;
	v56 =	vadd.f32 v55, v4;
	v4 =	vadd.f32 v58, v4  }
0x1c1: {  	v46 =	vld [tilespmem:$0x1FFD0];
	[tilespmem:$0x11EC0] =	vst v54;
	v58 =	vadd.f32 v57, v13;
	v13 =	vadd.f32 v60, v13  }
0x1c2: {  	v47 =	vld [tilespmem:$0x11860];
	[tilespmem:$0x11ED0] =	vst v56;
	v60 =	vadd.f32 v59, v4;
	v4 =	vadd.f32 v62, v4  }
0x1c3: {  	v49 =	vld [tilespmem:$0x11C80];
	[tilespmem:$0x11EE0] =	vst v58;
	v39 =	vadd.f32 v61, v13;
	v6 =	vadd.f32 v6, v13  }
0x1c4: {  	v48 =	vld [tilespmem:$0x1FFE0];
	[tilespmem:$0x11EF0] =	vst v60;
	v40 =	vadd.f32 v63, v4;
	v4 =	vadd.f32 v8, v4  }
0x1c5: {  	v50 =	vld [tilespmem:$0x1FFF0];
	[tilespmem:$0x11F00] =	vst v39;
	v5 =	vadd.f32 v41, v6;
	v6 =	vadd.f32 v9, v6  }
0x1c6: {  	v51 =	vld [tilespmem:$0x11870];
	[tilespmem:$0x11F10] =	vst v40;
	v11 =	vadd.f32 v42, v4;
	v4 =	vadd.f32 v10, v4  }
0x1c7: {  	v53 =	vld [tilespmem:$0x11C90];
	[tilespmem:$0x11F20] =	vst v5;
	v5 =	vadd.f32 v43, v6;
	v6 =	vadd.f32 v44, v6  }
0x1c8: {  	v54 =	vld [tilespmem:$0x11880];
	[tilespmem:$0x11F30] =	vst v11;
	v11 =	vadd.f32 v45, v4;
	v4 =	vadd.f32 v46, v4  }
0x1c9: {  	v57 =	vld [tilespmem:$0x11890];
	[tilespmem:$0x11F40] =	vst v5;
	v5 =	vadd.f32 v48, v6;
	v6 =	vadd.f32 v7, v6  }
0x1ca: {  	v13 =	vld [tilespmem:$0x11C50];
	[tilespmem:$0x11F50] =	vst v11;
	v11 =	vadd.f32 v50, v4;
	v4 =	vadd.f32 v14, v4  }
0x1cb: {  	v56 =	vld [tilespmem:$0x11CA0];
	[tilespmem:$0x11F60] =	vst v5;
	v52 =	vadd.f32 v12, v6;
	v6 =	vadd.f32 v15, v6  }
0x1cc: {  	v59 =	vld [tilespmem:$0x11CB0];
	[tilespmem:$0x11F70] =	vst v11;
	v3 =	vadd.f32 v3, v4;
	v4 =	vadd.f32 v17, v4  }
0x1cd: {  	v62 =	vld [tilespmem:$0x11CC0];
	[tilespmem:$0x11F80] =	vst v52;
	v55 =	vadd.f32 v16, v6;
	v6 =	vadd.f32 v19, v6  }
0x1ce: {  	v8 =	vld [tilespmem:$0x11840];
	[tilespmem:$0x11F90] =	vst v3;
	v3 =	vadd.f32 v18, v4;
	v4 =	vadd.f32 v21, v4  }
0x1cf: {  	v9 =	vld [tilespmem:$0x11C60];
	[tilespmem:$0x11FA0] =	vst v55;
	v58 =	vadd.f32 v20, v6;
	v6 =	vadd.f32 v23, v6  }
0x1d0: {  	v60 =	vld [tilespmem:$0x118A0];
	[tilespmem:$0x11FB0] =	vst v3;
	v3 =	vadd.f32 v22, v4;
	v4 =	vadd.f32 v25, v4  }
0x1d1: {  	v63 =	vld [tilespmem:$0x118B0];
	[tilespmem:$0x11FC0] =	vst v58;
	v61 =	vadd.f32 v24, v6;
	v6 =	vadd.f32 v27, v6  }
0x1d2: {  	v41 =	vld [tilespmem:$0x118D0];
	[tilespmem:$0x11FD0] =	vst v3;
	v3 =	vadd.f32 v26, v4;
	v4 =	vadd.f32 v29, v4  }
0x1d3: {  	v10 =	vld [tilespmem:$0x11850];
	[tilespmem:$0x11FE0] =	vst v61;
	v28 =	vadd.f32 v28, v6;
	v6 =	vadd.f32 v31, v6  }
0x1d4: {  	v40 =	vld [tilespmem:$0x11CE0];
	[tilespmem:$0x11FF0] =	vst v3;
	v3 =	vadd.f32 v30, v4;
	v4 =	vadd.f32 v33, v4  }
0x1d5: {  	v43 =	vld [tilespmem:$0x11CF0];
	[tilespmem:$0x12000] =	vst v28;
	v33 =	vadd.f32 v32, v6;
	v6 =	vadd.f32 v35, v6  }
0x1d6: {  	v44 =	vld [tilespmem:$0x118E0];
	[tilespmem:$0x12010] =	vst v3;
	v3 =	vadd.f32 v34, v4;
	v4 =	vadd.f32 v37, v4  }
0x1d7: {  	v46 =	vld [tilespmem:$0x11D00];
	[tilespmem:$0x12020] =	vst v33;
	v42 =	vadd.f32 v36, v6;
	v6 =	vadd.f32 v8, v6  }
0x1d8: {  	v50 =	vld [tilespmem:$0x11900];
	[tilespmem:$0x12030] =	vst v3;
	v3 =	vadd.f32 v13, v4;
	v4 =	vadd.f32 v10, v4  }
0x1d9: {  	v52 =	vld [tilespmem:$0x11D20];
	[tilespmem:$0x12040] =	vst v42;
	v45 =	vadd.f32 v9, v6;
	v6 =	vadd.f32 v47, v6  }
0x1da: {  	v31 =	vld [tilespmem:$0x118C0];
	[tilespmem:$0x12050] =	vst v3;
	v3 =	vadd.f32 v38, v4;
	v4 =	vadd.f32 v51, v4  }
0x1db: {  	v29 =	vld [tilespmem:$0x11CD0];
	[tilespmem:$0x12060] =	vst v45;
	v48 =	vadd.f32 v49, v6;
	v6 =	vadd.f32 v54, v6  }
0x1dc: {  	v55 =	vld [tilespmem:$0x11D30];
	[tilespmem:$0x12070] =	vst v3;
	v3 =	vadd.f32 v53, v4;
	v4 =	vadd.f32 v57, v4  }
0x1dd: {  	v47 =	vld [tilespmem:$0x118F0];
	[tilespmem:$0x12080] =	vst v48;
	v51 =	vadd.f32 v56, v6;
	v6 =	vadd.f32 v60, v6  }
0x1de: {  	v49 =	vld [tilespmem:$0x11D10];
	[tilespmem:$0x12090] =	vst v3;
	v3 =	vadd.f32 v59, v4;
	v4 =	vadd.f32 v63, v4  }
0x1df: {  	v53 =	vld [tilespmem:$0x11910];
	[tilespmem:$0x120A0] =	vst v51;
	v54 =	vadd.f32 v62, v6;
	v6 =	vadd.f32 v31, v6  }
0x1e0: {  	v56 =	vld [tilespmem:$0x11920];
	[tilespmem:$0x120B0] =	vst v3;
	v3 =	vadd.f32 v29, v4;
	v4 =	vadd.f32 v41, v4  }
0x1e1: {  	v58 =	vld [tilespmem:$0x11930];
	[tilespmem:$0x120C0] =	vst v54;
	v57 =	vadd.f32 v40, v6;
	v6 =	vadd.f32 v44, v6  }
0x1e2: {  	v59 =	vld [tilespmem:$0x11D40];
	[tilespmem:$0x120D0] =	vst v3;
	v3 =	vadd.f32 v43, v4;
	v4 =	vadd.f32 v47, v4  }
0x1e3: {  	v61 =	vld [tilespmem:$0x11D50];
	[tilespmem:$0x120E0] =	vst v57;
	v60 =	vadd.f32 v46, v6;
	v6 =	vadd.f32 v50, v6  }
0x1e4: {  	[tilespmem:$0x120F0] =	vst v3;
	v3 =	vadd.f32 v49, v4;
	v4 =	vadd.f32 v53, v4  }
0x1e5: {  	[tilespmem:$0x12100] =	vst v60;
	v62 =	vadd.f32 v52, v6;
	v6 =	vadd.f32 v56, v6  }
0x1e6: {  	[tilespmem:$0x12110] =	vst v3;
	v3 =	vadd.f32 v55, v4;
	v4 =	vadd.f32 v58, v4  }
0x1e7: {  	[tilespmem:$0x12120] =	vst v62;
	v63 =	vadd.f32 v59, v6  }
0x1e8: {  	s3 =	sadd.s32 $0x1, s3;
	[tilespmem:$0x12130] =	vst v3;
	v3 =	vadd.f32 v61, v4  }
0x1e9: {  	p0 =	sne.s32 s3, s24;
	[tilespmem:$0x12140] =	vst v63  }
.Ltmp3:
0x1ea: {  	s25 =	simm.s32 $0x11D60;
	[tilespmem:$0x12150] =	vst v3;
	(pc) =	sbr.rel @p0 .LBB2_1-.Ltmp3, $4  }
0x1eb: {  	[hbm4b:s23+s2] =	stream.linear.scatter [tilespmem:s25], [sflag:$0x1], $0x400, $0x38;
	[tilespmem:$0x1AB80] =	vst v63  }
0x1ec: {  	_ =	swait.ge [sflag:s1], $0x400  }
0x1ed: {  	[sflag:s1] =	ssyncset.done $0x0  }
0x1ee: {  	[sflag:s1] =	ssyncadd.s32 $0xFFFFFC00  }
0x1ef: {  	_ =	sfence.sel $0x180000  }
0x1f0: {  	[bflag:$0x0] =	sbarrier.arrive $0xFFFF  }
0x1f1: {  	_ =	strace $0x90000047  }
0x1f2: {  	s0 =	stileid.u32;
	[bflag:$0x2] =	sbarrier.arrive $0xFFFF  }
0x1f3: {  	p0 =	sne.s32 s0, $0x0;
	s0 =	rddreg [dreg:$0x4]  }
0x1f4: {  	s0 =	sadd.s32 @!p0 $0x100000, s0  }
0x1f5: {  	[sflag:s0] =	ssyncadd.tile.s32 @!p0 $0x1;
	_ =	shalt  }
.Lfunc_end2:
_tile_overlayer_lowered:
.L_overlay_start_2:
0x1f6: {  	(tag) =	ssettag $0x2  }
0x1f7: {  	s0 =	rddreg [dreg:$0x0];
	s2 =	stileid.u32  }
0x1f8: {  	s1 =	rddreg [dreg:$0x1];
	p0 =	sne.s32 s2, $0x0  }
0x1f9: {  	s3 =	rddreg [dreg:$0x2];
	[bflag:$0x3] =	sbarrier.arrive $0xFFFF;
	s2 =	simm.s32 @!p0 $0x1C01  }
0x1fa: {  	[timem:s3], [sflag:s2] =	dma.local @!p0 [hbm:s0], s1  }
0x1fb: {  	s0 =	simm.s32 @!p0 $0x1  }
0x1fc: {  	_ =	swait.ge @!p0 [sflag:s0], s1  }
0x1fd: {  	s1 =	ssub.s32 @!p0 $0x0, s1;
	[sflag:s0] =	ssyncset.done @!p0 $0x0  }
0x1fe: {  	[sflag:s0] =	ssyncadd.s32 @!p0 s1  }
0x1ff: {  	[bflag:$0x3] =	sbarrier.arrive $0xFFFF  }
0x200: {  	_ =	shalt  }

</sc_bundles>
